<compile_context>
chip_gen: v7x
topology: tpu7x:2x2x1
jax: 0.10.2.dev20260603
libtpu: 0.0.44.dev20260713+nightly
codegen_flags: <defaults>
</compile_context>

<pallas_src>
import jax
import jax.numpy as jnp
from jax import lax
from jax.experimental import pallas as pl
from jax.experimental.pallas import tpu as pltpu
from jax.experimental.pallas import tpu_sc as plsc

DIM = 128
NT = 16
K = 80
HB = 640
HW = 16


def _s1_body(eidx_hbm, vei_hbm, cei_hbm, ones_hbm, zcol_hbm,
             xv_out, xc_out, degv_out, degc_out,
             eidx_v, xvb, xcb, ones_v, zcol_v, histv, histc,
             sem_a, sem_b):
  cid = lax.axis_index("c")
  t = lax.axis_index("s")
  ch = eidx_hbm.shape[2]
  pltpu.sync_copy(ones_hbm, ones_v)
  pltpu.sync_copy(zcol_hbm, zcol_v)
  pltpu.sync_copy(zcol_v, histv.at[pl.ds(t * HB, HB)])
  pltpu.sync_copy(zcol_v, histc.at[pl.ds(t * HB, HB)])
  plsc.subcore_barrier()
  pltpu.sync_copy(eidx_hbm.at[cid, t], eidx_v)

  def issue(i, sem):
    pltpu.async_copy(vei_hbm.at[eidx_v.at[i]], xvb.at[i], sem)
    pltpu.async_copy(cei_hbm.at[eidx_v.at[i]], xcb.at[i], sem)

  def drain(i, sem):
    pltpu.make_async_copy(vei_hbm.at[eidx_v.at[i]], xvb.at[i], sem).wait()
    pltpu.make_async_copy(cei_hbm.at[eidx_v.at[i]], xcb.at[i], sem).wait()

  def hist(i):
    pltpu.sync_copy(ones_v, histv.at[xvb.at[i]], add=True)
    pltpu.sync_copy(ones_v, histc.at[xcb.at[i]], add=True)

  issue(0, sem_a)

  def pair(p, carry):
    i = 2 * p
    drain(i, sem_a)
    issue(i + 1, sem_b)
    hist(i)
    drain(i + 1, sem_b)

    @pl.when(i + 2 < ch)
    def _():
      issue(i + 2, sem_a)

    hist(i + 1)
    return carry

  lax.fori_loop(0, ch // 2, pair, 0)
  if ch % 2 == 1:
    drain(ch - 1, sem_a)
    hist(ch - 1)
  pltpu.sync_copy(xvb, xv_out.at[cid, t])
  pltpu.sync_copy(xcb, xc_out.at[cid, t])
  plsc.subcore_barrier()
  pltpu.sync_copy(histv.at[pl.ds(t * HB, HB)], degv_out.at[cid, pl.ds(t * HB, HB)])
  pltpu.sync_copy(histc.at[pl.ds(t * HB, HB)], degc_out.at[cid, pl.ds(t * HB, HB)])


def _edge_setup(p_ei, n_ei, v_ei, c_ei, nv, nc):
  ep = p_ei.shape[0]
  k1 = 125
  ch1 = ep // (NT * k1)
  hpad = NT * HB
  eidx = jnp.stack([p_ei, n_ei]).reshape(2, NT, ch1, k1)
  ones = jnp.ones((k1, HW), jnp.float32)
  zcol = jnp.zeros((HB, HW), jnp.float32)
  s1 = pl.kernel(
      _s1_body,
      out_type=(
          jax.ShapeDtypeStruct((2, NT, ch1, k1), jnp.int32),
          jax.ShapeDtypeStruct((2, NT, ch1, k1), jnp.int32),
          jax.ShapeDtypeStruct((2, hpad, HW), jnp.float32),
          jax.ShapeDtypeStruct((2, hpad, HW), jnp.float32),
      ),
      mesh=plsc.VectorSubcoreMesh(core_axis_name="c", subcore_axis_name="s"),
      compiler_params=pltpu.CompilerParams(use_tc_tiling_on_sc=False),
      scratch_types=[
          pltpu.VMEM((ch1, k1), jnp.int32),
          pltpu.VMEM((ch1, k1), jnp.int32),
          pltpu.VMEM((ch1, k1), jnp.int32),
          pltpu.VMEM((k1, HW), jnp.float32),
          pltpu.VMEM((HB, HW), jnp.float32),
          pltpu.VMEM_SHARED((hpad, HW), jnp.float32),
          pltpu.VMEM_SHARED((hpad, HW), jnp.float32),
          pltpu.SemaphoreType.DMA,
          pltpu.SemaphoreType.DMA,
      ],
  )
  xv, xc, degv, degc = s1(eidx, v_ei, c_ei, ones, zcol)
  ch = ep // (NT * K)
  xv = xv.reshape(2, NT, ch, K)
  xc = xc.reshape(2, NT, ch, K)
  return xv, xc, degv[:, :nv, 0:1], degc[:, :nc, 0:1]


def _s2_body(mv_hbm, mc_hbm, xv_hbm, xc_hbm, zacc_hbm,
             accc_out, accv_out,
             xvb, xcb, offb, rows_a, rows_b, acc, sem_a, sem_b):
  cid = lax.axis_index("c")
  t = lax.axis_index("s")
  ch = xv_hbm.shape[2]
  n_rows = acc.shape[0]
  rpt = n_rows // NT
  pltpu.sync_copy(xv_hbm.at[cid, t], xvb)
  pltpu.sync_copy(xc_hbm.at[cid, t], xcb)

  def phase(gsrc_hbm, gidx, sidx, out_hbm, goff):
    def mkoff(i, slot):
      for j in range(K // 16):
        offb[slot, pl.ds(j * 16, 16)] = gidx[i, pl.ds(j * 16, 16)] + goff

    pltpu.sync_copy(zacc_hbm, acc.at[pl.ds(t * rpt, rpt)])
    plsc.subcore_barrier()

    mkoff(0, 0)
    pltpu.async_copy(gsrc_hbm.at[offb.at[0]], rows_a, sem_a)

    def pair(p, carry):
      i = 2 * p
      pltpu.make_async_copy(gsrc_hbm.at[offb.at[0]], rows_a, sem_a).wait()
      mkoff(i + 1, 1)
      pltpu.async_copy(gsrc_hbm.at[offb.at[1]], rows_b, sem_b)
      pltpu.sync_copy(rows_a, acc.at[sidx.at[i]], add=True)
      pltpu.make_async_copy(gsrc_hbm.at[offb.at[1]], rows_b, sem_b).wait()

      @pl.when(i + 2 < ch)
      def _():
        mkoff(i + 2, 0)
        pltpu.async_copy(gsrc_hbm.at[offb.at[0]], rows_a, sem_a)

      pltpu.sync_copy(rows_b, acc.at[sidx.at[i + 1]], add=True)
      return carry

    lax.fori_loop(0, ch // 2, pair, 0)
    if ch % 2 == 1:
      pltpu.make_async_copy(gsrc_hbm.at[offb.at[0]], rows_a, sem_a).wait()
      pltpu.sync_copy(rows_a, acc.at[sidx.at[ch - 1]], add=True)
    plsc.subcore_barrier()
    pltpu.sync_copy(acc.at[pl.ds(t * rpt, rpt)],
                    out_hbm.at[cid, pl.ds(t * rpt, rpt)])
    plsc.subcore_barrier()

  phase(mv_hbm, xvb, xcb, accc_out, cid * (mv_hbm.shape[0] // 2))
  phase(mc_hbm, xcb, xvb, accv_out, cid * (mc_hbm.shape[0] // 2))


def _aggregate(mv, mc, xv, xc, nv, nc):
  ch = xv.shape[2]
  npad = NT * ((max(nv, nc) + NT * 8 - 1) // (NT * 8)) * 8
  zacc = jnp.zeros((npad // NT, DIM), jnp.bfloat16)
  s2 = pl.kernel(
      _s2_body,
      out_type=(
          jax.ShapeDtypeStruct((2, npad, DIM), jnp.bfloat16),
          jax.ShapeDtypeStruct((2, npad, DIM), jnp.bfloat16),
      ),
      mesh=plsc.VectorSubcoreMesh(core_axis_name="c", subcore_axis_name="s"),
      compiler_params=pltpu.CompilerParams(use_tc_tiling_on_sc=False),
      scratch_types=[
          pltpu.VMEM((ch, K), jnp.int32),
          pltpu.VMEM((ch, K), jnp.int32),
          pltpu.VMEM((2, K), jnp.int32),
          pltpu.VMEM((K, DIM), jnp.bfloat16),
          pltpu.VMEM((K, DIM), jnp.bfloat16),
          pltpu.VMEM_SHARED((npad, DIM), jnp.bfloat16),
          pltpu.SemaphoreType.DMA,
          pltpu.SemaphoreType.DMA,
      ],
  )
  acc_c, acc_v = s2(mv, mc, xv, xc, zacc)
  return acc_c[:, :nc], acc_v[:, :nv]


def _mlp2_body(x_ref, w1_ref, b1_ref, w2_ref, b2_ref, deg_ref, out_ref):
  x = x_ref[...]
  h = jnp.maximum(
      jnp.dot(x, w1_ref[0], preferred_element_type=jnp.float32) + b1_ref[0], 0.0)
  y = jnp.dot(h, w2_ref[0], preferred_element_type=jnp.float32) + b2_ref[0]
  s = 1.0 / jnp.sqrt(jnp.maximum(deg_ref[0], 1.0))
  out_ref[0] = (y * s).astype(jnp.bfloat16)


def _messages(x, wp, wn, degs):
  n = x.shape[0]
  b = 1000
  nb = n // b
  w1s = jnp.stack([wp["W1"], wn["W1"]])
  b1s = jnp.stack([wp["b1"], wn["b1"]]).reshape(2, 1, DIM)
  w2s = jnp.stack([wp["W2"], wn["W2"]])
  b2s = jnp.stack([wp["b2"], wn["b2"]]).reshape(2, 1, DIM)
  out = pl.pallas_call(
      _mlp2_body,
      grid=(2, nb),
      in_specs=[
          pl.BlockSpec((b, DIM), lambda p, j: (j, 0)),
          pl.BlockSpec((1, DIM, DIM), lambda p, j: (p, 0, 0)),
          pl.BlockSpec((1, 1, DIM), lambda p, j: (p, 0, 0)),
          pl.BlockSpec((1, DIM, DIM), lambda p, j: (p, 0, 0)),
          pl.BlockSpec((1, 1, DIM), lambda p, j: (p, 0, 0)),
          pl.BlockSpec((1, b, 1), lambda p, j: (p, j, 0)),
      ],
      out_specs=pl.BlockSpec((1, b, DIM), lambda p, j: (p, j, 0)),
      out_shape=jax.ShapeDtypeStruct((2, n, DIM), jnp.bfloat16),
  )(x, w1s, b1s, w2s, b2s, degs)
  return out.reshape(2 * n, DIM)


def _upd_body(x_ref, a_ref, deg_ref, w_ref, b_ref, out_ref):
  sp = 1.0 / jnp.sqrt(jnp.maximum(deg_ref[0], 1.0))
  sn = 1.0 / jnp.sqrt(jnp.maximum(deg_ref[1], 1.0))
  w = w_ref[...]
  y = jnp.dot(x_ref[...], w[0:DIM], preferred_element_type=jnp.float32)
  y = y + jnp.dot(a_ref[0].astype(jnp.float32) * sp, w[DIM:2 * DIM],
                  preferred_element_type=jnp.float32)
  y = y + jnp.dot(a_ref[1].astype(jnp.float32) * sn, w[2 * DIM:3 * DIM],
                  preferred_element_type=jnp.float32)
  out_ref[...] = y + b_ref[...]


def _update(x, a, degs, w, bias):
  n = x.shape[0]
  b = 1000
  nb = n // b
  return pl.pallas_call(
      _upd_body,
      grid=(nb,),
      in_specs=[
          pl.BlockSpec((b, DIM), lambda j: (j, 0)),
          pl.BlockSpec((2, b, DIM), lambda j: (0, j, 0)),
          pl.BlockSpec((2, b, 1), lambda j: (0, j, 0)),
          pl.BlockSpec((3 * DIM, DIM), lambda j: (0, 0)),
          pl.BlockSpec((1, DIM), lambda j: (0, 0)),
      ],
      out_specs=pl.BlockSpec((b, DIM), lambda j: (j, 0)),
      out_shape=jax.ShapeDtypeStruct((n, DIM), jnp.float32),
  )(x, a, degs, w, bias.reshape(1, DIM))


def kernel(v_size, c_size, v_edge_index, c_edge_index, p_edge_index,
           n_edge_index, v_emb, c_emb, params):
  nv = v_emb.shape[0]
  nc = c_emb.shape[0]
  xv, xc, degv, degc = _edge_setup(p_edge_index, n_edge_index,
                                   v_edge_index, c_edge_index, nv, nc)
  v_embs = [v_emb]
  c_embs = [c_emb]
  for _ in range(2):
    mv = _messages(v_emb, params["p_v2c"], params["n_v2c"], degv)
    mc = _messages(c_emb, params["p_c2v"], params["n_c2v"], degc)
    acc_c, acc_v = _aggregate(mv, mc, xv, xc, nv, nc)
    c_emb = _update(c_emb, acc_c, degc, params["c_up_W"], params["c_up_b"])
    c_embs.append(c_emb)
    v_emb = _update(v_emb, acc_v, degv, params["v_up_W"], params["v_up_b"])
    v_embs.append(v_emb)
  return jnp.stack(v_embs), jnp.stack(c_embs)

# --- scband reference (transcript-rebuilt; emitter-appended) ---
"""Pipeline reference for scband-gcn-vcg-42047729827850 (READ-ONLY COPY).

The authoritative reference and input builder live on the scoring server;
editing this copy changes nothing except your own understanding.
"""

import jax, jax.numpy as jnp
import numpy as np

DIM = 128
V = 10000
C = 10000
E = 320000
EP = 160000
EN = 160000
NITER = 2


def _mlp_params(key, d):
    k1, k2 = jax.random.split(key)
    s = 1.0 / np.sqrt(d)
    return {
        "W1": jax.random.normal(k1, (d, d), jnp.float32) * s,
        "b1": jnp.zeros((d,), jnp.float32),
        "W2": jax.random.normal(k2, (d, d), jnp.float32) * s,
        "b2": jnp.zeros((d,), jnp.float32),
    }


def setup_inputs(seed: int = 0) -> dict:
    key = jax.random.key(seed)
    ks = jax.random.split(key, 12)
    params = {
        "p_v2c": _mlp_params(ks[0], DIM),
        "n_v2c": _mlp_params(ks[1], DIM),
        "p_c2v": _mlp_params(ks[2], DIM),
        "n_c2v": _mlp_params(ks[3], DIM),
        "c_up_W": jax.random.normal(ks[4], (3 * DIM, DIM), jnp.float32) / np.sqrt(3 * DIM),
        "c_up_b": jnp.zeros((DIM,), jnp.float32),
        "v_up_W": jax.random.normal(ks[5], (3 * DIM, DIM), jnp.float32) / np.sqrt(3 * DIM),
        "v_up_b": jnp.zeros((DIM,), jnp.float32),
    }
    return {
        "v_size": V,
        "c_size": C,
        "v_edge_index": jax.random.randint(ks[6], (E,), 0, V, dtype=jnp.int32),
        "c_edge_index": jax.random.randint(ks[7], (E,), 0, C, dtype=jnp.int32),
        "p_edge_index": jax.random.randint(ks[8], (EP,), 0, E, dtype=jnp.int32),
        "n_edge_index": jax.random.randint(ks[9], (EN,), 0, E, dtype=jnp.int32),
        "v_emb": jax.random.normal(ks[10], (V, DIM), jnp.float32),
        "c_emb": jax.random.normal(ks[11], (C, DIM), jnp.float32),
        "params": params,
    }


def _mlp(p, x):
    h = jnp.maximum(x @ p["W1"] + p["b1"], 0.0)
    return h @ p["W2"] + p["b2"]


def _forward(params, v_emb, c_emb, v_ei, c_ei, p_ei, n_ei, v_size, c_size):
    pv = v_ei[p_ei]
    pc = c_ei[p_ei]
    nv = v_ei[n_ei]
    nc = c_ei[n_ei]
    p_v_deg = jax.ops.segment_sum(jnp.ones((pv.shape[0], 1), jnp.float32), pv, num_segments=v_size)
    p_v_deg = jnp.where(p_v_deg < 1, 1.0, p_v_deg)
    n_v_deg = jax.ops.segment_sum(jnp.ones((nv.shape[0], 1), jnp.float32), nv, num_segments=v_size)
    n_v_deg = jnp.where(n_v_deg < 1, 1.0, n_v_deg)
    p_c_deg = jax.ops.segment_sum(jnp.ones((pc.shape[0], 1), jnp.float32), pc, num_segments=c_size)
    p_c_deg = jnp.where(p_c_deg < 1, 1.0, p_c_deg)
    n_c_deg = jax.ops.segment_sum(jnp.ones((nc.shape[0], 1), jnp.float32), nc, num_segments=c_size)
    n_c_deg = jnp.where(n_c_deg < 1, 1.0, n_c_deg)
    p_norm = jnp.sqrt(p_v_deg[pv]) * jnp.sqrt(p_c_deg[pc])
    n_norm = jnp.sqrt(n_v_deg[nv]) * jnp.sqrt(n_c_deg[nc])
    v_embs = [v_emb]
    c_embs = [c_emb]
    for _ in range(NITER):
        p_v2c_msg = _mlp(params["p_v2c"], v_emb)[pv]
        n_v2c_msg = _mlp(params["n_v2c"], v_emb)[nv]
        p_c2v_msg = _mlp(params["p_c2v"], c_emb)[pc]
        n_c2v_msg = _mlp(params["n_c2v"], c_emb)[nc]
        p_v2c_aggr = jax.ops.segment_sum(p_v2c_msg / p_norm, pc, num_segments=c_size)
        n_v2c_aggr = jax.ops.segment_sum(n_v2c_msg / n_norm, nc, num_segments=c_size)
        c_emb = jnp.concatenate([c_emb, p_v2c_aggr, n_v2c_aggr], axis=1) @ params["c_up_W"] + params["c_up_b"]
        c_embs.append(c_emb)
        p_c2v_aggr = jax.ops.segment_sum(p_c2v_msg / p_norm, pv, num_segments=v_size)
        n_c2v_aggr = jax.ops.segment_sum(n_c2v_msg / n_norm, nv, num_segments=v_size)
        v_emb = jnp.concatenate([v_emb, p_c2v_aggr, n_c2v_aggr], axis=1) @ params["v_up_W"] + params["v_up_b"]
        v_embs.append(v_emb)
    return jnp.stack(v_embs), jnp.stack(c_embs)


def reference(v_size, c_size, v_edge_index, c_edge_index, p_edge_index, n_edge_index, v_emb, c_emb, params):
    v_size_static = v_emb.shape[0]
    c_size_static = c_emb.shape[0]
    v_emb = v_emb + (jnp.asarray(v_size) * 0).astype(v_emb.dtype)
    c_emb = c_emb + (jnp.asarray(c_size) * 0).astype(c_emb.dtype)
    return _forward(params, v_emb, c_emb, v_edge_index, c_edge_index, p_edge_index, n_edge_index, v_size_static, c_size_static)

if __name__ == "__main__":
    import jax
    _d = setup_inputs()
    print(jax.jit(kernel)(*tuple(_d.values())))

</pallas_src>

<mosaic_0001>
#map = affine_map<(d0, d1) -> (0, 0)>
#map1 = affine_map<(d0, d1) -> (0, 0, 0, 0)>
#map2 = affine_map<(d0, d1) -> (0, 0, 0)>
module attributes {stable_mosaic.version = 14 : i64} {
  func.func @_s2_body(%arg0: i32, %arg1: i32, %arg2: memref<20000x128xbf16, #tpu.memory_space<hbm>>, %arg3: memref<20000x128xbf16, #tpu.memory_space<hbm>>, %arg4: memref<2x16x125x80xi32, #tpu.memory_space<hbm>>, %arg5: memref<2x16x125x80xi32, #tpu.memory_space<hbm>>, %arg6: memref<632x128xbf16, #tpu.memory_space<hbm>>, %arg7: memref<2x10112x128xbf16, #tpu.memory_space<hbm>>, %arg8: memref<2x10112x128xbf16, #tpu.memory_space<hbm>>, %arg9: memref<125x80xi32, #tpu.memory_space<vmem>>, %arg10: memref<125x80xi32, #tpu.memory_space<vmem>>, %arg11: memref<2x80xi32, #tpu.memory_space<vmem>>, %arg12: memref<80x128xbf16, #tpu.memory_space<vmem>>, %arg13: memref<80x128xbf16, #tpu.memory_space<vmem>>, %arg14: memref<10112x128xbf16, #tpu.memory_space<vmem_shared>>, %arg15: memref<!tpu.dma_semaphore, #tpu.memory_space<semaphore_mem>>, %arg16: memref<!tpu.dma_semaphore, #tpu.memory_space<semaphore_mem>>) attributes {dimension_semantics = [#tpu.dimension_semantics<core_parallel>, #tpu.dimension_semantics<subcore_parallel>], iteration_bounds = array<i64: 2, 16>, scalar_prefetch = 0 : i64, scratch_operands = 8 : i64, tpu.core_type = #tpu.core_type<sc_vector_subcore>, window_params = [{transform_indices = #map}, {transform_indices = #map}, {transform_indices = #map1}, {transform_indices = #map1}, {transform_indices = #map}, {transform_indices = #map2}, {transform_indices = #map2}]} {
    "tpu.region"() ({
      %run_scoped3A_185 = tpu.sem_alloc : memref<!tpu.dma_semaphore, #tpu.memory_space<semaphore_mem>>
      %dma_start3A_186 = arith.constant 0 : i32
      %dma_start3A_187 = arith.constant 0 : i32
      %dma_start3A_188 = tpu.memref_slice %arg4[%arg0, %arg1, %dma_start3A_186, %dma_start3A_187] : memref<2x16x125x80xi32, #tpu.memory_space<hbm>> -> memref<1x1x125x80xi32, #tpu.memory_space<hbm>>
      %dma_start3A_189 = tpu.memref_squeeze %dma_start3A_188 : memref<1x1x125x80xi32, #tpu.memory_space<hbm>> -> memref<125x80xi32, #tpu.memory_space<hbm>>
      %dma_start3A_190 = arith.constant 0 : i32
      %dma_start3A_191 = arith.constant 0 : i32
      %dma_start3A_192 = tpu.memref_slice %arg4[%arg0, %arg1, %dma_start3A_190, %dma_start3A_191] : memref<2x16x125x80xi32, #tpu.memory_space<hbm>> -> memref<1x1x125x80xi32, #tpu.memory_space<hbm>>
      %dma_start3A_193 = tpu.memref_squeeze %dma_start3A_192 : memref<1x1x125x80xi32, #tpu.memory_space<hbm>> -> memref<125x80xi32, #tpu.memory_space<hbm>>
      tpu.enqueue_dma source(%dma_start3A_193 : memref<125x80xi32, #tpu.memory_space<hbm>>) target(%arg9 : memref<125x80xi32, #tpu.memory_space<vmem>>) target_semaphore(%run_scoped3A_185 : memref<!tpu.dma_semaphore, #tpu.memory_space<semaphore_mem>>)
      %dma_wait3A_194 = arith.constant 0 : i32
      %dma_wait3A_195 = arith.constant 0 : i32
      %dma_wait3A_196 = tpu.memref_slice %arg4[%arg0, %arg1, %dma_wait3A_194, %dma_wait3A_195] : memref<2x16x125x80xi32, #tpu.memory_space<hbm>> -> memref<1x1x125x80xi32, #tpu.memory_space<hbm>>
      %dma_wait3A_197 = tpu.memref_squeeze %dma_wait3A_196 : memref<1x1x125x80xi32, #tpu.memory_space<hbm>> -> memref<125x80xi32, #tpu.memory_space<hbm>>
      %dma_wait3A_198 = arith.constant 0 : i32
      %dma_wait3A_199 = arith.constant 0 : i32
      %dma_wait3A_200 = tpu.memref_slice %arg4[%arg0, %arg1, %dma_wait3A_198, %dma_wait3A_199] : memref<2x16x125x80xi32, #tpu.memory_space<hbm>> -> memref<1x1x125x80xi32, #tpu.memory_space<hbm>>
      %dma_wait3A_201 = tpu.memref_squeeze %dma_wait3A_200 : memref<1x1x125x80xi32, #tpu.memory_space<hbm>> -> memref<125x80xi32, #tpu.memory_space<hbm>>
      tpu.wait_dma2 semaphore(%run_scoped3A_185 : memref<!tpu.dma_semaphore, #tpu.memory_space<semaphore_mem>>) src(%dma_wait3A_201 : memref<125x80xi32, #tpu.memory_space<hbm>>) dst(%arg9 : memref<125x80xi32, #tpu.memory_space<vmem>>)
      tpu.yield
    }) : () -> ()
    "tpu.region"() ({
      %run_scoped3A_185 = tpu.sem_alloc : memref<!tpu.dma_semaphore, #tpu.memory_space<semaphore_mem>>
      %dma_start3A_186 = arith.constant 0 : i32
      %dma_start3A_187 = arith.constant 0 : i32
      %dma_start3A_188 = tpu.memref_slice %arg5[%arg0, %arg1, %dma_start3A_186, %dma_start3A_187] : memref<2x16x125x80xi32, #tpu.memory_space<hbm>> -> memref<1x1x125x80xi32, #tpu.memory_space<hbm>>
      %dma_start3A_189 = tpu.memref_squeeze %dma_start3A_188 : memref<1x1x125x80xi32, #tpu.memory_space<hbm>> -> memref<125x80xi32, #tpu.memory_space<hbm>>
      %dma_start3A_190 = arith.constant 0 : i32
      %dma_start3A_191 = arith.constant 0 : i32
      %dma_start3A_192 = tpu.memref_slice %arg5[%arg0, %arg1, %dma_start3A_190, %dma_start3A_191] : memref<2x16x125x80xi32, #tpu.memory_space<hbm>> -> memref<1x1x125x80xi32, #tpu.memory_space<hbm>>
      %dma_start3A_193 = tpu.memref_squeeze %dma_start3A_192 : memref<1x1x125x80xi32, #tpu.memory_space<hbm>> -> memref<125x80xi32, #tpu.memory_space<hbm>>
      tpu.enqueue_dma source(%dma_start3A_193 : memref<125x80xi32, #tpu.memory_space<hbm>>) target(%arg10 : memref<125x80xi32, #tpu.memory_space<vmem>>) target_semaphore(%run_scoped3A_185 : memref<!tpu.dma_semaphore, #tpu.memory_space<semaphore_mem>>)
      %dma_wait3A_194 = arith.constant 0 : i32
      %dma_wait3A_195 = arith.constant 0 : i32
      %dma_wait3A_196 = tpu.memref_slice %arg5[%arg0, %arg1, %dma_wait3A_194, %dma_wait3A_195] : memref<2x16x125x80xi32, #tpu.memory_space<hbm>> -> memref<1x1x125x80xi32, #tpu.memory_space<hbm>>
      %dma_wait3A_197 = tpu.memref_squeeze %dma_wait3A_196 : memref<1x1x125x80xi32, #tpu.memory_space<hbm>> -> memref<125x80xi32, #tpu.memory_space<hbm>>
      %dma_wait3A_198 = arith.constant 0 : i32
      %dma_wait3A_199 = arith.constant 0 : i32
      %dma_wait3A_200 = tpu.memref_slice %arg5[%arg0, %arg1, %dma_wait3A_198, %dma_wait3A_199] : memref<2x16x125x80xi32, #tpu.memory_space<hbm>> -> memref<1x1x125x80xi32, #tpu.memory_space<hbm>>
      %dma_wait3A_201 = tpu.memref_squeeze %dma_wait3A_200 : memref<1x1x125x80xi32, #tpu.memory_space<hbm>> -> memref<125x80xi32, #tpu.memory_space<hbm>>
      tpu.wait_dma2 semaphore(%run_scoped3A_185 : memref<!tpu.dma_semaphore, #tpu.memory_space<semaphore_mem>>) src(%dma_wait3A_201 : memref<125x80xi32, #tpu.memory_space<hbm>>) dst(%arg10 : memref<125x80xi32, #tpu.memory_space<vmem>>)
      tpu.yield
    }) : () -> ()
    %mul3A = arith.constant 10000 : i32
    %mul3A_0 = arith.muli %arg0, %mul3A : i32
    %mul3A_1 = arith.constant 632 : i32
    %mul3A_2 = arith.muli %arg1, %mul3A_1 : i32
    "tpu.region"() ({
      %run_scoped3A_185 = tpu.sem_alloc : memref<!tpu.dma_semaphore, #tpu.memory_space<semaphore_mem>>
      %dma_start3A_186 = arith.constant 0 : i32
      %dma_start3A_187 = tpu.memref_slice %arg14[%mul3A_2, %dma_start3A_186] : memref<10112x128xbf16, #tpu.memory_space<vmem_shared>> -> memref<632x128xbf16, #tpu.memory_space<vmem_shared>>
      tpu.enqueue_dma source(%arg6 : memref<632x128xbf16, #tpu.memory_space<hbm>>) target(%dma_start3A_187 : memref<632x128xbf16, #tpu.memory_space<vmem_shared>>) target_semaphore(%run_scoped3A_185 : memref<!tpu.dma_semaphore, #tpu.memory_space<semaphore_mem>>)
      %dma_wait3A_188 = arith.constant 0 : i32
      %dma_wait3A_189 = tpu.memref_slice %arg14[%mul3A_2, %dma_wait3A_188] : memref<10112x128xbf16, #tpu.memory_space<vmem_shared>> -> memref<632x128xbf16, #tpu.memory_space<vmem_shared>>
      tpu.wait_dma2 semaphore(%run_scoped3A_185 : memref<!tpu.dma_semaphore, #tpu.memory_space<semaphore_mem>>) src(%arg6 : memref<632x128xbf16, #tpu.memory_space<hbm>>) dst(%dma_wait3A_189 : memref<632x128xbf16, #tpu.memory_space<vmem_shared>>)
      tpu.yield
    }) : () -> ()
    %barrier3A = arith.constant 0 : index
    tpu.barrier barrier_id(%barrier3A)
    %get3A = arith.constant 0 : i32
    %get3A_3 = arith.index_cast %get3A : i32 to index
    %get3A_4 = arith.constant 0 : index
    %get3A_5 = tpu.vector_load %arg9[%get3A_3, %get3A_4] {strides = array<i32>} : memref<125x80xi32, #tpu.memory_space<vmem>>, vector<1x16xi32>,
    %get3A_6 = vector.shape_cast %get3A_5 : vector<1x16xi32> to vector<16xi32>
    %add3A = vector.broadcast %mul3A_0 : i32 to vector<16xi32>
    %add3A_7 = arith.addi %get3A_6, %add3A : vector<16xi32>
    %swap3A = arith.constant 0 : i32
    %swap3A_8 = arith.index_cast %swap3A : i32 to index
    %swap3A_9 = arith.constant 0 : index
    %swap3A_10 = tpu.vector_load %arg11[%swap3A_8, %swap3A_9] {strides = array<i32>} : memref<2x80xi32, #tpu.memory_space<vmem>>, vector<1x16xi32>,
    %swap3A_11 = vector.shape_cast %swap3A_10 : vector<1x16xi32> to vector<16xi32>
    %swap3A_12 = vector.shape_cast %add3A_7 : vector<16xi32> to vector<1x16xi32>
    tpu.vector_store %arg11[%swap3A_8, %swap3A_9], %swap3A_12 {strides = array<i32>} : memref<2x80xi32, #tpu.memory_space<vmem>>, vector<1x16xi32>,
    %get3A_13 = arith.constant 0 : i32
    %get3A_14 = arith.index_cast %get3A_13 : i32 to index
    %get3A_15 = arith.constant 16 : index
    %get3A_16 = tpu.vector_load %arg9[%get3A_14, %get3A_15] {strides = array<i32>} : memref<125x80xi32, #tpu.memory_space<vmem>>, vector<1x16xi32>,
    %get3A_17 = vector.shape_cast %get3A_16 : vector<1x16xi32> to vector<16xi32>
    %add3A_18 = vector.broadcast %mul3A_0 : i32 to vector<16xi32>
    %add3A_19 = arith.addi %get3A_17, %add3A_18 : vector<16xi32>
    %swap3A_20 = arith.constant 0 : i32
    %swap3A_21 = arith.index_cast %swap3A_20 : i32 to index
    %swap3A_22 = arith.constant 16 : index
    %swap3A_23 = tpu.vector_load %arg11[%swap3A_21, %swap3A_22] {strides = array<i32>} : memref<2x80xi32, #tpu.memory_space<vmem>>, vector<1x16xi32>,
    %swap3A_24 = vector.shape_cast %swap3A_23 : vector<1x16xi32> to vector<16xi32>
    %swap3A_25 = vector.shape_cast %add3A_19 : vector<16xi32> to vector<1x16xi32>
    tpu.vector_store %arg11[%swap3A_21, %swap3A_22], %swap3A_25 {strides = array<i32>} : memref<2x80xi32, #tpu.memory_space<vmem>>, vector<1x16xi32>,
    %get3A_26 = arith.constant 0 : i32
    %get3A_27 = arith.index_cast %get3A_26 : i32 to index
    %get3A_28 = arith.constant 32 : index
    %get3A_29 = tpu.vector_load %arg9[%get3A_27, %get3A_28] {strides = array<i32>} : memref<125x80xi32, #tpu.memory_space<vmem>>, vector<1x16xi32>,
    %get3A_30 = vector.shape_cast %get3A_29 : vector<1x16xi32> to vector<16xi32>
    %add3A_31 = vector.broadcast %mul3A_0 : i32 to vector<16xi32>
    %add3A_32 = arith.addi %get3A_30, %add3A_31 : vector<16xi32>
    %swap3A_33 = arith.constant 0 : i32
    %swap3A_34 = arith.index_cast %swap3A_33 : i32 to index
    %swap3A_35 = arith.constant 32 : index
    %swap3A_36 = tpu.vector_load %arg11[%swap3A_34, %swap3A_35] {strides = array<i32>} : memref<2x80xi32, #tpu.memory_space<vmem>>, vector<1x16xi32>,
    %swap3A_37 = vector.shape_cast %swap3A_36 : vector<1x16xi32> to vector<16xi32>
    %swap3A_38 = vector.shape_cast %add3A_32 : vector<16xi32> to vector<1x16xi32>
    tpu.vector_store %arg11[%swap3A_34, %swap3A_35], %swap3A_38 {strides = array<i32>} : memref<2x80xi32, #tpu.memory_space<vmem>>, vector<1x16xi32>,
    %get3A_39 = arith.constant 0 : i32
    %get3A_40 = arith.index_cast %get3A_39 : i32 to index
    %get3A_41 = arith.constant 48 : index
    %get3A_42 = tpu.vector_load %arg9[%get3A_40, %get3A_41] {strides = array<i32>} : memref<125x80xi32, #tpu.memory_space<vmem>>, vector<1x16xi32>,
    %get3A_43 = vector.shape_cast %get3A_42 : vector<1x16xi32> to vector<16xi32>
    %add3A_44 = vector.broadcast %mul3A_0 : i32 to vector<16xi32>
    %add3A_45 = arith.addi %get3A_43, %add3A_44 : vector<16xi32>
    %swap3A_46 = arith.constant 0 : i32
    %swap3A_47 = arith.index_cast %swap3A_46 : i32 to index
    %swap3A_48 = arith.constant 48 : index
    %swap3A_49 = tpu.vector_load %arg11[%swap3A_47, %swap3A_48] {strides = array<i32>} : memref<2x80xi32, #tpu.memory_space<vmem>>, vector<1x16xi32>,
    %swap3A_50 = vector.shape_cast %swap3A_49 : vector<1x16xi32> to vector<16xi32>
    %swap3A_51 = vector.shape_cast %add3A_45 : vector<16xi32> to vector<1x16xi32>
    tpu.vector_store %arg11[%swap3A_47, %swap3A_48], %swap3A_51 {strides = array<i32>} : memref<2x80xi32, #tpu.memory_space<vmem>>, vector<1x16xi32>,
    %get3A_52 = arith.constant 0 : i32
    %get3A_53 = arith.index_cast %get3A_52 : i32 to index
    %get3A_54 = arith.constant 64 : index
    %get3A_55 = tpu.vector_load %arg9[%get3A_53, %get3A_54] {strides = array<i32>} : memref<125x80xi32, #tpu.memory_space<vmem>>, vector<1x16xi32>,
    %get3A_56 = vector.shape_cast %get3A_55 : vector<1x16xi32> to vector<16xi32>
    %add3A_57 = vector.broadcast %mul3A_0 : i32 to vector<16xi32>
    %add3A_58 = arith.addi %get3A_56, %add3A_57 : vector<16xi32>
    %swap3A_59 = arith.constant 0 : i32
    %swap3A_60 = arith.index_cast %swap3A_59 : i32 to index
    %swap3A_61 = arith.constant 64 : index
    %swap3A_62 = tpu.vector_load %arg11[%swap3A_60, %swap3A_61] {strides = array<i32>} : memref<2x80xi32, #tpu.memory_space<vmem>>, vector<1x16xi32>,
    %swap3A_63 = vector.shape_cast %swap3A_62 : vector<1x16xi32> to vector<16xi32>
    %swap3A_64 = vector.shape_cast %add3A_58 : vector<16xi32> to vector<1x16xi32>
    tpu.vector_store %arg11[%swap3A_60, %swap3A_61], %swap3A_64 {strides = array<i32>} : memref<2x80xi32, #tpu.memory_space<vmem>>, vector<1x16xi32>,
    %dma_start3A = arith.constant 0 : i32
    %dma_start3A_65 = arith.constant 0 : i32
    %dma_start3A_66 = tpu.memref_slice %arg11[%dma_start3A, %dma_start3A_65] : memref<2x80xi32, #tpu.memory_space<vmem>> -> memref<1x80xi32, #tpu.memory_space<vmem>>
    %dma_start3A_67 = tpu.memref_squeeze %dma_start3A_66 : memref<1x80xi32, #tpu.memory_space<vmem>> -> memref<80xi32, #tpu.memory_space<vmem>>
    %dma_start3A_68 = arith.constant 0 : i32
    %dma_start3A_69 = arith.constant 0 : i32
    %dma_start3A_70 = tpu.memref_slice %arg2[%dma_start3A_68, %dma_start3A_69] : memref<20000x128xbf16, #tpu.memory_space<hbm>> -> memref<20000x128xbf16, #tpu.memory_space<hbm>>
    tpu.enqueue_indirect_dma source(%dma_start3A_70 : memref<20000x128xbf16, #tpu.memory_space<hbm>>) target(%arg12 : memref<80x128xbf16, #tpu.memory_space<vmem>>) offsets(%dma_start3A_67 : memref<80xi32, #tpu.memory_space<vmem>>) semaphore(%arg15 : memref<!tpu.dma_semaphore, #tpu.memory_space<semaphore_mem>>)
    %scan3A = arith.constant 0 : i32
    %scan3A_71 = arith.constant 0 : i32
    %scan3A_72 = arith.constant 62 : i32
    %scan3A_73 = arith.addi %scan3A_71, %scan3A_72 : i32
    %scan3A_74 = arith.constant 1 : i32
    scf.for %scan3A_185 = %scan3A_71 to %scan3A_73 step %scan3A_74  : i32 {
      %mul3A_186 = arith.constant 2 : i32
      %mul3A_187 = arith.muli %mul3A_186, %scan3A_185 : i32
      %dma_wait3A_188 = arith.constant 0 : i32
      %dma_wait3A_189 = arith.constant 0 : i32
      %dma_wait3A_190 = tpu.memref_slice %arg11[%dma_wait3A_188, %dma_wait3A_189] : memref<2x80xi32, #tpu.memory_space<vmem>> -> memref<1x80xi32, #tpu.memory_space<vmem>>
      %dma_wait3A_191 = tpu.memref_squeeze %dma_wait3A_190 : memref<1x80xi32, #tpu.memory_space<vmem>> -> memref<80xi32, #tpu.memory_space<vmem>>
      %dma_wait3A_192 = arith.constant 0 : i32
      %dma_wait3A_193 = arith.constant 0 : i32
      %dma_wait3A_194 = tpu.memref_slice %arg2[%dma_wait3A_192, %dma_wait3A_193] : memref<20000x128xbf16, #tpu.memory_space<hbm>> -> memref<20000x128xbf16, #tpu.memory_space<hbm>>
      tpu.wait_indirect_dma semaphore(%arg15 : memref<!tpu.dma_semaphore, #tpu.memory_space<semaphore_mem>>) src(%dma_wait3A_194 : memref<20000x128xbf16, #tpu.memory_space<hbm>>) dst(%arg12 : memref<80x128xbf16, #tpu.memory_space<vmem>>)
      %add3A_195 = arith.constant 1 : i32
      %add3A_196 = arith.addi %mul3A_187, %add3A_195 : i32
      %get3A_197 = arith.index_cast %add3A_196 : i32 to index
      %get3A_198 = arith.constant 0 : index
      %get3A_199 = tpu.vector_load %arg9[%get3A_197, %get3A_198] {strides = array<i32>} : memref<125x80xi32, #tpu.memory_space<vmem>>, vector<1x16xi32>,
      %get3A_200 = vector.shape_cast %get3A_199 : vector<1x16xi32> to vector<16xi32>
      %add3A_201 = vector.broadcast %mul3A_0 : i32 to vector<16xi32>
      %add3A_202 = arith.addi %get3A_200, %add3A_201 : vector<16xi32>
      %swap3A_203 = arith.constant 1 : i32
      %swap3A_204 = arith.index_cast %swap3A_203 : i32 to index
      %swap3A_205 = arith.constant 0 : index
      %swap3A_206 = tpu.vector_load %arg11[%swap3A_204, %swap3A_205] {strides = array<i32>} : memref<2x80xi32, #tpu.memory_space<vmem>>, vector<1x16xi32>,
      %swap3A_207 = vector.shape_cast %swap3A_206 : vector<1x16xi32> to vector<16xi32>
      %swap3A_208 = vector.shape_cast %add3A_202 : vector<16xi32> to vector<1x16xi32>
      tpu.vector_store %arg11[%swap3A_204, %swap3A_205], %swap3A_208 {strides = array<i32>} : memref<2x80xi32, #tpu.memory_space<vmem>>, vector<1x16xi32>,
      %get3A_209 = arith.index_cast %add3A_196 : i32 to index
      %get3A_210 = arith.constant 16 : index
      %get3A_211 = tpu.vector_load %arg9[%get3A_209, %get3A_210] {strides = array<i32>} : memref<125x80xi32, #tpu.memory_space<vmem>>, vector<1x16xi32>,
      %get3A_212 = vector.shape_cast %get3A_211 : vector<1x16xi32> to vector<16xi32>
      %add3A_213 = vector.broadcast %mul3A_0 : i32 to vector<16xi32>
      %add3A_214 = arith.addi %get3A_212, %add3A_213 : vector<16xi32>
      %swap3A_215 = arith.constant 1 : i32
      %swap3A_216 = arith.index_cast %swap3A_215 : i32 to index
      %swap3A_217 = arith.constant 16 : index
      %swap3A_218 = tpu.vector_load %arg11[%swap3A_216, %swap3A_217] {strides = array<i32>} : memref<2x80xi32, #tpu.memory_space<vmem>>, vector<1x16xi32>,
      %swap3A_219 = vector.shape_cast %swap3A_218 : vector<1x16xi32> to vector<16xi32>
      %swap3A_220 = vector.shape_cast %add3A_214 : vector<16xi32> to vector<1x16xi32>
      tpu.vector_store %arg11[%swap3A_216, %swap3A_217], %swap3A_220 {strides = array<i32>} : memref<2x80xi32, #tpu.memory_space<vmem>>, vector<1x16xi32>,
      %get3A_221 = arith.index_cast %add3A_196 : i32 to index
      %get3A_222 = arith.constant 32 : index
      %get3A_223 = tpu.vector_load %arg9[%get3A_221, %get3A_222] {strides = array<i32>} : memref<125x80xi32, #tpu.memory_space<vmem>>, vector<1x16xi32>,
      %get3A_224 = vector.shape_cast %get3A_223 : vector<1x16xi32> to vector<16xi32>
      %add3A_225 = vector.broadcast %mul3A_0 : i32 to vector<16xi32>
      %add3A_226 = arith.addi %get3A_224, %add3A_225 : vector<16xi32>
      %swap3A_227 = arith.constant 1 : i32
      %swap3A_228 = arith.index_cast %swap3A_227 : i32 to index
      %swap3A_229 = arith.constant 32 : index
      %swap3A_230 = tpu.vector_load %arg11[%swap3A_228, %swap3A_229] {strides = array<i32>} : memref<2x80xi32, #tpu.memory_space<vmem>>, vector<1x16xi32>,
      %swap3A_231 = vector.shape_cast %swap3A_230 : vector<1x16xi32> to vector<16xi32>
      %swap3A_232 = vector.shape_cast %add3A_226 : vector<16xi32> to vector<1x16xi32>
      tpu.vector_store %arg11[%swap3A_228, %swap3A_229], %swap3A_232 {strides = array<i32>} : memref<2x80xi32, #tpu.memory_space<vmem>>, vector<1x16xi32>,
      %get3A_233 = arith.index_cast %add3A_196 : i32 to index
      %get3A_234 = arith.constant 48 : index
      %get3A_235 = tpu.vector_load %arg9[%get3A_233, %get3A_234] {strides = array<i32>} : memref<125x80xi32, #tpu.memory_space<vmem>>, vector<1x16xi32>,
      %get3A_236 = vector.shape_cast %get3A_235 : vector<1x16xi32> to vector<16xi32>
      %add3A_237 = vector.broadcast %mul3A_0 : i32 to vector<16xi32>
      %add3A_238 = arith.addi %get3A_236, %add3A_237 : vector<16xi32>
      %swap3A_239 = arith.constant 1 : i32
      %swap3A_240 = arith.index_cast %swap3A_239 : i32 to index
      %swap3A_241 = arith.constant 48 : index
      %swap3A_242 = tpu.vector_load %arg11[%swap3A_240, %swap3A_241] {strides = array<i32>} : memref<2x80xi32, #tpu.memory_space<vmem>>, vector<1x16xi32>,
      %swap3A_243 = vector.shape_cast %swap3A_242 : vector<1x16xi32> to vector<16xi32>
      %swap3A_244 = vector.shape_cast %add3A_238 : vector<16xi32> to vector<1x16xi32>
      tpu.vector_store %arg11[%swap3A_240, %swap3A_241], %swap3A_244 {strides = array<i32>} : memref<2x80xi32, #tpu.memory_space<vmem>>, vector<1x16xi32>,
      %get3A_245 = arith.index_cast %add3A_196 : i32 to index
      %get3A_246 = arith.constant 64 : index
      %get3A_247 = tpu.vector_load %arg9[%get3A_245, %get3A_246] {strides = array<i32>} : memref<125x80xi32, #tpu.memory_space<vmem>>, vector<1x16xi32>,
      %get3A_248 = vector.shape_cast %get3A_247 : vector<1x16xi32> to vector<16xi32>
      %add3A_249 = vector.broadcast %mul3A_0 : i32 to vector<16xi32>
      %add3A_250 = arith.addi %get3A_248, %add3A_249 : vector<16xi32>
      %swap3A_251 = arith.constant 1 : i32
      %swap3A_252 = arith.index_cast %swap3A_251 : i32 to index
      %swap3A_253 = arith.constant 64 : index
      %swap3A_254 = tpu.vector_load %arg11[%swap3A_252, %swap3A_253] {strides = array<i32>} : memref<2x80xi32, #tpu.memory_space<vmem>>, vector<1x16xi32>,
      %swap3A_255 = vector.shape_cast %swap3A_254 : vector<1x16xi32> to vector<16xi32>
      %swap3A_256 = vector.shape_cast %add3A_250 : vector<16xi32> to vector<1x16xi32>
      tpu.vector_store %arg11[%swap3A_252, %swap3A_253], %swap3A_256 {strides = array<i32>} : memref<2x80xi32, #tpu.memory_space<vmem>>, vector<1x16xi32>,
      %dma_start3A_257 = arith.constant 1 : i32
      %dma_start3A_258 = arith.constant 0 : i32
      %dma_start3A_259 = tpu.memref_slice %arg11[%dma_start3A_257, %dma_start3A_258] : memref<2x80xi32, #tpu.memory_space<vmem>> -> memref<1x80xi32, #tpu.memory_space<vmem>>
      %dma_start3A_260 = tpu.memref_squeeze %dma_start3A_259 : memref<1x80xi32, #tpu.memory_space<vmem>> -> memref<80xi32, #tpu.memory_space<vmem>>
      %dma_start3A_261 = arith.constant 0 : i32
      %dma_start3A_262 = arith.constant 0 : i32
      %dma_start3A_263 = tpu.memref_slice %arg2[%dma_start3A_261, %dma_start3A_262] : memref<20000x128xbf16, #tpu.memory_space<hbm>> -> memref<20000x128xbf16, #tpu.memory_space<hbm>>
      tpu.enqueue_indirect_dma source(%dma_start3A_263 : memref<20000x128xbf16, #tpu.memory_space<hbm>>) target(%arg13 : memref<80x128xbf16, #tpu.memory_space<vmem>>) offsets(%dma_start3A_260 : memref<80xi32, #tpu.memory_space<vmem>>) semaphore(%arg16 : memref<!tpu.dma_semaphore, #tpu.memory_space<semaphore_mem>>)
      "tpu.region"() ({
        %run_scoped3A_277 = tpu.sem_alloc : memref<!tpu.dma_semaphore, #tpu.memory_space<semaphore_mem>>
        %dma_start3A_278 = arith.constant 0 : i32
        %dma_start3A_279 = tpu.memref_slice %arg10[%mul3A_187, %dma_start3A_278] : memref<125x80xi32, #tpu.memory_space<vmem>> -> memref<1x80xi32, #tpu.memory_space<vmem>>
        %dma_start3A_280 = tpu.memref_squeeze %dma_start3A_279 : memref<1x80xi32, #tpu.memory_space<vmem>> -> memref<80xi32, #tpu.memory_space<vmem>>
        %dma_start3A_281 = arith.constant 0 : i32
        %dma_start3A_282 = arith.constant 0 : i32
        %dma_start3A_283 = tpu.memref_slice %arg14[%dma_start3A_281, %dma_start3A_282] : memref<10112x128xbf16, #tpu.memory_space<vmem_shared>> -> memref<10112x128xbf16, #tpu.memory_space<vmem_shared>>
        tpu.enqueue_indirect_dma source(%arg12 : memref<80x128xbf16, #tpu.memory_space<vmem>>) target(%dma_start3A_283 : memref<10112x128xbf16, #tpu.memory_space<vmem_shared>>) offsets(%dma_start3A_280 : memref<80xi32, #tpu.memory_space<vmem>>) semaphore(%run_scoped3A_277 : memref<!tpu.dma_semaphore, #tpu.memory_space<semaphore_mem>>) {add = true}
        %dma_wait3A_284 = arith.constant 0 : i32
        %dma_wait3A_285 = tpu.memref_slice %arg10[%mul3A_187, %dma_wait3A_284] : memref<125x80xi32, #tpu.memory_space<vmem>> -> memref<1x80xi32, #tpu.memory_space<vmem>>
        %dma_wait3A_286 = tpu.memref_squeeze %dma_wait3A_285 : memref<1x80xi32, #tpu.memory_space<vmem>> -> memref<80xi32, #tpu.memory_space<vmem>>
        %dma_wait3A_287 = arith.constant 0 : i32
        %dma_wait3A_288 = arith.constant 0 : i32
        %dma_wait3A_289 = tpu.memref_slice %arg14[%dma_wait3A_287, %dma_wait3A_288] : memref<10112x128xbf16, #tpu.memory_space<vmem_shared>> -> memref<10112x128xbf16, #tpu.memory_space<vmem_shared>>
        tpu.wait_indirect_dma semaphore(%run_scoped3A_277 : memref<!tpu.dma_semaphore, #tpu.memory_space<semaphore_mem>>) src(%arg12 : memref<80x128xbf16, #tpu.memory_space<vmem>>) dst(%dma_wait3A_289 : memref<10112x128xbf16, #tpu.memory_space<vmem_shared>>)
        tpu.yield
      }) : () -> ()
      %dma_wait3A_264 = arith.constant 1 : i32
      %dma_wait3A_265 = arith.constant 0 : i32
      %dma_wait3A_266 = tpu.memref_slice %arg11[%dma_wait3A_264, %dma_wait3A_265] : memref<2x80xi32, #tpu.memory_space<vmem>> -> memref<1x80xi32, #tpu.memory_space<vmem>>
      %dma_wait3A_267 = tpu.memref_squeeze %dma_wait3A_266 : memref<1x80xi32, #tpu.memory_space<vmem>> -> memref<80xi32, #tpu.memory_space<vmem>>
      %dma_wait3A_268 = arith.constant 0 : i32
      %dma_wait3A_269 = arith.constant 0 : i32
      %dma_wait3A_270 = tpu.memref_slice %arg2[%dma_wait3A_268, %dma_wait3A_269] : memref<20000x128xbf16, #tpu.memory_space<hbm>> -> memref<20000x128xbf16, #tpu.memory_space<hbm>>
      tpu.wait_indirect_dma semaphore(%arg16 : memref<!tpu.dma_semaphore, #tpu.memory_space<semaphore_mem>>) src(%dma_wait3A_270 : memref<20000x128xbf16, #tpu.memory_space<hbm>>) dst(%arg13 : memref<80x128xbf16, #tpu.memory_space<vmem>>)
      %add3A_271 = arith.constant 2 : i32
      %add3A_272 = arith.addi %mul3A_187, %add3A_271 : i32
      %lt3A = arith.constant 125 : i32
      %lt3A_273 = arith.cmpi slt, %add3A_272, %lt3A : i32
      %convert_element_type3A = arith.extui %lt3A_273 : i1 to i32
      %cond3A = arith.constant 0 : i32
      %cond3A_274 = arith.cmpi ne, %convert_element_type3A, %cond3A : i32
      scf.if %cond3A_274 {
        %add3A_277 = arith.constant 2 : i32
        %add3A_278 = arith.addi %mul3A_187, %add3A_277 : i32
        %get3A_279 = arith.index_cast %add3A_278 : i32 to index
        %get3A_280 = arith.constant 0 : index
        %get3A_281 = tpu.vector_load %arg9[%get3A_279, %get3A_280] {strides = array<i32>} : memref<125x80xi32, #tpu.memory_space<vmem>>, vector<1x16xi32>,
        %get3A_282 = vector.shape_cast %get3A_281 : vector<1x16xi32> to vector<16xi32>
        %add3A_283 = vector.broadcast %mul3A_0 : i32 to vector<16xi32>
        %add3A_284 = arith.addi %get3A_282, %add3A_283 : vector<16xi32>
        %swap3A_285 = arith.constant 0 : i32
        %swap3A_286 = arith.index_cast %swap3A_285 : i32 to index
        %swap3A_287 = arith.constant 0 : index
        %swap3A_288 = tpu.vector_load %arg11[%swap3A_286, %swap3A_287] {strides = array<i32>} : memref<2x80xi32, #tpu.memory_space<vmem>>, vector<1x16xi32>,
        %swap3A_289 = vector.shape_cast %swap3A_288 : vector<1x16xi32> to vector<16xi32>
        %swap3A_290 = vector.shape_cast %add3A_284 : vector<16xi32> to vector<1x16xi32>
        tpu.vector_store %arg11[%swap3A_286, %swap3A_287], %swap3A_290 {strides = array<i32>} : memref<2x80xi32, #tpu.memory_space<vmem>>, vector<1x16xi32>,
        %get3A_291 = arith.index_cast %add3A_278 : i32 to index
        %get3A_292 = arith.constant 16 : index
        %get3A_293 = tpu.vector_load %arg9[%get3A_291, %get3A_292] {strides = array<i32>} : memref<125x80xi32, #tpu.memory_space<vmem>>, vector<1x16xi32>,
        %get3A_294 = vector.shape_cast %get3A_293 : vector<1x16xi32> to vector<16xi32>
        %add3A_295 = vector.broadcast %mul3A_0 : i32 to vector<16xi32>
        %add3A_296 = arith.addi %get3A_294, %add3A_295 : vector<16xi32>
        %swap3A_297 = arith.constant 0 : i32
        %swap3A_298 = arith.index_cast %swap3A_297 : i32 to index
        %swap3A_299 = arith.constant 16 : index
        %swap3A_300 = tpu.vector_load %arg11[%swap3A_298, %swap3A_299] {strides = array<i32>} : memref<2x80xi32, #tpu.memory_space<vmem>>, vector<1x16xi32>,
        %swap3A_301 = vector.shape_cast %swap3A_300 : vector<1x16xi32> to vector<16xi32>
        %swap3A_302 = vector.shape_cast %add3A_296 : vector<16xi32> to vector<1x16xi32>
        tpu.vector_store %arg11[%swap3A_298, %swap3A_299], %swap3A_302 {strides = array<i32>} : memref<2x80xi32, #tpu.memory_space<vmem>>, vector<1x16xi32>,
        %get3A_303 = arith.index_cast %add3A_278 : i32 to index
        %get3A_304 = arith.constant 32 : index
        %get3A_305 = tpu.vector_load %arg9[%get3A_303, %get3A_304] {strides = array<i32>} : memref<125x80xi32, #tpu.memory_space<vmem>>, vector<1x16xi32>,
        %get3A_306 = vector.shape_cast %get3A_305 : vector<1x16xi32> to vector<16xi32>
        %add3A_307 = vector.broadcast %mul3A_0 : i32 to vector<16xi32>
        %add3A_308 = arith.addi %get3A_306, %add3A_307 : vector<16xi32>
        %swap3A_309 = arith.constant 0 : i32
        %swap3A_310 = arith.index_cast %swap3A_309 : i32 to index
        %swap3A_311 = arith.constant 32 : index
        %swap3A_312 = tpu.vector_load %arg11[%swap3A_310, %swap3A_311] {strides = array<i32>} : memref<2x80xi32, #tpu.memory_space<vmem>>, vector<1x16xi32>,
        %swap3A_313 = vector.shape_cast %swap3A_312 : vector<1x16xi32> to vector<16xi32>
        %swap3A_314 = vector.shape_cast %add3A_308 : vector<16xi32> to vector<1x16xi32>
        tpu.vector_store %arg11[%swap3A_310, %swap3A_311], %swap3A_314 {strides = array<i32>} : memref<2x80xi32, #tpu.memory_space<vmem>>, vector<1x16xi32>,
        %get3A_315 = arith.index_cast %add3A_278 : i32 to index
        %get3A_316 = arith.constant 48 : index
        %get3A_317 = tpu.vector_load %arg9[%get3A_315, %get3A_316] {strides = array<i32>} : memref<125x80xi32, #tpu.memory_space<vmem>>, vector<1x16xi32>,
        %get3A_318 = vector.shape_cast %get3A_317 : vector<1x16xi32> to vector<16xi32>
        %add3A_319 = vector.broadcast %mul3A_0 : i32 to vector<16xi32>
        %add3A_320 = arith.addi %get3A_318, %add3A_319 : vector<16xi32>
        %swap3A_321 = arith.constant 0 : i32
        %swap3A_322 = arith.index_cast %swap3A_321 : i32 to index
        %swap3A_323 = arith.constant 48 : index
        %swap3A_324 = tpu.vector_load %arg11[%swap3A_322, %swap3A_323] {strides = array<i32>} : memref<2x80xi32, #tpu.memory_space<vmem>>, vector<1x16xi32>,
        %swap3A_325 = vector.shape_cast %swap3A_324 : vector<1x16xi32> to vector<16xi32>
        %swap3A_326 = vector.shape_cast %add3A_320 : vector<16xi32> to vector<1x16xi32>
        tpu.vector_store %arg11[%swap3A_322, %swap3A_323], %swap3A_326 {strides = array<i32>} : memref<2x80xi32, #tpu.memory_space<vmem>>, vector<1x16xi32>,
        %get3A_327 = arith.index_cast %add3A_278 : i32 to index
        %get3A_328 = arith.constant 64 : index
        %get3A_329 = tpu.vector_load %arg9[%get3A_327, %get3A_328] {strides = array<i32>} : memref<125x80xi32, #tpu.memory_space<vmem>>, vector<1x16xi32>,
        %get3A_330 = vector.shape_cast %get3A_329 : vector<1x16xi32> to vector<16xi32>
        %add3A_331 = vector.broadcast %mul3A_0 : i32 to vector<16xi32>
        %add3A_332 = arith.addi %get3A_330, %add3A_331 : vector<16xi32>
        %swap3A_333 = arith.constant 0 : i32
        %swap3A_334 = arith.index_cast %swap3A_333 : i32 to index
        %swap3A_335 = arith.constant 64 : index
        %swap3A_336 = tpu.vector_load %arg11[%swap3A_334, %swap3A_335] {strides = array<i32>} : memref<2x80xi32, #tpu.memory_space<vmem>>, vector<1x16xi32>,
        %swap3A_337 = vector.shape_cast %swap3A_336 : vector<1x16xi32> to vector<16xi32>
        %swap3A_338 = vector.shape_cast %add3A_332 : vector<16xi32> to vector<1x16xi32>
        tpu.vector_store %arg11[%swap3A_334, %swap3A_335], %swap3A_338 {strides = array<i32>} : memref<2x80xi32, #tpu.memory_space<vmem>>, vector<1x16xi32>,
        %dma_start3A_339 = arith.constant 0 : i32
        %dma_start3A_340 = arith.constant 0 : i32
        %dma_start3A_341 = tpu.memref_slice %arg11[%dma_start3A_339, %dma_start3A_340] : memref<2x80xi32, #tpu.memory_space<vmem>> -> memref<1x80xi32, #tpu.memory_space<vmem>>
        %dma_start3A_342 = tpu.memref_squeeze %dma_start3A_341 : memref<1x80xi32, #tpu.memory_space<vmem>> -> memref<80xi32, #tpu.memory_space<vmem>>
        %dma_start3A_343 = arith.constant 0 : i32
        %dma_start3A_344 = arith.constant 0 : i32
        %dma_start3A_345 = tpu.memref_slice %arg2[%dma_start3A_343, %dma_start3A_344] : memref<20000x128xbf16, #tpu.memory_space<hbm>> -> memref<20000x128xbf16, #tpu.memory_space<hbm>>
        tpu.enqueue_indirect_dma source(%dma_start3A_345 : memref<20000x128xbf16, #tpu.memory_space<hbm>>) target(%arg12 : memref<80x128xbf16, #tpu.memory_space<vmem>>) offsets(%dma_start3A_342 : memref<80xi32, #tpu.memory_space<vmem>>) semaphore(%arg15 : memref<!tpu.dma_semaphore, #tpu.memory_space<semaphore_mem>>)
      } else {
      }
      %add3A_275 = arith.constant 1 : i32
      %add3A_276 = arith.addi %mul3A_187, %add3A_275 : i32
      "tpu.region"() ({
        %run_scoped3A_277 = tpu.sem_alloc : memref<!tpu.dma_semaphore, #tpu.memory_space<semaphore_mem>>
        %dma_start3A_278 = arith.constant 0 : i32
        %dma_start3A_279 = tpu.memref_slice %arg10[%add3A_276, %dma_start3A_278] : memref<125x80xi32, #tpu.memory_space<vmem>> -> memref<1x80xi32, #tpu.memory_space<vmem>>
        %dma_start3A_280 = tpu.memref_squeeze %dma_start3A_279 : memref<1x80xi32, #tpu.memory_space<vmem>> -> memref<80xi32, #tpu.memory_space<vmem>>
        %dma_start3A_281 = arith.constant 0 : i32
        %dma_start3A_282 = arith.constant 0 : i32
        %dma_start3A_283 = tpu.memref_slice %arg14[%dma_start3A_281, %dma_start3A_282] : memref<10112x128xbf16, #tpu.memory_space<vmem_shared>> -> memref<10112x128xbf16, #tpu.memory_space<vmem_shared>>
        tpu.enqueue_indirect_dma source(%arg13 : memref<80x128xbf16, #tpu.memory_space<vmem>>) target(%dma_start3A_283 : memref<10112x128xbf16, #tpu.memory_space<vmem_shared>>) offsets(%dma_start3A_280 : memref<80xi32, #tpu.memory_space<vmem>>) semaphore(%run_scoped3A_277 : memref<!tpu.dma_semaphore, #tpu.memory_space<semaphore_mem>>) {add = true}
        %dma_wait3A_284 = arith.constant 0 : i32
        %dma_wait3A_285 = tpu.memref_slice %arg10[%add3A_276, %dma_wait3A_284] : memref<125x80xi32, #tpu.memory_space<vmem>> -> memref<1x80xi32, #tpu.memory_space<vmem>>
        %dma_wait3A_286 = tpu.memref_squeeze %dma_wait3A_285 : memref<1x80xi32, #tpu.memory_space<vmem>> -> memref<80xi32, #tpu.memory_space<vmem>>
        %dma_wait3A_287 = arith.constant 0 : i32
        %dma_wait3A_288 = arith.constant 0 : i32
        %dma_wait3A_289 = tpu.memref_slice %arg14[%dma_wait3A_287, %dma_wait3A_288] : memref<10112x128xbf16, #tpu.memory_space<vmem_shared>> -> memref<10112x128xbf16, #tpu.memory_space<vmem_shared>>
        tpu.wait_indirect_dma semaphore(%run_scoped3A_277 : memref<!tpu.dma_semaphore, #tpu.memory_space<semaphore_mem>>) src(%arg13 : memref<80x128xbf16, #tpu.memory_space<vmem>>) dst(%dma_wait3A_289 : memref<10112x128xbf16, #tpu.memory_space<vmem_shared>>)
        tpu.yield
      }) : () -> ()
    }
    %scan3A_75 = arith.constant 62 : i32
    %dma_wait3A = arith.constant 0 : i32
    %dma_wait3A_76 = arith.constant 0 : i32
    %dma_wait3A_77 = tpu.memref_slice %arg11[%dma_wait3A, %dma_wait3A_76] : memref<2x80xi32, #tpu.memory_space<vmem>> -> memref<1x80xi32, #tpu.memory_space<vmem>>
    %dma_wait3A_78 = tpu.memref_squeeze %dma_wait3A_77 : memref<1x80xi32, #tpu.memory_space<vmem>> -> memref<80xi32, #tpu.memory_space<vmem>>
    %dma_wait3A_79 = arith.constant 0 : i32
    %dma_wait3A_80 = arith.constant 0 : i32
    %dma_wait3A_81 = tpu.memref_slice %arg2[%dma_wait3A_79, %dma_wait3A_80] : memref<20000x128xbf16, #tpu.memory_space<hbm>> -> memref<20000x128xbf16, #tpu.memory_space<hbm>>
    tpu.wait_indirect_dma semaphore(%arg15 : memref<!tpu.dma_semaphore, #tpu.memory_space<semaphore_mem>>) src(%dma_wait3A_81 : memref<20000x128xbf16, #tpu.memory_space<hbm>>) dst(%arg12 : memref<80x128xbf16, #tpu.memory_space<vmem>>)
    %run_scoped3A = arith.constant 124 : i32
    "tpu.region"() ({
      %run_scoped3A_185 = tpu.sem_alloc : memref<!tpu.dma_semaphore, #tpu.memory_space<semaphore_mem>>
      %dma_start3A_186 = arith.constant 0 : i32
      %dma_start3A_187 = tpu.memref_slice %arg10[%run_scoped3A, %dma_start3A_186] : memref<125x80xi32, #tpu.memory_space<vmem>> -> memref<1x80xi32, #tpu.memory_space<vmem>>
      %dma_start3A_188 = tpu.memref_squeeze %dma_start3A_187 : memref<1x80xi32, #tpu.memory_space<vmem>> -> memref<80xi32, #tpu.memory_space<vmem>>
      %dma_start3A_189 = arith.constant 0 : i32
      %dma_start3A_190 = arith.constant 0 : i32
      %dma_start3A_191 = tpu.memref_slice %arg14[%dma_start3A_189, %dma_start3A_190] : memref<10112x128xbf16, #tpu.memory_space<vmem_shared>> -> memref<10112x128xbf16, #tpu.memory_space<vmem_shared>>
      tpu.enqueue_indirect_dma source(%arg12 : memref<80x128xbf16, #tpu.memory_space<vmem>>) target(%dma_start3A_191 : memref<10112x128xbf16, #tpu.memory_space<vmem_shared>>) offsets(%dma_start3A_188 : memref<80xi32, #tpu.memory_space<vmem>>) semaphore(%run_scoped3A_185 : memref<!tpu.dma_semaphore, #tpu.memory_space<semaphore_mem>>) {add = true}
      %dma_wait3A_192 = arith.constant 0 : i32
      %dma_wait3A_193 = tpu.memref_slice %arg10[%run_scoped3A, %dma_wait3A_192] : memref<125x80xi32, #tpu.memory_space<vmem>> -> memref<1x80xi32, #tpu.memory_space<vmem>>
      %dma_wait3A_194 = tpu.memref_squeeze %dma_wait3A_193 : memref<1x80xi32, #tpu.memory_space<vmem>> -> memref<80xi32, #tpu.memory_space<vmem>>
      %dma_wait3A_195 = arith.constant 0 : i32
      %dma_wait3A_196 = arith.constant 0 : i32
      %dma_wait3A_197 = tpu.memref_slice %arg14[%dma_wait3A_195, %dma_wait3A_196] : memref<10112x128xbf16, #tpu.memory_space<vmem_shared>> -> memref<10112x128xbf16, #tpu.memory_space<vmem_shared>>
      tpu.wait_indirect_dma semaphore(%run_scoped3A_185 : memref<!tpu.dma_semaphore, #tpu.memory_space<semaphore_mem>>) src(%arg12 : memref<80x128xbf16, #tpu.memory_space<vmem>>) dst(%dma_wait3A_197 : memref<10112x128xbf16, #tpu.memory_space<vmem_shared>>)
      tpu.yield
    }) : () -> ()
    %barrier3A_82 = arith.constant 0 : index
    tpu.barrier barrier_id(%barrier3A_82)
    %mul3A_83 = arith.constant 632 : i32
    %mul3A_84 = arith.muli %arg1, %mul3A_83 : i32
    %mul3A_85 = arith.constant 632 : i32
    %mul3A_86 = arith.muli %arg1, %mul3A_85 : i32
    "tpu.region"() ({
      %run_scoped3A_185 = tpu.sem_alloc : memref<!tpu.dma_semaphore, #tpu.memory_space<semaphore_mem>>
      %dma_start3A_186 = arith.constant 0 : i32
      %dma_start3A_187 = tpu.memref_slice %arg7[%arg0, %mul3A_86, %dma_start3A_186] : memref<2x10112x128xbf16, #tpu.memory_space<hbm>> -> memref<1x632x128xbf16, #tpu.memory_space<hbm>>
      %dma_start3A_188 = tpu.memref_squeeze %dma_start3A_187 : memref<1x632x128xbf16, #tpu.memory_space<hbm>> -> memref<632x128xbf16, #tpu.memory_space<hbm>>
      %dma_start3A_189 = arith.constant 0 : i32
      %dma_start3A_190 = tpu.memref_slice %arg14[%mul3A_84, %dma_start3A_189] : memref<10112x128xbf16, #tpu.memory_space<vmem_shared>> -> memref<632x128xbf16, #tpu.memory_space<vmem_shared>>
      tpu.enqueue_dma source(%dma_start3A_190 : memref<632x128xbf16, #tpu.memory_space<vmem_shared>>) target(%dma_start3A_188 : memref<632x128xbf16, #tpu.memory_space<hbm>>) target_semaphore(%run_scoped3A_185 : memref<!tpu.dma_semaphore, #tpu.memory_space<semaphore_mem>>)
      %dma_wait3A_191 = arith.constant 0 : i32
      %dma_wait3A_192 = tpu.memref_slice %arg7[%arg0, %mul3A_86, %dma_wait3A_191] : memref<2x10112x128xbf16, #tpu.memory_space<hbm>> -> memref<1x632x128xbf16, #tpu.memory_space<hbm>>
      %dma_wait3A_193 = tpu.memref_squeeze %dma_wait3A_192 : memref<1x632x128xbf16, #tpu.memory_space<hbm>> -> memref<632x128xbf16, #tpu.memory_space<hbm>>
      %dma_wait3A_194 = arith.constant 0 : i32
      %dma_wait3A_195 = tpu.memref_slice %arg14[%mul3A_84, %dma_wait3A_194] : memref<10112x128xbf16, #tpu.memory_space<vmem_shared>> -> memref<632x128xbf16, #tpu.memory_space<vmem_shared>>
      tpu.wait_dma2 semaphore(%run_scoped3A_185 : memref<!tpu.dma_semaphore, #tpu.memory_space<semaphore_mem>>) src(%dma_wait3A_195 : memref<632x128xbf16, #tpu.memory_space<vmem_shared>>) dst(%dma_wait3A_193 : memref<632x128xbf16, #tpu.memory_space<hbm>>)
      tpu.yield
    }) : () -> ()
    %barrier3A_87 = arith.constant 0 : index
    tpu.barrier barrier_id(%barrier3A_87)
    %mul3A_88 = arith.constant 10000 : i32
    %mul3A_89 = arith.muli %arg0, %mul3A_88 : i32
    %mul3A_90 = arith.constant 632 : i32
    %mul3A_91 = arith.muli %arg1, %mul3A_90 : i32
    "tpu.region"() ({
      %run_scoped3A_185 = tpu.sem_alloc : memref<!tpu.dma_semaphore, #tpu.memory_space<semaphore_mem>>
      %dma_start3A_186 = arith.constant 0 : i32
      %dma_start3A_187 = tpu.memref_slice %arg14[%mul3A_91, %dma_start3A_186] : memref<10112x128xbf16, #tpu.memory_space<vmem_shared>> -> memref<632x128xbf16, #tpu.memory_space<vmem_shared>>
      tpu.enqueue_dma source(%arg6 : memref<632x128xbf16, #tpu.memory_space<hbm>>) target(%dma_start3A_187 : memref<632x128xbf16, #tpu.memory_space<vmem_shared>>) target_semaphore(%run_scoped3A_185 : memref<!tpu.dma_semaphore, #tpu.memory_space<semaphore_mem>>)
      %dma_wait3A_188 = arith.constant 0 : i32
      %dma_wait3A_189 = tpu.memref_slice %arg14[%mul3A_91, %dma_wait3A_188] : memref<10112x128xbf16, #tpu.memory_space<vmem_shared>> -> memref<632x128xbf16, #tpu.memory_space<vmem_shared>>
      tpu.wait_dma2 semaphore(%run_scoped3A_185 : memref<!tpu.dma_semaphore, #tpu.memory_space<semaphore_mem>>) src(%arg6 : memref<632x128xbf16, #tpu.memory_space<hbm>>) dst(%dma_wait3A_189 : memref<632x128xbf16, #tpu.memory_space<vmem_shared>>)
      tpu.yield
    }) : () -> ()
    %barrier3A_92 = arith.constant 0 : index
    tpu.barrier barrier_id(%barrier3A_92)
    %get3A_93 = arith.constant 0 : i32
    %get3A_94 = arith.index_cast %get3A_93 : i32 to index
    %get3A_95 = arith.constant 0 : index
    %get3A_96 = tpu.vector_load %arg10[%get3A_94, %get3A_95] {strides = array<i32>} : memref<125x80xi32, #tpu.memory_space<vmem>>, vector<1x16xi32>,
    %get3A_97 = vector.shape_cast %get3A_96 : vector<1x16xi32> to vector<16xi32>
    %add3A_98 = vector.broadcast %mul3A_89 : i32 to vector<16xi32>
    %add3A_99 = arith.addi %get3A_97, %add3A_98 : vector<16xi32>
    %swap3A_100 = arith.constant 0 : i32
    %swap3A_101 = arith.index_cast %swap3A_100 : i32 to index
    %swap3A_102 = arith.constant 0 : index
    %swap3A_103 = tpu.vector_load %arg11[%swap3A_101, %swap3A_102] {strides = array<i32>} : memref<2x80xi32, #tpu.memory_space<vmem>>, vector<1x16xi32>,
    %swap3A_104 = vector.shape_cast %swap3A_103 : vector<1x16xi32> to vector<16xi32>
    %swap3A_105 = vector.shape_cast %add3A_99 : vector<16xi32> to vector<1x16xi32>
    tpu.vector_store %arg11[%swap3A_101, %swap3A_102], %swap3A_105 {strides = array<i32>} : memref<2x80xi32, #tpu.memory_space<vmem>>, vector<1x16xi32>,
    %get3A_106 = arith.constant 0 : i32
    %get3A_107 = arith.index_cast %get3A_106 : i32 to index
    %get3A_108 = arith.constant 16 : index
    %get3A_109 = tpu.vector_load %arg10[%get3A_107, %get3A_108] {strides = array<i32>} : memref<125x80xi32, #tpu.memory_space<vmem>>, vector<1x16xi32>,
    %get3A_110 = vector.shape_cast %get3A_109 : vector<1x16xi32> to vector<16xi32>
    %add3A_111 = vector.broadcast %mul3A_89 : i32 to vector<16xi32>
    %add3A_112 = arith.addi %get3A_110, %add3A_111 : vector<16xi32>
    %swap3A_113 = arith.constant 0 : i32
    %swap3A_114 = arith.index_cast %swap3A_113 : i32 to index
    %swap3A_115 = arith.constant 16 : index
    %swap3A_116 = tpu.vector_load %arg11[%swap3A_114, %swap3A_115] {strides = array<i32>} : memref<2x80xi32, #tpu.memory_space<vmem>>, vector<1x16xi32>,
    %swap3A_117 = vector.shape_cast %swap3A_116 : vector<1x16xi32> to vector<16xi32>
    %swap3A_118 = vector.shape_cast %add3A_112 : vector<16xi32> to vector<1x16xi32>
    tpu.vector_store %arg11[%swap3A_114, %swap3A_115], %swap3A_118 {strides = array<i32>} : memref<2x80xi32, #tpu.memory_space<vmem>>, vector<1x16xi32>,
    %get3A_119 = arith.constant 0 : i32
    %get3A_120 = arith.index_cast %get3A_119 : i32 to index
    %get3A_121 = arith.constant 32 : index
    %get3A_122 = tpu.vector_load %arg10[%get3A_120, %get3A_121] {strides = array<i32>} : memref<125x80xi32, #tpu.memory_space<vmem>>, vector<1x16xi32>,
    %get3A_123 = vector.shape_cast %get3A_122 : vector<1x16xi32> to vector<16xi32>
    %add3A_124 = vector.broadcast %mul3A_89 : i32 to vector<16xi32>
    %add3A_125 = arith.addi %get3A_123, %add3A_124 : vector<16xi32>
    %swap3A_126 = arith.constant 0 : i32
    %swap3A_127 = arith.index_cast %swap3A_126 : i32 to index
    %swap3A_128 = arith.constant 32 : index
    %swap3A_129 = tpu.vector_load %arg11[%swap3A_127, %swap3A_128] {strides = array<i32>} : memref<2x80xi32, #tpu.memory_space<vmem>>, vector<1x16xi32>,
    %swap3A_130 = vector.shape_cast %swap3A_129 : vector<1x16xi32> to vector<16xi32>
    %swap3A_131 = vector.shape_cast %add3A_125 : vector<16xi32> to vector<1x16xi32>
    tpu.vector_store %arg11[%swap3A_127, %swap3A_128], %swap3A_131 {strides = array<i32>} : memref<2x80xi32, #tpu.memory_space<vmem>>, vector<1x16xi32>,
    %get3A_132 = arith.constant 0 : i32
    %get3A_133 = arith.index_cast %get3A_132 : i32 to index
    %get3A_134 = arith.constant 48 : index
    %get3A_135 = tpu.vector_load %arg10[%get3A_133, %get3A_134] {strides = array<i32>} : memref<125x80xi32, #tpu.memory_space<vmem>>, vector<1x16xi32>,
    %get3A_136 = vector.shape_cast %get3A_135 : vector<1x16xi32> to vector<16xi32>
    %add3A_137 = vector.broadcast %mul3A_89 : i32 to vector<16xi32>
    %add3A_138 = arith.addi %get3A_136, %add3A_137 : vector<16xi32>
    %swap3A_139 = arith.constant 0 : i32
    %swap3A_140 = arith.index_cast %swap3A_139 : i32 to index
    %swap3A_141 = arith.constant 48 : index
    %swap3A_142 = tpu.vector_load %arg11[%swap3A_140, %swap3A_141] {strides = array<i32>} : memref<2x80xi32, #tpu.memory_space<vmem>>, vector<1x16xi32>,
    %swap3A_143 = vector.shape_cast %swap3A_142 : vector<1x16xi32> to vector<16xi32>
    %swap3A_144 = vector.shape_cast %add3A_138 : vector<16xi32> to vector<1x16xi32>
    tpu.vector_store %arg11[%swap3A_140, %swap3A_141], %swap3A_144 {strides = array<i32>} : memref<2x80xi32, #tpu.memory_space<vmem>>, vector<1x16xi32>,
    %get3A_145 = arith.constant 0 : i32
    %get3A_146 = arith.index_cast %get3A_145 : i32 to index
    %get3A_147 = arith.constant 64 : index
    %get3A_148 = tpu.vector_load %arg10[%get3A_146, %get3A_147] {strides = array<i32>} : memref<125x80xi32, #tpu.memory_space<vmem>>, vector<1x16xi32>,
    %get3A_149 = vector.shape_cast %get3A_148 : vector<1x16xi32> to vector<16xi32>
    %add3A_150 = vector.broadcast %mul3A_89 : i32 to vector<16xi32>
    %add3A_151 = arith.addi %get3A_149, %add3A_150 : vector<16xi32>
    %swap3A_152 = arith.constant 0 : i32
    %swap3A_153 = arith.index_cast %swap3A_152 : i32 to index
    %swap3A_154 = arith.constant 64 : index
    %swap3A_155 = tpu.vector_load %arg11[%swap3A_153, %swap3A_154] {strides = array<i32>} : memref<2x80xi32, #tpu.memory_space<vmem>>, vector<1x16xi32>,
    %swap3A_156 = vector.shape_cast %swap3A_155 : vector<1x16xi32> to vector<16xi32>
    %swap3A_157 = vector.shape_cast %add3A_151 : vector<16xi32> to vector<1x16xi32>
    tpu.vector_store %arg11[%swap3A_153, %swap3A_154], %swap3A_157 {strides = array<i32>} : memref<2x80xi32, #tpu.memory_space<vmem>>, vector<1x16xi32>,
    %dma_start3A_158 = arith.constant 0 : i32
    %dma_start3A_159 = arith.constant 0 : i32
    %dma_start3A_160 = tpu.memref_slice %arg11[%dma_start3A_158, %dma_start3A_159] : memref<2x80xi32, #tpu.memory_space<vmem>> -> memref<1x80xi32, #tpu.memory_space<vmem>>
    %dma_start3A_161 = tpu.memref_squeeze %dma_start3A_160 : memref<1x80xi32, #tpu.memory_space<vmem>> -> memref<80xi32, #tpu.memory_space<vmem>>
    %dma_start3A_162 = arith.constant 0 : i32
    %dma_start3A_163 = arith.constant 0 : i32
    %dma_start3A_164 = tpu.memref_slice %arg3[%dma_start3A_162, %dma_start3A_163] : memref<20000x128xbf16, #tpu.memory_space<hbm>> -> memref<20000x128xbf16, #tpu.memory_space<hbm>>
    tpu.enqueue_indirect_dma source(%dma_start3A_164 : memref<20000x128xbf16, #tpu.memory_space<hbm>>) target(%arg12 : memref<80x128xbf16, #tpu.memory_space<vmem>>) offsets(%dma_start3A_161 : memref<80xi32, #tpu.memory_space<vmem>>) semaphore(%arg15 : memref<!tpu.dma_semaphore, #tpu.memory_space<semaphore_mem>>)
    %scan3A_165 = arith.constant 0 : i32
    %scan3A_166 = arith.constant 0 : i32
    %scan3A_167 = arith.constant 62 : i32
    %scan3A_168 = arith.addi %scan3A_166, %scan3A_167 : i32
    %scan3A_169 = arith.constant 1 : i32
    scf.for %scan3A_185 = %scan3A_166 to %scan3A_168 step %scan3A_169  : i32 {
      %mul3A_186 = arith.constant 2 : i32
      %mul3A_187 = arith.muli %mul3A_186, %scan3A_185 : i32
      %dma_wait3A_188 = arith.constant 0 : i32
      %dma_wait3A_189 = arith.constant 0 : i32
      %dma_wait3A_190 = tpu.memref_slice %arg11[%dma_wait3A_188, %dma_wait3A_189] : memref<2x80xi32, #tpu.memory_space<vmem>> -> memref<1x80xi32, #tpu.memory_space<vmem>>
      %dma_wait3A_191 = tpu.memref_squeeze %dma_wait3A_190 : memref<1x80xi32, #tpu.memory_space<vmem>> -> memref<80xi32, #tpu.memory_space<vmem>>
      %dma_wait3A_192 = arith.constant 0 : i32
      %dma_wait3A_193 = arith.constant 0 : i32
      %dma_wait3A_194 = tpu.memref_slice %arg3[%dma_wait3A_192, %dma_wait3A_193] : memref<20000x128xbf16, #tpu.memory_space<hbm>> -> memref<20000x128xbf16, #tpu.memory_space<hbm>>
      tpu.wait_indirect_dma semaphore(%arg15 : memref<!tpu.dma_semaphore, #tpu.memory_space<semaphore_mem>>) src(%dma_wait3A_194 : memref<20000x128xbf16, #tpu.memory_space<hbm>>) dst(%arg12 : memref<80x128xbf16, #tpu.memory_space<vmem>>)
      %add3A_195 = arith.constant 1 : i32
      %add3A_196 = arith.addi %mul3A_187, %add3A_195 : i32
      %get3A_197 = arith.index_cast %add3A_196 : i32 to index
      %get3A_198 = arith.constant 0 : index
      %get3A_199 = tpu.vector_load %arg10[%get3A_197, %get3A_198] {strides = array<i32>} : memref<125x80xi32, #tpu.memory_space<vmem>>, vector<1x16xi32>,
      %get3A_200 = vector.shape_cast %get3A_199 : vector<1x16xi32> to vector<16xi32>
      %add3A_201 = vector.broadcast %mul3A_89 : i32 to vector<16xi32>
      %add3A_202 = arith.addi %get3A_200, %add3A_201 : vector<16xi32>
      %swap3A_203 = arith.constant 1 : i32
      %swap3A_204 = arith.index_cast %swap3A_203 : i32 to index
      %swap3A_205 = arith.constant 0 : index
      %swap3A_206 = tpu.vector_load %arg11[%swap3A_204, %swap3A_205] {strides = array<i32>} : memref<2x80xi32, #tpu.memory_space<vmem>>, vector<1x16xi32>,
      %swap3A_207 = vector.shape_cast %swap3A_206 : vector<1x16xi32> to vector<16xi32>
      %swap3A_208 = vector.shape_cast %add3A_202 : vector<16xi32> to vector<1x16xi32>
      tpu.vector_store %arg11[%swap3A_204, %swap3A_205], %swap3A_208 {strides = array<i32>} : memref<2x80xi32, #tpu.memory_space<vmem>>, vector<1x16xi32>,
      %get3A_209 = arith.index_cast %add3A_196 : i32 to index
      %get3A_210 = arith.constant 16 : index
      %get3A_211 = tpu.vector_load %arg10[%get3A_209, %get3A_210] {strides = array<i32>} : memref<125x80xi32, #tpu.memory_space<vmem>>, vector<1x16xi32>,
      %get3A_212 = vector.shape_cast %get3A_211 : vector<1x16xi32> to vector<16xi32>
      %add3A_213 = vector.broadcast %mul3A_89 : i32 to vector<16xi32>
      %add3A_214 = arith.addi %get3A_212, %add3A_213 : vector<16xi32>
      %swap3A_215 = arith.constant 1 : i32
      %swap3A_216 = arith.index_cast %swap3A_215 : i32 to index
      %swap3A_217 = arith.constant 16 : index
      %swap3A_218 = tpu.vector_load %arg11[%swap3A_216, %swap3A_217] {strides = array<i32>} : memref<2x80xi32, #tpu.memory_space<vmem>>, vector<1x16xi32>,
      %swap3A_219 = vector.shape_cast %swap3A_218 : vector<1x16xi32> to vector<16xi32>
      %swap3A_220 = vector.shape_cast %add3A_214 : vector<16xi32> to vector<1x16xi32>
      tpu.vector_store %arg11[%swap3A_216, %swap3A_217], %swap3A_220 {strides = array<i32>} : memref<2x80xi32, #tpu.memory_space<vmem>>, vector<1x16xi32>,
      %get3A_221 = arith.index_cast %add3A_196 : i32 to index
      %get3A_222 = arith.constant 32 : index
      %get3A_223 = tpu.vector_load %arg10[%get3A_221, %get3A_222] {strides = array<i32>} : memref<125x80xi32, #tpu.memory_space<vmem>>, vector<1x16xi32>,
      %get3A_224 = vector.shape_cast %get3A_223 : vector<1x16xi32> to vector<16xi32>
      %add3A_225 = vector.broadcast %mul3A_89 : i32 to vector<16xi32>
      %add3A_226 = arith.addi %get3A_224, %add3A_225 : vector<16xi32>
      %swap3A_227 = arith.constant 1 : i32
      %swap3A_228 = arith.index_cast %swap3A_227 : i32 to index
      %swap3A_229 = arith.constant 32 : index
      %swap3A_230 = tpu.vector_load %arg11[%swap3A_228, %swap3A_229] {strides = array<i32>} : memref<2x80xi32, #tpu.memory_space<vmem>>, vector<1x16xi32>,
      %swap3A_231 = vector.shape_cast %swap3A_230 : vector<1x16xi32> to vector<16xi32>
      %swap3A_232 = vector.shape_cast %add3A_226 : vector<16xi32> to vector<1x16xi32>
      tpu.vector_store %arg11[%swap3A_228, %swap3A_229], %swap3A_232 {strides = array<i32>} : memref<2x80xi32, #tpu.memory_space<vmem>>, vector<1x16xi32>,
      %get3A_233 = arith.index_cast %add3A_196 : i32 to index
      %get3A_234 = arith.constant 48 : index
      %get3A_235 = tpu.vector_load %arg10[%get3A_233, %get3A_234] {strides = array<i32>} : memref<125x80xi32, #tpu.memory_space<vmem>>, vector<1x16xi32>,
      %get3A_236 = vector.shape_cast %get3A_235 : vector<1x16xi32> to vector<16xi32>
      %add3A_237 = vector.broadcast %mul3A_89 : i32 to vector<16xi32>
      %add3A_238 = arith.addi %get3A_236, %add3A_237 : vector<16xi32>
      %swap3A_239 = arith.constant 1 : i32
      %swap3A_240 = arith.index_cast %swap3A_239 : i32 to index
      %swap3A_241 = arith.constant 48 : index
      %swap3A_242 = tpu.vector_load %arg11[%swap3A_240, %swap3A_241] {strides = array<i32>} : memref<2x80xi32, #tpu.memory_space<vmem>>, vector<1x16xi32>,
      %swap3A_243 = vector.shape_cast %swap3A_242 : vector<1x16xi32> to vector<16xi32>
      %swap3A_244 = vector.shape_cast %add3A_238 : vector<16xi32> to vector<1x16xi32>
      tpu.vector_store %arg11[%swap3A_240, %swap3A_241], %swap3A_244 {strides = array<i32>} : memref<2x80xi32, #tpu.memory_space<vmem>>, vector<1x16xi32>,
      %get3A_245 = arith.index_cast %add3A_196 : i32 to index
      %get3A_246 = arith.constant 64 : index
      %get3A_247 = tpu.vector_load %arg10[%get3A_245, %get3A_246] {strides = array<i32>} : memref<125x80xi32, #tpu.memory_space<vmem>>, vector<1x16xi32>,
      %get3A_248 = vector.shape_cast %get3A_247 : vector<1x16xi32> to vector<16xi32>
      %add3A_249 = vector.broadcast %mul3A_89 : i32 to vector<16xi32>
      %add3A_250 = arith.addi %get3A_248, %add3A_249 : vector<16xi32>
      %swap3A_251 = arith.constant 1 : i32
      %swap3A_252 = arith.index_cast %swap3A_251 : i32 to index
      %swap3A_253 = arith.constant 64 : index
      %swap3A_254 = tpu.vector_load %arg11[%swap3A_252, %swap3A_253] {strides = array<i32>} : memref<2x80xi32, #tpu.memory_space<vmem>>, vector<1x16xi32>,
      %swap3A_255 = vector.shape_cast %swap3A_254 : vector<1x16xi32> to vector<16xi32>
      %swap3A_256 = vector.shape_cast %add3A_250 : vector<16xi32> to vector<1x16xi32>
      tpu.vector_store %arg11[%swap3A_252, %swap3A_253], %swap3A_256 {strides = array<i32>} : memref<2x80xi32, #tpu.memory_space<vmem>>, vector<1x16xi32>,
      %dma_start3A_257 = arith.constant 1 : i32
      %dma_start3A_258 = arith.constant 0 : i32
      %dma_start3A_259 = tpu.memref_slice %arg11[%dma_start3A_257, %dma_start3A_258] : memref<2x80xi32, #tpu.memory_space<vmem>> -> memref<1x80xi32, #tpu.memory_space<vmem>>
      %dma_start3A_260 = tpu.memref_squeeze %dma_start3A_259 : memref<1x80xi32, #tpu.memory_space<vmem>> -> memref<80xi32, #tpu.memory_space<vmem>>
      %dma_start3A_261 = arith.constant 0 : i32
      %dma_start3A_262 = arith.constant 0 : i32
      %dma_start3A_263 = tpu.memref_slice %arg3[%dma_start3A_261, %dma_start3A_262] : memref<20000x128xbf16, #tpu.memory_space<hbm>> -> memref<20000x128xbf16, #tpu.memory_space<hbm>>
      tpu.enqueue_indirect_dma source(%dma_start3A_263 : memref<20000x128xbf16, #tpu.memory_space<hbm>>) target(%arg13 : memref<80x128xbf16, #tpu.memory_space<vmem>>) offsets(%dma_start3A_260 : memref<80xi32, #tpu.memory_space<vmem>>) semaphore(%arg16 : memref<!tpu.dma_semaphore, #tpu.memory_space<semaphore_mem>>)
      "tpu.region"() ({
        %run_scoped3A_277 = tpu.sem_alloc : memref<!tpu.dma_semaphore, #tpu.memory_space<semaphore_mem>>
        %dma_start3A_278 = arith.constant 0 : i32
        %dma_start3A_279 = tpu.memref_slice %arg9[%mul3A_187, %dma_start3A_278] : memref<125x80xi32, #tpu.memory_space<vmem>> -> memref<1x80xi32, #tpu.memory_space<vmem>>
        %dma_start3A_280 = tpu.memref_squeeze %dma_start3A_279 : memref<1x80xi32, #tpu.memory_space<vmem>> -> memref<80xi32, #tpu.memory_space<vmem>>
        %dma_start3A_281 = arith.constant 0 : i32
        %dma_start3A_282 = arith.constant 0 : i32
        %dma_start3A_283 = tpu.memref_slice %arg14[%dma_start3A_281, %dma_start3A_282] : memref<10112x128xbf16, #tpu.memory_space<vmem_shared>> -> memref<10112x128xbf16, #tpu.memory_space<vmem_shared>>
        tpu.enqueue_indirect_dma source(%arg12 : memref<80x128xbf16, #tpu.memory_space<vmem>>) target(%dma_start3A_283 : memref<10112x128xbf16, #tpu.memory_space<vmem_shared>>) offsets(%dma_start3A_280 : memref<80xi32, #tpu.memory_space<vmem>>) semaphore(%run_scoped3A_277 : memref<!tpu.dma_semaphore, #tpu.memory_space<semaphore_mem>>) {add = true}
        %dma_wait3A_284 = arith.constant 0 : i32
        %dma_wait3A_285 = tpu.memref_slice %arg9[%mul3A_187, %dma_wait3A_284] : memref<125x80xi32, #tpu.memory_space<vmem>> -> memref<1x80xi32, #tpu.memory_space<vmem>>
        %dma_wait3A_286 = tpu.memref_squeeze %dma_wait3A_285 : memref<1x80xi32, #tpu.memory_space<vmem>> -> memref<80xi32, #tpu.memory_space<vmem>>
        %dma_wait3A_287 = arith.constant 0 : i32
        %dma_wait3A_288 = arith.constant 0 : i32
        %dma_wait3A_289 = tpu.memref_slice %arg14[%dma_wait3A_287, %dma_wait3A_288] : memref<10112x128xbf16, #tpu.memory_space<vmem_shared>> -> memref<10112x128xbf16, #tpu.memory_space<vmem_shared>>
        tpu.wait_indirect_dma semaphore(%run_scoped3A_277 : memref<!tpu.dma_semaphore, #tpu.memory_space<semaphore_mem>>) src(%arg12 : memref<80x128xbf16, #tpu.memory_space<vmem>>) dst(%dma_wait3A_289 : memref<10112x128xbf16, #tpu.memory_space<vmem_shared>>)
        tpu.yield
      }) : () -> ()
      %dma_wait3A_264 = arith.constant 1 : i32
      %dma_wait3A_265 = arith.constant 0 : i32
      %dma_wait3A_266 = tpu.memref_slice %arg11[%dma_wait3A_264, %dma_wait3A_265] : memref<2x80xi32, #tpu.memory_space<vmem>> -> memref<1x80xi32, #tpu.memory_space<vmem>>
      %dma_wait3A_267 = tpu.memref_squeeze %dma_wait3A_266 : memref<1x80xi32, #tpu.memory_space<vmem>> -> memref<80xi32, #tpu.memory_space<vmem>>
      %dma_wait3A_268 = arith.constant 0 : i32
      %dma_wait3A_269 = arith.constant 0 : i32
      %dma_wait3A_270 = tpu.memref_slice %arg3[%dma_wait3A_268, %dma_wait3A_269] : memref<20000x128xbf16, #tpu.memory_space<hbm>> -> memref<20000x128xbf16, #tpu.memory_space<hbm>>
      tpu.wait_indirect_dma semaphore(%arg16 : memref<!tpu.dma_semaphore, #tpu.memory_space<semaphore_mem>>) src(%dma_wait3A_270 : memref<20000x128xbf16, #tpu.memory_space<hbm>>) dst(%arg13 : memref<80x128xbf16, #tpu.memory_space<vmem>>)
      %add3A_271 = arith.constant 2 : i32
      %add3A_272 = arith.addi %mul3A_187, %add3A_271 : i32
      %lt3A = arith.constant 125 : i32
      %lt3A_273 = arith.cmpi slt, %add3A_272, %lt3A : i32
      %convert_element_type3A = arith.extui %lt3A_273 : i1 to i32
      %cond3A = arith.constant 0 : i32
      %cond3A_274 = arith.cmpi ne, %convert_element_type3A, %cond3A : i32
      scf.if %cond3A_274 {
        %add3A_277 = arith.constant 2 : i32
        %add3A_278 = arith.addi %mul3A_187, %add3A_277 : i32
        %get3A_279 = arith.index_cast %add3A_278 : i32 to index
        %get3A_280 = arith.constant 0 : index
        %get3A_281 = tpu.vector_load %arg10[%get3A_279, %get3A_280] {strides = array<i32>} : memref<125x80xi32, #tpu.memory_space<vmem>>, vector<1x16xi32>,
        %get3A_282 = vector.shape_cast %get3A_281 : vector<1x16xi32> to vector<16xi32>
        %add3A_283 = vector.broadcast %mul3A_89 : i32 to vector<16xi32>
        %add3A_284 = arith.addi %get3A_282, %add3A_283 : vector<16xi32>
        %swap3A_285 = arith.constant 0 : i32
        %swap3A_286 = arith.index_cast %swap3A_285 : i32 to index
        %swap3A_287 = arith.constant 0 : index
        %swap3A_288 = tpu.vector_load %arg11[%swap3A_286, %swap3A_287] {strides = array<i32>} : memref<2x80xi32, #tpu.memory_space<vmem>>, vector<1x16xi32>,
        %swap3A_289 = vector.shape_cast %swap3A_288 : vector<1x16xi32> to vector<16xi32>
        %swap3A_290 = vector.shape_cast %add3A_284 : vector<16xi32> to vector<1x16xi32>
        tpu.vector_store %arg11[%swap3A_286, %swap3A_287], %swap3A_290 {strides = array<i32>} : memref<2x80xi32, #tpu.memory_space<vmem>>, vector<1x16xi32>,
        %get3A_291 = arith.index_cast %add3A_278 : i32 to index
        %get3A_292 = arith.constant 16 : index
        %get3A_293 = tpu.vector_load %arg10[%get3A_291, %get3A_292] {strides = array<i32>} : memref<125x80xi32, #tpu.memory_space<vmem>>, vector<1x16xi32>,
        %get3A_294 = vector.shape_cast %get3A_293 : vector<1x16xi32> to vector<16xi32>
        %add3A_295 = vector.broadcast %mul3A_89 : i32 to vector<16xi32>
        %add3A_296 = arith.addi %get3A_294, %add3A_295 : vector<16xi32>
        %swap3A_297 = arith.constant 0 : i32
        %swap3A_298 = arith.index_cast %swap3A_297 : i32 to index
        %swap3A_299 = arith.constant 16 : index
        %swap3A_300 = tpu.vector_load %arg11[%swap3A_298, %swap3A_299] {strides = array<i32>} : memref<2x80xi32, #tpu.memory_space<vmem>>, vector<1x16xi32>,
        %swap3A_301 = vector.shape_cast %swap3A_300 : vector<1x16xi32> to vector<16xi32>
        %swap3A_302 = vector.shape_cast %add3A_296 : vector<16xi32> to vector<1x16xi32>
        tpu.vector_store %arg11[%swap3A_298, %swap3A_299], %swap3A_302 {strides = array<i32>} : memref<2x80xi32, #tpu.memory_space<vmem>>, vector<1x16xi32>,
        %get3A_303 = arith.index_cast %add3A_278 : i32 to index
        %get3A_304 = arith.constant 32 : index
        %get3A_305 = tpu.vector_load %arg10[%get3A_303, %get3A_304] {strides = array<i32>} : memref<125x80xi32, #tpu.memory_space<vmem>>, vector<1x16xi32>,
        %get3A_306 = vector.shape_cast %get3A_305 : vector<1x16xi32> to vector<16xi32>
        %add3A_307 = vector.broadcast %mul3A_89 : i32 to vector<16xi32>
        %add3A_308 = arith.addi %get3A_306, %add3A_307 : vector<16xi32>
        %swap3A_309 = arith.constant 0 : i32
        %swap3A_310 = arith.index_cast %swap3A_309 : i32 to index
        %swap3A_311 = arith.constant 32 : index
        %swap3A_312 = tpu.vector_load %arg11[%swap3A_310, %swap3A_311] {strides = array<i32>} : memref<2x80xi32, #tpu.memory_space<vmem>>, vector<1x16xi32>,
        %swap3A_313 = vector.shape_cast %swap3A_312 : vector<1x16xi32> to vector<16xi32>
        %swap3A_314 = vector.shape_cast %add3A_308 : vector<16xi32> to vector<1x16xi32>
        tpu.vector_store %arg11[%swap3A_310, %swap3A_311], %swap3A_314 {strides = array<i32>} : memref<2x80xi32, #tpu.memory_space<vmem>>, vector<1x16xi32>,
        %get3A_315 = arith.index_cast %add3A_278 : i32 to index
        %get3A_316 = arith.constant 48 : index
        %get3A_317 = tpu.vector_load %arg10[%get3A_315, %get3A_316] {strides = array<i32>} : memref<125x80xi32, #tpu.memory_space<vmem>>, vector<1x16xi32>,
        %get3A_318 = vector.shape_cast %get3A_317 : vector<1x16xi32> to vector<16xi32>
        %add3A_319 = vector.broadcast %mul3A_89 : i32 to vector<16xi32>
        %add3A_320 = arith.addi %get3A_318, %add3A_319 : vector<16xi32>
        %swap3A_321 = arith.constant 0 : i32
        %swap3A_322 = arith.index_cast %swap3A_321 : i32 to index
        %swap3A_323 = arith.constant 48 : index
        %swap3A_324 = tpu.vector_load %arg11[%swap3A_322, %swap3A_323] {strides = array<i32>} : memref<2x80xi32, #tpu.memory_space<vmem>>, vector<1x16xi32>,
        %swap3A_325 = vector.shape_cast %swap3A_324 : vector<1x16xi32> to vector<16xi32>
        %swap3A_326 = vector.shape_cast %add3A_320 : vector<16xi32> to vector<1x16xi32>
        tpu.vector_store %arg11[%swap3A_322, %swap3A_323], %swap3A_326 {strides = array<i32>} : memref<2x80xi32, #tpu.memory_space<vmem>>, vector<1x16xi32>,
        %get3A_327 = arith.index_cast %add3A_278 : i32 to index
        %get3A_328 = arith.constant 64 : index
        %get3A_329 = tpu.vector_load %arg10[%get3A_327, %get3A_328] {strides = array<i32>} : memref<125x80xi32, #tpu.memory_space<vmem>>, vector<1x16xi32>,
        %get3A_330 = vector.shape_cast %get3A_329 : vector<1x16xi32> to vector<16xi32>
        %add3A_331 = vector.broadcast %mul3A_89 : i32 to vector<16xi32>
        %add3A_332 = arith.addi %get3A_330, %add3A_331 : vector<16xi32>
        %swap3A_333 = arith.constant 0 : i32
        %swap3A_334 = arith.index_cast %swap3A_333 : i32 to index
        %swap3A_335 = arith.constant 64 : index
        %swap3A_336 = tpu.vector_load %arg11[%swap3A_334, %swap3A_335] {strides = array<i32>} : memref<2x80xi32, #tpu.memory_space<vmem>>, vector<1x16xi32>,
        %swap3A_337 = vector.shape_cast %swap3A_336 : vector<1x16xi32> to vector<16xi32>
        %swap3A_338 = vector.shape_cast %add3A_332 : vector<16xi32> to vector<1x16xi32>
        tpu.vector_store %arg11[%swap3A_334, %swap3A_335], %swap3A_338 {strides = array<i32>} : memref<2x80xi32, #tpu.memory_space<vmem>>, vector<1x16xi32>,
        %dma_start3A_339 = arith.constant 0 : i32
        %dma_start3A_340 = arith.constant 0 : i32
        %dma_start3A_341 = tpu.memref_slice %arg11[%dma_start3A_339, %dma_start3A_340] : memref<2x80xi32, #tpu.memory_space<vmem>> -> memref<1x80xi32, #tpu.memory_space<vmem>>
        %dma_start3A_342 = tpu.memref_squeeze %dma_start3A_341 : memref<1x80xi32, #tpu.memory_space<vmem>> -> memref<80xi32, #tpu.memory_space<vmem>>
        %dma_start3A_343 = arith.constant 0 : i32
        %dma_start3A_344 = arith.constant 0 : i32
        %dma_start3A_345 = tpu.memref_slice %arg3[%dma_start3A_343, %dma_start3A_344] : memref<20000x128xbf16, #tpu.memory_space<hbm>> -> memref<20000x128xbf16, #tpu.memory_space<hbm>>
        tpu.enqueue_indirect_dma source(%dma_start3A_345 : memref<20000x128xbf16, #tpu.memory_space<hbm>>) target(%arg12 : memref<80x128xbf16, #tpu.memory_space<vmem>>) offsets(%dma_start3A_342 : memref<80xi32, #tpu.memory_space<vmem>>) semaphore(%arg15 : memref<!tpu.dma_semaphore, #tpu.memory_space<semaphore_mem>>)
      } else {
      }
      %add3A_275 = arith.constant 1 : i32
      %add3A_276 = arith.addi %mul3A_187, %add3A_275 : i32
      "tpu.region"() ({
        %run_scoped3A_277 = tpu.sem_alloc : memref<!tpu.dma_semaphore, #tpu.memory_space<semaphore_mem>>
        %dma_start3A_278 = arith.constant 0 : i32
        %dma_start3A_279 = tpu.memref_slice %arg9[%add3A_276, %dma_start3A_278] : memref<125x80xi32, #tpu.memory_space<vmem>> -> memref<1x80xi32, #tpu.memory_space<vmem>>
        %dma_start3A_280 = tpu.memref_squeeze %dma_start3A_279 : memref<1x80xi32, #tpu.memory_space<vmem>> -> memref<80xi32, #tpu.memory_space<vmem>>
        %dma_start3A_281 = arith.constant 0 : i32
        %dma_start3A_282 = arith.constant 0 : i32
        %dma_start3A_283 = tpu.memref_slice %arg14[%dma_start3A_281, %dma_start3A_282] : memref<10112x128xbf16, #tpu.memory_space<vmem_shared>> -> memref<10112x128xbf16, #tpu.memory_space<vmem_shared>>
        tpu.enqueue_indirect_dma source(%arg13 : memref<80x128xbf16, #tpu.memory_space<vmem>>) target(%dma_start3A_283 : memref<10112x128xbf16, #tpu.memory_space<vmem_shared>>) offsets(%dma_start3A_280 : memref<80xi32, #tpu.memory_space<vmem>>) semaphore(%run_scoped3A_277 : memref<!tpu.dma_semaphore, #tpu.memory_space<semaphore_mem>>) {add = true}
        %dma_wait3A_284 = arith.constant 0 : i32
        %dma_wait3A_285 = tpu.memref_slice %arg9[%add3A_276, %dma_wait3A_284] : memref<125x80xi32, #tpu.memory_space<vmem>> -> memref<1x80xi32, #tpu.memory_space<vmem>>
        %dma_wait3A_286 = tpu.memref_squeeze %dma_wait3A_285 : memref<1x80xi32, #tpu.memory_space<vmem>> -> memref<80xi32, #tpu.memory_space<vmem>>
        %dma_wait3A_287 = arith.constant 0 : i32
        %dma_wait3A_288 = arith.constant 0 : i32
        %dma_wait3A_289 = tpu.memref_slice %arg14[%dma_wait3A_287, %dma_wait3A_288] : memref<10112x128xbf16, #tpu.memory_space<vmem_shared>> -> memref<10112x128xbf16, #tpu.memory_space<vmem_shared>>
        tpu.wait_indirect_dma semaphore(%run_scoped3A_277 : memref<!tpu.dma_semaphore, #tpu.memory_space<semaphore_mem>>) src(%arg13 : memref<80x128xbf16, #tpu.memory_space<vmem>>) dst(%dma_wait3A_289 : memref<10112x128xbf16, #tpu.memory_space<vmem_shared>>)
        tpu.yield
      }) : () -> ()
    }
    %scan3A_170 = arith.constant 62 : i32
    %dma_wait3A_171 = arith.constant 0 : i32
    %dma_wait3A_172 = arith.constant 0 : i32
    %dma_wait3A_173 = tpu.memref_slice %arg11[%dma_wait3A_171, %dma_wait3A_172] : memref<2x80xi32, #tpu.memory_space<vmem>> -> memref<1x80xi32, #tpu.memory_space<vmem>>
    %dma_wait3A_174 = tpu.memref_squeeze %dma_wait3A_173 : memref<1x80xi32, #tpu.memory_space<vmem>> -> memref<80xi32, #tpu.memory_space<vmem>>
    %dma_wait3A_175 = arith.constant 0 : i32
    %dma_wait3A_176 = arith.constant 0 : i32
    %dma_wait3A_177 = tpu.memref_slice %arg3[%dma_wait3A_175, %dma_wait3A_176] : memref<20000x128xbf16, #tpu.memory_space<hbm>> -> memref<20000x128xbf16, #tpu.memory_space<hbm>>
    tpu.wait_indirect_dma semaphore(%arg15 : memref<!tpu.dma_semaphore, #tpu.memory_space<semaphore_mem>>) src(%dma_wait3A_177 : memref<20000x128xbf16, #tpu.memory_space<hbm>>) dst(%arg12 : memref<80x128xbf16, #tpu.memory_space<vmem>>)
    %run_scoped3A_178 = arith.constant 124 : i32
    "tpu.region"() ({
      %run_scoped3A_185 = tpu.sem_alloc : memref<!tpu.dma_semaphore, #tpu.memory_space<semaphore_mem>>
      %dma_start3A_186 = arith.constant 0 : i32
      %dma_start3A_187 = tpu.memref_slice %arg9[%run_scoped3A_178, %dma_start3A_186] : memref<125x80xi32, #tpu.memory_space<vmem>> -> memref<1x80xi32, #tpu.memory_space<vmem>>
      %dma_start3A_188 = tpu.memref_squeeze %dma_start3A_187 : memref<1x80xi32, #tpu.memory_space<vmem>> -> memref<80xi32, #tpu.memory_space<vmem>>
      %dma_start3A_189 = arith.constant 0 : i32
      %dma_start3A_190 = arith.constant 0 : i32
      %dma_start3A_191 = tpu.memref_slice %arg14[%dma_start3A_189, %dma_start3A_190] : memref<10112x128xbf16, #tpu.memory_space<vmem_shared>> -> memref<10112x128xbf16, #tpu.memory_space<vmem_shared>>
      tpu.enqueue_indirect_dma source(%arg12 : memref<80x128xbf16, #tpu.memory_space<vmem>>) target(%dma_start3A_191 : memref<10112x128xbf16, #tpu.memory_space<vmem_shared>>) offsets(%dma_start3A_188 : memref<80xi32, #tpu.memory_space<vmem>>) semaphore(%run_scoped3A_185 : memref<!tpu.dma_semaphore, #tpu.memory_space<semaphore_mem>>) {add = true}
      %dma_wait3A_192 = arith.constant 0 : i32
      %dma_wait3A_193 = tpu.memref_slice %arg9[%run_scoped3A_178, %dma_wait3A_192] : memref<125x80xi32, #tpu.memory_space<vmem>> -> memref<1x80xi32, #tpu.memory_space<vmem>>
      %dma_wait3A_194 = tpu.memref_squeeze %dma_wait3A_193 : memref<1x80xi32, #tpu.memory_space<vmem>> -> memref<80xi32, #tpu.memory_space<vmem>>
      %dma_wait3A_195 = arith.constant 0 : i32
      %dma_wait3A_196 = arith.constant 0 : i32
      %dma_wait3A_197 = tpu.memref_slice %arg14[%dma_wait3A_195, %dma_wait3A_196] : memref<10112x128xbf16, #tpu.memory_space<vmem_shared>> -> memref<10112x128xbf16, #tpu.memory_space<vmem_shared>>
      tpu.wait_indirect_dma semaphore(%run_scoped3A_185 : memref<!tpu.dma_semaphore, #tpu.memory_space<semaphore_mem>>) src(%arg12 : memref<80x128xbf16, #tpu.memory_space<vmem>>) dst(%dma_wait3A_197 : memref<10112x128xbf16, #tpu.memory_space<vmem_shared>>)
      tpu.yield
    }) : () -> ()
    %barrier3A_179 = arith.constant 0 : index
    tpu.barrier barrier_id(%barrier3A_179)
    %mul3A_180 = arith.constant 632 : i32
    %mul3A_181 = arith.muli %arg1, %mul3A_180 : i32
    %mul3A_182 = arith.constant 632 : i32
    %mul3A_183 = arith.muli %arg1, %mul3A_182 : i32
    "tpu.region"() ({
      %run_scoped3A_185 = tpu.sem_alloc : memref<!tpu.dma_semaphore, #tpu.memory_space<semaphore_mem>>
      %dma_start3A_186 = arith.constant 0 : i32
      %dma_start3A_187 = tpu.memref_slice %arg8[%arg0, %mul3A_183, %dma_start3A_186] : memref<2x10112x128xbf16, #tpu.memory_space<hbm>> -> memref<1x632x128xbf16, #tpu.memory_space<hbm>>
      %dma_start3A_188 = tpu.memref_squeeze %dma_start3A_187 : memref<1x632x128xbf16, #tpu.memory_space<hbm>> -> memref<632x128xbf16, #tpu.memory_space<hbm>>
      %dma_start3A_189 = arith.constant 0 : i32
      %dma_start3A_190 = tpu.memref_slice %arg14[%mul3A_181, %dma_start3A_189] : memref<10112x128xbf16, #tpu.memory_space<vmem_shared>> -> memref<632x128xbf16, #tpu.memory_space<vmem_shared>>
      tpu.enqueue_dma source(%dma_start3A_190 : memref<632x128xbf16, #tpu.memory_space<vmem_shared>>) target(%dma_start3A_188 : memref<632x128xbf16, #tpu.memory_space<hbm>>) target_semaphore(%run_scoped3A_185 : memref<!tpu.dma_semaphore, #tpu.memory_space<semaphore_mem>>)
      %dma_wait3A_191 = arith.constant 0 : i32
      %dma_wait3A_192 = tpu.memref_slice %arg8[%arg0, %mul3A_183, %dma_wait3A_191] : memref<2x10112x128xbf16, #tpu.memory_space<hbm>> -> memref<1x632x128xbf16, #tpu.memory_space<hbm>>
      %dma_wait3A_193 = tpu.memref_squeeze %dma_wait3A_192 : memref<1x632x128xbf16, #tpu.memory_space<hbm>> -> memref<632x128xbf16, #tpu.memory_space<hbm>>
      %dma_wait3A_194 = arith.constant 0 : i32
      %dma_wait3A_195 = tpu.memref_slice %arg14[%mul3A_181, %dma_wait3A_194] : memref<10112x128xbf16, #tpu.memory_space<vmem_shared>> -> memref<632x128xbf16, #tpu.memory_space<vmem_shared>>
      tpu.wait_dma2 semaphore(%run_scoped3A_185 : memref<!tpu.dma_semaphore, #tpu.memory_space<semaphore_mem>>) src(%dma_wait3A_195 : memref<632x128xbf16, #tpu.memory_space<vmem_shared>>) dst(%dma_wait3A_193 : memref<632x128xbf16, #tpu.memory_space<hbm>>)
      tpu.yield
    }) : () -> ()
    %barrier3A_184 = arith.constant 0 : index
    tpu.barrier barrier_id(%barrier3A_184)
    return
  }
}

#map = affine_map<(d0, d1) -> (0, 0, 0, 0)>
#map1 = affine_map<(d0, d1) -> (0)>
#map2 = affine_map<(d0, d1) -> (0, 0)>
#map3 = affine_map<(d0, d1) -> (0, 0, 0)>
module attributes {stable_mosaic.version = 14 : i64} {
  func.func @_s1_body(%arg0: i32, %arg1: i32, %arg2: memref<2x16x80x125xi32, #tpu.memory_space<hbm>>, %arg3: memref<320000xi32, #tpu.memory_space<hbm>>, %arg4: memref<320000xi32, #tpu.memory_space<hbm>>, %arg5: memref<125x16xf32, #tpu.memory_space<hbm>>, %arg6: memref<640x16xf32, #tpu.memory_space<hbm>>, %arg7: memref<2x16x80x125xi32, #tpu.memory_space<hbm>>, %arg8: memref<2x16x80x125xi32, #tpu.memory_space<hbm>>, %arg9: memref<2x10240x16xf32, #tpu.memory_space<hbm>>, %arg10: memref<2x10240x16xf32, #tpu.memory_space<hbm>>, %arg11: memref<80x125xi32, #tpu.memory_space<vmem>>, %arg12: memref<80x125xi32, #tpu.memory_space<vmem>>, %arg13: memref<80x125xi32, #tpu.memory_space<vmem>>, %arg14: memref<125x16xf32, #tpu.memory_space<vmem>>, %arg15: memref<640x16xf32, #tpu.memory_space<vmem>>, %arg16: memref<10240x16xf32, #tpu.memory_space<vmem_shared>>, %arg17: memref<10240x16xf32, #tpu.memory_space<vmem_shared>>, %arg18: memref<!tpu.dma_semaphore, #tpu.memory_space<semaphore_mem>>, %arg19: memref<!tpu.dma_semaphore, #tpu.memory_space<semaphore_mem>>) attributes {dimension_semantics = [#tpu.dimension_semantics<core_parallel>, #tpu.dimension_semantics<subcore_parallel>], iteration_bounds = array<i64: 2, 16>, scalar_prefetch = 0 : i64, scratch_operands = 9 : i64, tpu.core_type = #tpu.core_type<sc_vector_subcore>, window_params = [{transform_indices = #map}, {transform_indices = #map1}, {transform_indices = #map1}, {transform_indices = #map2}, {transform_indices = #map2}, {transform_indices = #map}, {transform_indices = #map}, {transform_indices = #map3}, {transform_indices = #map3}]} {
    "tpu.region"() ({
      %run_scoped3A = tpu.sem_alloc : memref<!tpu.dma_semaphore, #tpu.memory_space<semaphore_mem>>
      tpu.enqueue_dma source(%arg5 : memref<125x16xf32, #tpu.memory_space<hbm>>) target(%arg14 : memref<125x16xf32, #tpu.memory_space<vmem>>) target_semaphore(%run_scoped3A : memref<!tpu.dma_semaphore, #tpu.memory_space<semaphore_mem>>)
      tpu.wait_dma2 semaphore(%run_scoped3A : memref<!tpu.dma_semaphore, #tpu.memory_space<semaphore_mem>>) src(%arg5 : memref<125x16xf32, #tpu.memory_space<hbm>>) dst(%arg14 : memref<125x16xf32, #tpu.memory_space<vmem>>)
      tpu.yield
    }) : () -> ()
    "tpu.region"() ({
      %run_scoped3A = tpu.sem_alloc : memref<!tpu.dma_semaphore, #tpu.memory_space<semaphore_mem>>
      tpu.enqueue_dma source(%arg6 : memref<640x16xf32, #tpu.memory_space<hbm>>) target(%arg15 : memref<640x16xf32, #tpu.memory_space<vmem>>) target_semaphore(%run_scoped3A : memref<!tpu.dma_semaphore, #tpu.memory_space<semaphore_mem>>)
      tpu.wait_dma2 semaphore(%run_scoped3A : memref<!tpu.dma_semaphore, #tpu.memory_space<semaphore_mem>>) src(%arg6 : memref<640x16xf32, #tpu.memory_space<hbm>>) dst(%arg15 : memref<640x16xf32, #tpu.memory_space<vmem>>)
      tpu.yield
    }) : () -> ()
    %mul3A = arith.constant 640 : i32
    %mul3A_0 = arith.muli %arg1, %mul3A : i32
    "tpu.region"() ({
      %run_scoped3A = tpu.sem_alloc : memref<!tpu.dma_semaphore, #tpu.memory_space<semaphore_mem>>
      %dma_start3A_36 = arith.constant 0 : i32
      %dma_start3A_37 = tpu.memref_slice %arg16[%mul3A_0, %dma_start3A_36] : memref<10240x16xf32, #tpu.memory_space<vmem_shared>> -> memref<640x16xf32, #tpu.memory_space<vmem_shared>>
      %dma_start3A_38 = arith.constant 0 : i32
      %dma_start3A_39 = tpu.memref_slice %arg16[%mul3A_0, %dma_start3A_38] : memref<10240x16xf32, #tpu.memory_space<vmem_shared>> -> memref<640x16xf32, #tpu.memory_space<vmem_shared>>
      tpu.enqueue_dma source(%arg15 : memref<640x16xf32, #tpu.memory_space<vmem>>) target(%dma_start3A_39 : memref<640x16xf32, #tpu.memory_space<vmem_shared>>) target_semaphore(%run_scoped3A : memref<!tpu.dma_semaphore, #tpu.memory_space<semaphore_mem>>)
      %dma_wait3A = arith.constant 0 : i32
      %dma_wait3A_40 = tpu.memref_slice %arg16[%mul3A_0, %dma_wait3A] : memref<10240x16xf32, #tpu.memory_space<vmem_shared>> -> memref<640x16xf32, #tpu.memory_space<vmem_shared>>
      %dma_wait3A_41 = arith.constant 0 : i32
      %dma_wait3A_42 = tpu.memref_slice %arg16[%mul3A_0, %dma_wait3A_41] : memref<10240x16xf32, #tpu.memory_space<vmem_shared>> -> memref<640x16xf32, #tpu.memory_space<vmem_shared>>
      tpu.wait_dma2 semaphore(%run_scoped3A : memref<!tpu.dma_semaphore, #tpu.memory_space<semaphore_mem>>) src(%arg15 : memref<640x16xf32, #tpu.memory_space<vmem>>) dst(%dma_wait3A_42 : memref<640x16xf32, #tpu.memory_space<vmem_shared>>)
      tpu.yield
    }) : () -> ()
    %mul3A_1 = arith.constant 640 : i32
    %mul3A_2 = arith.muli %arg1, %mul3A_1 : i32
    "tpu.region"() ({
      %run_scoped3A = tpu.sem_alloc : memref<!tpu.dma_semaphore, #tpu.memory_space<semaphore_mem>>
      %dma_start3A_36 = arith.constant 0 : i32
      %dma_start3A_37 = tpu.memref_slice %arg17[%mul3A_2, %dma_start3A_36] : memref<10240x16xf32, #tpu.memory_space<vmem_shared>> -> memref<640x16xf32, #tpu.memory_space<vmem_shared>>
      %dma_start3A_38 = arith.constant 0 : i32
      %dma_start3A_39 = tpu.memref_slice %arg17[%mul3A_2, %dma_start3A_38] : memref<10240x16xf32, #tpu.memory_space<vmem_shared>> -> memref<640x16xf32, #tpu.memory_space<vmem_shared>>
      tpu.enqueue_dma source(%arg15 : memref<640x16xf32, #tpu.memory_space<vmem>>) target(%dma_start3A_39 : memref<640x16xf32, #tpu.memory_space<vmem_shared>>) target_semaphore(%run_scoped3A : memref<!tpu.dma_semaphore, #tpu.memory_space<semaphore_mem>>)
      %dma_wait3A = arith.constant 0 : i32
      %dma_wait3A_40 = tpu.memref_slice %arg17[%mul3A_2, %dma_wait3A] : memref<10240x16xf32, #tpu.memory_space<vmem_shared>> -> memref<640x16xf32, #tpu.memory_space<vmem_shared>>
      %dma_wait3A_41 = arith.constant 0 : i32
      %dma_wait3A_42 = tpu.memref_slice %arg17[%mul3A_2, %dma_wait3A_41] : memref<10240x16xf32, #tpu.memory_space<vmem_shared>> -> memref<640x16xf32, #tpu.memory_space<vmem_shared>>
      tpu.wait_dma2 semaphore(%run_scoped3A : memref<!tpu.dma_semaphore, #tpu.memory_space<semaphore_mem>>) src(%arg15 : memref<640x16xf32, #tpu.memory_space<vmem>>) dst(%dma_wait3A_42 : memref<640x16xf32, #tpu.memory_space<vmem_shared>>)
      tpu.yield
    }) : () -> ()
    %barrier3A = arith.constant 0 : index
    tpu.barrier barrier_id(%barrier3A)
    "tpu.region"() ({
      %run_scoped3A = tpu.sem_alloc : memref<!tpu.dma_semaphore, #tpu.memory_space<semaphore_mem>>
      %dma_start3A_36 = arith.constant 0 : i32
      %dma_start3A_37 = arith.constant 0 : i32
      %dma_start3A_38 = tpu.memref_slice %arg2[%arg0, %arg1, %dma_start3A_36, %dma_start3A_37] : memref<2x16x80x125xi32, #tpu.memory_space<hbm>> -> memref<1x1x80x125xi32, #tpu.memory_space<hbm>>
      %dma_start3A_39 = tpu.memref_squeeze %dma_start3A_38 : memref<1x1x80x125xi32, #tpu.memory_space<hbm>> -> memref<80x125xi32, #tpu.memory_space<hbm>>
      %dma_start3A_40 = arith.constant 0 : i32
      %dma_start3A_41 = arith.constant 0 : i32
      %dma_start3A_42 = tpu.memref_slice %arg2[%arg0, %arg1, %dma_start3A_40, %dma_start3A_41] : memref<2x16x80x125xi32, #tpu.memory_space<hbm>> -> memref<1x1x80x125xi32, #tpu.memory_space<hbm>>
      %dma_start3A_43 = tpu.memref_squeeze %dma_start3A_42 : memref<1x1x80x125xi32, #tpu.memory_space<hbm>> -> memref<80x125xi32, #tpu.memory_space<hbm>>
      tpu.enqueue_dma source(%dma_start3A_43 : memref<80x125xi32, #tpu.memory_space<hbm>>) target(%arg11 : memref<80x125xi32, #tpu.memory_space<vmem>>) target_semaphore(%run_scoped3A : memref<!tpu.dma_semaphore, #tpu.memory_space<semaphore_mem>>)
      %dma_wait3A = arith.constant 0 : i32
      %dma_wait3A_44 = arith.constant 0 : i32
      %dma_wait3A_45 = tpu.memref_slice %arg2[%arg0, %arg1, %dma_wait3A, %dma_wait3A_44] : memref<2x16x80x125xi32, #tpu.memory_space<hbm>> -> memref<1x1x80x125xi32, #tpu.memory_space<hbm>>
      %dma_wait3A_46 = tpu.memref_squeeze %dma_wait3A_45 : memref<1x1x80x125xi32, #tpu.memory_space<hbm>> -> memref<80x125xi32, #tpu.memory_space<hbm>>
      %dma_wait3A_47 = arith.constant 0 : i32
      %dma_wait3A_48 = arith.constant 0 : i32
      %dma_wait3A_49 = tpu.memref_slice %arg2[%arg0, %arg1, %dma_wait3A_47, %dma_wait3A_48] : memref<2x16x80x125xi32, #tpu.memory_space<hbm>> -> memref<1x1x80x125xi32, #tpu.memory_space<hbm>>
      %dma_wait3A_50 = tpu.memref_squeeze %dma_wait3A_49 : memref<1x1x80x125xi32, #tpu.memory_space<hbm>> -> memref<80x125xi32, #tpu.memory_space<hbm>>
      tpu.wait_dma2 semaphore(%run_scoped3A : memref<!tpu.dma_semaphore, #tpu.memory_space<semaphore_mem>>) src(%dma_wait3A_50 : memref<80x125xi32, #tpu.memory_space<hbm>>) dst(%arg11 : memref<80x125xi32, #tpu.memory_space<vmem>>)
      tpu.yield
    }) : () -> ()
    %dma_start3A = arith.constant 0 : i32
    %dma_start3A_3 = arith.constant 0 : i32
    %dma_start3A_4 = arith.constant 0 : i32
    %dma_start3A_5 = tpu.memref_slice %arg12[%dma_start3A_3, %dma_start3A_4] : memref<80x125xi32, #tpu.memory_space<vmem>> -> memref<1x125xi32, #tpu.memory_space<vmem>>
    %dma_start3A_6 = tpu.memref_squeeze %dma_start3A_5 : memref<1x125xi32, #tpu.memory_space<vmem>> -> memref<125xi32, #tpu.memory_space<vmem>>
    %dma_start3A_7 = arith.constant 0 : i32
    %dma_start3A_8 = tpu.memref_slice %arg11[%dma_start3A, %dma_start3A_7] : memref<80x125xi32, #tpu.memory_space<vmem>> -> memref<1x125xi32, #tpu.memory_space<vmem>>
    %dma_start3A_9 = tpu.memref_squeeze %dma_start3A_8 : memref<1x125xi32, #tpu.memory_space<vmem>> -> memref<125xi32, #tpu.memory_space<vmem>>
    %dma_start3A_10 = arith.constant 0 : i32
    %dma_start3A_11 = tpu.memref_slice %arg3[%dma_start3A_10] : memref<320000xi32, #tpu.memory_space<hbm>> -> memref<320000xi32, #tpu.memory_space<hbm>>
    tpu.enqueue_indirect_dma source(%dma_start3A_11 : memref<320000xi32, #tpu.memory_space<hbm>>) target(%dma_start3A_6 : memref<125xi32, #tpu.memory_space<vmem>>) offsets(%dma_start3A_9 : memref<125xi32, #tpu.memory_space<vmem>>) semaphore(%arg18 : memref<!tpu.dma_semaphore, #tpu.memory_space<semaphore_mem>>)
    %dma_start3A_12 = arith.constant 0 : i32
    %dma_start3A_13 = arith.constant 0 : i32
    %dma_start3A_14 = arith.constant 0 : i32
    %dma_start3A_15 = tpu.memref_slice %arg13[%dma_start3A_13, %dma_start3A_14] : memref<80x125xi32, #tpu.memory_space<vmem>> -> memref<1x125xi32, #tpu.memory_space<vmem>>
    %dma_start3A_16 = tpu.memref_squeeze %dma_start3A_15 : memref<1x125xi32, #tpu.memory_space<vmem>> -> memref<125xi32, #tpu.memory_space<vmem>>
    %dma_start3A_17 = arith.constant 0 : i32
    %dma_start3A_18 = tpu.memref_slice %arg11[%dma_start3A_12, %dma_start3A_17] : memref<80x125xi32, #tpu.memory_space<vmem>> -> memref<1x125xi32, #tpu.memory_space<vmem>>
    %dma_start3A_19 = tpu.memref_squeeze %dma_start3A_18 : memref<1x125xi32, #tpu.memory_space<vmem>> -> memref<125xi32, #tpu.memory_space<vmem>>
    %dma_start3A_20 = arith.constant 0 : i32
    %dma_start3A_21 = tpu.memref_slice %arg4[%dma_start3A_20] : memref<320000xi32, #tpu.memory_space<hbm>> -> memref<320000xi32, #tpu.memory_space<hbm>>
    tpu.enqueue_indirect_dma source(%dma_start3A_21 : memref<320000xi32, #tpu.memory_space<hbm>>) target(%dma_start3A_16 : memref<125xi32, #tpu.memory_space<vmem>>) offsets(%dma_start3A_19 : memref<125xi32, #tpu.memory_space<vmem>>) semaphore(%arg18 : memref<!tpu.dma_semaphore, #tpu.memory_space<semaphore_mem>>)
    %scan3A = arith.constant 0 : i32
    %scan3A_22 = arith.constant 0 : i32
    %scan3A_23 = arith.constant 40 : i32
    %scan3A_24 = arith.addi %scan3A_22, %scan3A_23 : i32
    %scan3A_25 = arith.constant 1 : i32
    scf.for %scan3A_36 = %scan3A_22 to %scan3A_24 step %scan3A_25  : i32 {
      %mul3A_37 = arith.constant 2 : i32
      %mul3A_38 = arith.muli %mul3A_37, %scan3A_36 : i32
      %dma_wait3A = arith.constant 0 : i32
      %dma_wait3A_39 = tpu.memref_slice %arg12[%mul3A_38, %dma_wait3A] : memref<80x125xi32, #tpu.memory_space<vmem>> -> memref<1x125xi32, #tpu.memory_space<vmem>>
      %dma_wait3A_40 = tpu.memref_squeeze %dma_wait3A_39 : memref<1x125xi32, #tpu.memory_space<vmem>> -> memref<125xi32, #tpu.memory_space<vmem>>
      %dma_wait3A_41 = arith.constant 0 : i32
      %dma_wait3A_42 = tpu.memref_slice %arg11[%mul3A_38, %dma_wait3A_41] : memref<80x125xi32, #tpu.memory_space<vmem>> -> memref<1x125xi32, #tpu.memory_space<vmem>>
      %dma_wait3A_43 = tpu.memref_squeeze %dma_wait3A_42 : memref<1x125xi32, #tpu.memory_space<vmem>> -> memref<125xi32, #tpu.memory_space<vmem>>
      %dma_wait3A_44 = arith.constant 0 : i32
      %dma_wait3A_45 = tpu.memref_slice %arg3[%dma_wait3A_44] : memref<320000xi32, #tpu.memory_space<hbm>> -> memref<320000xi32, #tpu.memory_space<hbm>>
      tpu.wait_indirect_dma semaphore(%arg18 : memref<!tpu.dma_semaphore, #tpu.memory_space<semaphore_mem>>) src(%dma_wait3A_45 : memref<320000xi32, #tpu.memory_space<hbm>>) dst(%dma_wait3A_40 : memref<125xi32, #tpu.memory_space<vmem>>)
      %dma_wait3A_46 = arith.constant 0 : i32
      %dma_wait3A_47 = tpu.memref_slice %arg13[%mul3A_38, %dma_wait3A_46] : memref<80x125xi32, #tpu.memory_space<vmem>> -> memref<1x125xi32, #tpu.memory_space<vmem>>
      %dma_wait3A_48 = tpu.memref_squeeze %dma_wait3A_47 : memref<1x125xi32, #tpu.memory_space<vmem>> -> memref<125xi32, #tpu.memory_space<vmem>>
      %dma_wait3A_49 = arith.constant 0 : i32
      %dma_wait3A_50 = tpu.memref_slice %arg11[%mul3A_38, %dma_wait3A_49] : memref<80x125xi32, #tpu.memory_space<vmem>> -> memref<1x125xi32, #tpu.memory_space<vmem>>
      %dma_wait3A_51 = tpu.memref_squeeze %dma_wait3A_50 : memref<1x125xi32, #tpu.memory_space<vmem>> -> memref<125xi32, #tpu.memory_space<vmem>>
      %dma_wait3A_52 = arith.constant 0 : i32
      %dma_wait3A_53 = tpu.memref_slice %arg4[%dma_wait3A_52] : memref<320000xi32, #tpu.memory_space<hbm>> -> memref<320000xi32, #tpu.memory_space<hbm>>
      tpu.wait_indirect_dma semaphore(%arg18 : memref<!tpu.dma_semaphore, #tpu.memory_space<semaphore_mem>>) src(%dma_wait3A_53 : memref<320000xi32, #tpu.memory_space<hbm>>) dst(%dma_wait3A_48 : memref<125xi32, #tpu.memory_space<vmem>>)
      %add3A = arith.constant 1 : i32
      %add3A_54 = arith.addi %mul3A_38, %add3A : i32
      %dma_start3A_55 = arith.constant 0 : i32
      %dma_start3A_56 = tpu.memref_slice %arg12[%add3A_54, %dma_start3A_55] : memref<80x125xi32, #tpu.memory_space<vmem>> -> memref<1x125xi32, #tpu.memory_space<vmem>>
      %dma_start3A_57 = tpu.memref_squeeze %dma_start3A_56 : memref<1x125xi32, #tpu.memory_space<vmem>> -> memref<125xi32, #tpu.memory_space<vmem>>
      %dma_start3A_58 = arith.constant 0 : i32
      %dma_start3A_59 = tpu.memref_slice %arg11[%add3A_54, %dma_start3A_58] : memref<80x125xi32, #tpu.memory_space<vmem>> -> memref<1x125xi32, #tpu.memory_space<vmem>>
      %dma_start3A_60 = tpu.memref_squeeze %dma_start3A_59 : memref<1x125xi32, #tpu.memory_space<vmem>> -> memref<125xi32, #tpu.memory_space<vmem>>
      %dma_start3A_61 = arith.constant 0 : i32
      %dma_start3A_62 = tpu.memref_slice %arg3[%dma_start3A_61] : memref<320000xi32, #tpu.memory_space<hbm>> -> memref<320000xi32, #tpu.memory_space<hbm>>
      tpu.enqueue_indirect_dma source(%dma_start3A_62 : memref<320000xi32, #tpu.memory_space<hbm>>) target(%dma_start3A_57 : memref<125xi32, #tpu.memory_space<vmem>>) offsets(%dma_start3A_60 : memref<125xi32, #tpu.memory_space<vmem>>) semaphore(%arg19 : memref<!tpu.dma_semaphore, #tpu.memory_space<semaphore_mem>>)
      %dma_start3A_63 = arith.constant 0 : i32
      %dma_start3A_64 = tpu.memref_slice %arg13[%add3A_54, %dma_start3A_63] : memref<80x125xi32, #tpu.memory_space<vmem>> -> memref<1x125xi32, #tpu.memory_space<vmem>>
      %dma_start3A_65 = tpu.memref_squeeze %dma_start3A_64 : memref<1x125xi32, #tpu.memory_space<vmem>> -> memref<125xi32, #tpu.memory_space<vmem>>
      %dma_start3A_66 = arith.constant 0 : i32
      %dma_start3A_67 = tpu.memref_slice %arg11[%add3A_54, %dma_start3A_66] : memref<80x125xi32, #tpu.memory_space<vmem>> -> memref<1x125xi32, #tpu.memory_space<vmem>>
      %dma_start3A_68 = tpu.memref_squeeze %dma_start3A_67 : memref<1x125xi32, #tpu.memory_space<vmem>> -> memref<125xi32, #tpu.memory_space<vmem>>
      %dma_start3A_69 = arith.constant 0 : i32
      %dma_start3A_70 = tpu.memref_slice %arg4[%dma_start3A_69] : memref<320000xi32, #tpu.memory_space<hbm>> -> memref<320000xi32, #tpu.memory_space<hbm>>
      tpu.enqueue_indirect_dma source(%dma_start3A_70 : memref<320000xi32, #tpu.memory_space<hbm>>) target(%dma_start3A_65 : memref<125xi32, #tpu.memory_space<vmem>>) offsets(%dma_start3A_68 : memref<125xi32, #tpu.memory_space<vmem>>) semaphore(%arg19 : memref<!tpu.dma_semaphore, #tpu.memory_space<semaphore_mem>>)
      "tpu.region"() ({
        %run_scoped3A = tpu.sem_alloc : memref<!tpu.dma_semaphore, #tpu.memory_space<semaphore_mem>>
        %dma_start3A_95 = arith.constant 0 : i32
        %dma_start3A_96 = tpu.memref_slice %arg12[%mul3A_38, %dma_start3A_95] : memref<80x125xi32, #tpu.memory_space<vmem>> -> memref<1x125xi32, #tpu.memory_space<vmem>>
        %dma_start3A_97 = tpu.memref_squeeze %dma_start3A_96 : memref<1x125xi32, #tpu.memory_space<vmem>> -> memref<125xi32, #tpu.memory_space<vmem>>
        %dma_start3A_98 = arith.constant 0 : i32
        %dma_start3A_99 = arith.constant 0 : i32
        %dma_start3A_100 = tpu.memref_slice %arg16[%dma_start3A_98, %dma_start3A_99] : memref<10240x16xf32, #tpu.memory_space<vmem_shared>> -> memref<10240x16xf32, #tpu.memory_space<vmem_shared>>
        tpu.enqueue_indirect_dma source(%arg14 : memref<125x16xf32, #tpu.memory_space<vmem>>) target(%dma_start3A_100 : memref<10240x16xf32, #tpu.memory_space<vmem_shared>>) offsets(%dma_start3A_97 : memref<125xi32, #tpu.memory_space<vmem>>) semaphore(%run_scoped3A : memref<!tpu.dma_semaphore, #tpu.memory_space<semaphore_mem>>) {add = true}
        %dma_wait3A_101 = arith.constant 0 : i32
        %dma_wait3A_102 = tpu.memref_slice %arg12[%mul3A_38, %dma_wait3A_101] : memref<80x125xi32, #tpu.memory_space<vmem>> -> memref<1x125xi32, #tpu.memory_space<vmem>>
        %dma_wait3A_103 = tpu.memref_squeeze %dma_wait3A_102 : memref<1x125xi32, #tpu.memory_space<vmem>> -> memref<125xi32, #tpu.memory_space<vmem>>
        %dma_wait3A_104 = arith.constant 0 : i32
        %dma_wait3A_105 = arith.constant 0 : i32
        %dma_wait3A_106 = tpu.memref_slice %arg16[%dma_wait3A_104, %dma_wait3A_105] : memref<10240x16xf32, #tpu.memory_space<vmem_shared>> -> memref<10240x16xf32, #tpu.memory_space<vmem_shared>>
        tpu.wait_indirect_dma semaphore(%run_scoped3A : memref<!tpu.dma_semaphore, #tpu.memory_space<semaphore_mem>>) src(%arg14 : memref<125x16xf32, #tpu.memory_space<vmem>>) dst(%dma_wait3A_106 : memref<10240x16xf32, #tpu.memory_space<vmem_shared>>)
        tpu.yield
      }) : () -> ()
      "tpu.region"() ({
        %run_scoped3A = tpu.sem_alloc : memref<!tpu.dma_semaphore, #tpu.memory_space<semaphore_mem>>
        %dma_start3A_95 = arith.constant 0 : i32
        %dma_start3A_96 = tpu.memref_slice %arg13[%mul3A_38, %dma_start3A_95] : memref<80x125xi32, #tpu.memory_space<vmem>> -> memref<1x125xi32, #tpu.memory_space<vmem>>
        %dma_start3A_97 = tpu.memref_squeeze %dma_start3A_96 : memref<1x125xi32, #tpu.memory_space<vmem>> -> memref<125xi32, #tpu.memory_space<vmem>>
        %dma_start3A_98 = arith.constant 0 : i32
        %dma_start3A_99 = arith.constant 0 : i32
        %dma_start3A_100 = tpu.memref_slice %arg17[%dma_start3A_98, %dma_start3A_99] : memref<10240x16xf32, #tpu.memory_space<vmem_shared>> -> memref<10240x16xf32, #tpu.memory_space<vmem_shared>>
        tpu.enqueue_indirect_dma source(%arg14 : memref<125x16xf32, #tpu.memory_space<vmem>>) target(%dma_start3A_100 : memref<10240x16xf32, #tpu.memory_space<vmem_shared>>) offsets(%dma_start3A_97 : memref<125xi32, #tpu.memory_space<vmem>>) semaphore(%run_scoped3A : memref<!tpu.dma_semaphore, #tpu.memory_space<semaphore_mem>>) {add = true}
        %dma_wait3A_101 = arith.constant 0 : i32
        %dma_wait3A_102 = tpu.memref_slice %arg13[%mul3A_38, %dma_wait3A_101] : memref<80x125xi32, #tpu.memory_space<vmem>> -> memref<1x125xi32, #tpu.memory_space<vmem>>
        %dma_wait3A_103 = tpu.memref_squeeze %dma_wait3A_102 : memref<1x125xi32, #tpu.memory_space<vmem>> -> memref<125xi32, #tpu.memory_space<vmem>>
        %dma_wait3A_104 = arith.constant 0 : i32
        %dma_wait3A_105 = arith.constant 0 : i32
        %dma_wait3A_106 = tpu.memref_slice %arg17[%dma_wait3A_104, %dma_wait3A_105] : memref<10240x16xf32, #tpu.memory_space<vmem_shared>> -> memref<10240x16xf32, #tpu.memory_space<vmem_shared>>
        tpu.wait_indirect_dma semaphore(%run_scoped3A : memref<!tpu.dma_semaphore, #tpu.memory_space<semaphore_mem>>) src(%arg14 : memref<125x16xf32, #tpu.memory_space<vmem>>) dst(%dma_wait3A_106 : memref<10240x16xf32, #tpu.memory_space<vmem_shared>>)
        tpu.yield
      }) : () -> ()
      %add3A_71 = arith.constant 1 : i32
      %add3A_72 = arith.addi %mul3A_38, %add3A_71 : i32
      %dma_wait3A_73 = arith.constant 0 : i32
      %dma_wait3A_74 = tpu.memref_slice %arg12[%add3A_72, %dma_wait3A_73] : memref<80x125xi32, #tpu.memory_space<vmem>> -> memref<1x125xi32, #tpu.memory_space<vmem>>
      %dma_wait3A_75 = tpu.memref_squeeze %dma_wait3A_74 : memref<1x125xi32, #tpu.memory_space<vmem>> -> memref<125xi32, #tpu.memory_space<vmem>>
      %dma_wait3A_76 = arith.constant 0 : i32
      %dma_wait3A_77 = tpu.memref_slice %arg11[%add3A_72, %dma_wait3A_76] : memref<80x125xi32, #tpu.memory_space<vmem>> -> memref<1x125xi32, #tpu.memory_space<vmem>>
      %dma_wait3A_78 = tpu.memref_squeeze %dma_wait3A_77 : memref<1x125xi32, #tpu.memory_space<vmem>> -> memref<125xi32, #tpu.memory_space<vmem>>
      %dma_wait3A_79 = arith.constant 0 : i32
      %dma_wait3A_80 = tpu.memref_slice %arg3[%dma_wait3A_79] : memref<320000xi32, #tpu.memory_space<hbm>> -> memref<320000xi32, #tpu.memory_space<hbm>>
      tpu.wait_indirect_dma semaphore(%arg19 : memref<!tpu.dma_semaphore, #tpu.memory_space<semaphore_mem>>) src(%dma_wait3A_80 : memref<320000xi32, #tpu.memory_space<hbm>>) dst(%dma_wait3A_75 : memref<125xi32, #tpu.memory_space<vmem>>)
      %dma_wait3A_81 = arith.constant 0 : i32
      %dma_wait3A_82 = tpu.memref_slice %arg13[%add3A_72, %dma_wait3A_81] : memref<80x125xi32, #tpu.memory_space<vmem>> -> memref<1x125xi32, #tpu.memory_space<vmem>>
      %dma_wait3A_83 = tpu.memref_squeeze %dma_wait3A_82 : memref<1x125xi32, #tpu.memory_space<vmem>> -> memref<125xi32, #tpu.memory_space<vmem>>
      %dma_wait3A_84 = arith.constant 0 : i32
      %dma_wait3A_85 = tpu.memref_slice %arg11[%add3A_72, %dma_wait3A_84] : memref<80x125xi32, #tpu.memory_space<vmem>> -> memref<1x125xi32, #tpu.memory_space<vmem>>
      %dma_wait3A_86 = tpu.memref_squeeze %dma_wait3A_85 : memref<1x125xi32, #tpu.memory_space<vmem>> -> memref<125xi32, #tpu.memory_space<vmem>>
      %dma_wait3A_87 = arith.constant 0 : i32
      %dma_wait3A_88 = tpu.memref_slice %arg4[%dma_wait3A_87] : memref<320000xi32, #tpu.memory_space<hbm>> -> memref<320000xi32, #tpu.memory_space<hbm>>
      tpu.wait_indirect_dma semaphore(%arg19 : memref<!tpu.dma_semaphore, #tpu.memory_space<semaphore_mem>>) src(%dma_wait3A_88 : memref<320000xi32, #tpu.memory_space<hbm>>) dst(%dma_wait3A_83 : memref<125xi32, #tpu.memory_space<vmem>>)
      %add3A_89 = arith.constant 2 : i32
      %add3A_90 = arith.addi %mul3A_38, %add3A_89 : i32
      %lt3A = arith.constant 80 : i32
      %lt3A_91 = arith.cmpi slt, %add3A_90, %lt3A : i32
      %convert_element_type3A = arith.extui %lt3A_91 : i1 to i32
      %cond3A = arith.constant 0 : i32
      %cond3A_92 = arith.cmpi ne, %convert_element_type3A, %cond3A : i32
      scf.if %cond3A_92 {
        %add3A_95 = arith.constant 2 : i32
        %add3A_96 = arith.addi %mul3A_38, %add3A_95 : i32
        %dma_start3A_97 = arith.constant 0 : i32
        %dma_start3A_98 = tpu.memref_slice %arg12[%add3A_96, %dma_start3A_97] : memref<80x125xi32, #tpu.memory_space<vmem>> -> memref<1x125xi32, #tpu.memory_space<vmem>>
        %dma_start3A_99 = tpu.memref_squeeze %dma_start3A_98 : memref<1x125xi32, #tpu.memory_space<vmem>> -> memref<125xi32, #tpu.memory_space<vmem>>
        %dma_start3A_100 = arith.constant 0 : i32
        %dma_start3A_101 = tpu.memref_slice %arg11[%add3A_96, %dma_start3A_100] : memref<80x125xi32, #tpu.memory_space<vmem>> -> memref<1x125xi32, #tpu.memory_space<vmem>>
        %dma_start3A_102 = tpu.memref_squeeze %dma_start3A_101 : memref<1x125xi32, #tpu.memory_space<vmem>> -> memref<125xi32, #tpu.memory_space<vmem>>
        %dma_start3A_103 = arith.constant 0 : i32
        %dma_start3A_104 = tpu.memref_slice %arg3[%dma_start3A_103] : memref<320000xi32, #tpu.memory_space<hbm>> -> memref<320000xi32, #tpu.memory_space<hbm>>
        tpu.enqueue_indirect_dma source(%dma_start3A_104 : memref<320000xi32, #tpu.memory_space<hbm>>) target(%dma_start3A_99 : memref<125xi32, #tpu.memory_space<vmem>>) offsets(%dma_start3A_102 : memref<125xi32, #tpu.memory_space<vmem>>) semaphore(%arg18 : memref<!tpu.dma_semaphore, #tpu.memory_space<semaphore_mem>>)
        %dma_start3A_105 = arith.constant 0 : i32
        %dma_start3A_106 = tpu.memref_slice %arg13[%add3A_96, %dma_start3A_105] : memref<80x125xi32, #tpu.memory_space<vmem>> -> memref<1x125xi32, #tpu.memory_space<vmem>>
        %dma_start3A_107 = tpu.memref_squeeze %dma_start3A_106 : memref<1x125xi32, #tpu.memory_space<vmem>> -> memref<125xi32, #tpu.memory_space<vmem>>
        %dma_start3A_108 = arith.constant 0 : i32
        %dma_start3A_109 = tpu.memref_slice %arg11[%add3A_96, %dma_start3A_108] : memref<80x125xi32, #tpu.memory_space<vmem>> -> memref<1x125xi32, #tpu.memory_space<vmem>>
        %dma_start3A_110 = tpu.memref_squeeze %dma_start3A_109 : memref<1x125xi32, #tpu.memory_space<vmem>> -> memref<125xi32, #tpu.memory_space<vmem>>
        %dma_start3A_111 = arith.constant 0 : i32
        %dma_start3A_112 = tpu.memref_slice %arg4[%dma_start3A_111] : memref<320000xi32, #tpu.memory_space<hbm>> -> memref<320000xi32, #tpu.memory_space<hbm>>
        tpu.enqueue_indirect_dma source(%dma_start3A_112 : memref<320000xi32, #tpu.memory_space<hbm>>) target(%dma_start3A_107 : memref<125xi32, #tpu.memory_space<vmem>>) offsets(%dma_start3A_110 : memref<125xi32, #tpu.memory_space<vmem>>) semaphore(%arg18 : memref<!tpu.dma_semaphore, #tpu.memory_space<semaphore_mem>>)
      } else {
      }
      %add3A_93 = arith.constant 1 : i32
      %add3A_94 = arith.addi %mul3A_38, %add3A_93 : i32
      "tpu.region"() ({
        %run_scoped3A = tpu.sem_alloc : memref<!tpu.dma_semaphore, #tpu.memory_space<semaphore_mem>>
        %dma_start3A_95 = arith.constant 0 : i32
        %dma_start3A_96 = tpu.memref_slice %arg12[%add3A_94, %dma_start3A_95] : memref<80x125xi32, #tpu.memory_space<vmem>> -> memref<1x125xi32, #tpu.memory_space<vmem>>
        %dma_start3A_97 = tpu.memref_squeeze %dma_start3A_96 : memref<1x125xi32, #tpu.memory_space<vmem>> -> memref<125xi32, #tpu.memory_space<vmem>>
        %dma_start3A_98 = arith.constant 0 : i32
        %dma_start3A_99 = arith.constant 0 : i32
        %dma_start3A_100 = tpu.memref_slice %arg16[%dma_start3A_98, %dma_start3A_99] : memref<10240x16xf32, #tpu.memory_space<vmem_shared>> -> memref<10240x16xf32, #tpu.memory_space<vmem_shared>>
        tpu.enqueue_indirect_dma source(%arg14 : memref<125x16xf32, #tpu.memory_space<vmem>>) target(%dma_start3A_100 : memref<10240x16xf32, #tpu.memory_space<vmem_shared>>) offsets(%dma_start3A_97 : memref<125xi32, #tpu.memory_space<vmem>>) semaphore(%run_scoped3A : memref<!tpu.dma_semaphore, #tpu.memory_space<semaphore_mem>>) {add = true}
        %dma_wait3A_101 = arith.constant 0 : i32
        %dma_wait3A_102 = tpu.memref_slice %arg12[%add3A_94, %dma_wait3A_101] : memref<80x125xi32, #tpu.memory_space<vmem>> -> memref<1x125xi32, #tpu.memory_space<vmem>>
        %dma_wait3A_103 = tpu.memref_squeeze %dma_wait3A_102 : memref<1x125xi32, #tpu.memory_space<vmem>> -> memref<125xi32, #tpu.memory_space<vmem>>
        %dma_wait3A_104 = arith.constant 0 : i32
        %dma_wait3A_105 = arith.constant 0 : i32
        %dma_wait3A_106 = tpu.memref_slice %arg16[%dma_wait3A_104, %dma_wait3A_105] : memref<10240x16xf32, #tpu.memory_space<vmem_shared>> -> memref<10240x16xf32, #tpu.memory_space<vmem_shared>>
        tpu.wait_indirect_dma semaphore(%run_scoped3A : memref<!tpu.dma_semaphore, #tpu.memory_space<semaphore_mem>>) src(%arg14 : memref<125x16xf32, #tpu.memory_space<vmem>>) dst(%dma_wait3A_106 : memref<10240x16xf32, #tpu.memory_space<vmem_shared>>)
        tpu.yield
      }) : () -> ()
      "tpu.region"() ({
        %run_scoped3A = tpu.sem_alloc : memref<!tpu.dma_semaphore, #tpu.memory_space<semaphore_mem>>
        %dma_start3A_95 = arith.constant 0 : i32
        %dma_start3A_96 = tpu.memref_slice %arg13[%add3A_94, %dma_start3A_95] : memref<80x125xi32, #tpu.memory_space<vmem>> -> memref<1x125xi32, #tpu.memory_space<vmem>>
        %dma_start3A_97 = tpu.memref_squeeze %dma_start3A_96 : memref<1x125xi32, #tpu.memory_space<vmem>> -> memref<125xi32, #tpu.memory_space<vmem>>
        %dma_start3A_98 = arith.constant 0 : i32
        %dma_start3A_99 = arith.constant 0 : i32
        %dma_start3A_100 = tpu.memref_slice %arg17[%dma_start3A_98, %dma_start3A_99] : memref<10240x16xf32, #tpu.memory_space<vmem_shared>> -> memref<10240x16xf32, #tpu.memory_space<vmem_shared>>
        tpu.enqueue_indirect_dma source(%arg14 : memref<125x16xf32, #tpu.memory_space<vmem>>) target(%dma_start3A_100 : memref<10240x16xf32, #tpu.memory_space<vmem_shared>>) offsets(%dma_start3A_97 : memref<125xi32, #tpu.memory_space<vmem>>) semaphore(%run_scoped3A : memref<!tpu.dma_semaphore, #tpu.memory_space<semaphore_mem>>) {add = true}
        %dma_wait3A_101 = arith.constant 0 : i32
        %dma_wait3A_102 = tpu.memref_slice %arg13[%add3A_94, %dma_wait3A_101] : memref<80x125xi32, #tpu.memory_space<vmem>> -> memref<1x125xi32, #tpu.memory_space<vmem>>
        %dma_wait3A_103 = tpu.memref_squeeze %dma_wait3A_102 : memref<1x125xi32, #tpu.memory_space<vmem>> -> memref<125xi32, #tpu.memory_space<vmem>>
        %dma_wait3A_104 = arith.constant 0 : i32
        %dma_wait3A_105 = arith.constant 0 : i32
        %dma_wait3A_106 = tpu.memref_slice %arg17[%dma_wait3A_104, %dma_wait3A_105] : memref<10240x16xf32, #tpu.memory_space<vmem_shared>> -> memref<10240x16xf32, #tpu.memory_space<vmem_shared>>
        tpu.wait_indirect_dma semaphore(%run_scoped3A : memref<!tpu.dma_semaphore, #tpu.memory_space<semaphore_mem>>) src(%arg14 : memref<125x16xf32, #tpu.memory_space<vmem>>) dst(%dma_wait3A_106 : memref<10240x16xf32, #tpu.memory_space<vmem_shared>>)
        tpu.yield
      }) : () -> ()
    }
    %scan3A_26 = arith.constant 40 : i32
    "tpu.region"() ({
      %run_scoped3A = tpu.sem_alloc : memref<!tpu.dma_semaphore, #tpu.memory_space<semaphore_mem>>
      %dma_start3A_36 = arith.constant 0 : i32
      %dma_start3A_37 = arith.constant 0 : i32
      %dma_start3A_38 = tpu.memref_slice %arg7[%arg0, %arg1, %dma_start3A_36, %dma_start3A_37] : memref<2x16x80x125xi32, #tpu.memory_space<hbm>> -> memref<1x1x80x125xi32, #tpu.memory_space<hbm>>
      %dma_start3A_39 = tpu.memref_squeeze %dma_start3A_38 : memref<1x1x80x125xi32, #tpu.memory_space<hbm>> -> memref<80x125xi32, #tpu.memory_space<hbm>>
      %dma_start3A_40 = arith.constant 0 : i32
      %dma_start3A_41 = arith.constant 0 : i32
      %dma_start3A_42 = tpu.memref_slice %arg7[%arg0, %arg1, %dma_start3A_40, %dma_start3A_41] : memref<2x16x80x125xi32, #tpu.memory_space<hbm>> -> memref<1x1x80x125xi32, #tpu.memory_space<hbm>>
      %dma_start3A_43 = tpu.memref_squeeze %dma_start3A_42 : memref<1x1x80x125xi32, #tpu.memory_space<hbm>> -> memref<80x125xi32, #tpu.memory_space<hbm>>
      tpu.enqueue_dma source(%arg12 : memref<80x125xi32, #tpu.memory_space<vmem>>) target(%dma_start3A_43 : memref<80x125xi32, #tpu.memory_space<hbm>>) target_semaphore(%run_scoped3A : memref<!tpu.dma_semaphore, #tpu.memory_space<semaphore_mem>>)
      %dma_wait3A = arith.constant 0 : i32
      %dma_wait3A_44 = arith.constant 0 : i32
      %dma_wait3A_45 = tpu.memref_slice %arg7[%arg0, %arg1, %dma_wait3A, %dma_wait3A_44] : memref<2x16x80x125xi32, #tpu.memory_space<hbm>> -> memref<1x1x80x125xi32, #tpu.memory_space<hbm>>
      %dma_wait3A_46 = tpu.memref_squeeze %dma_wait3A_45 : memref<1x1x80x125xi32, #tpu.memory_space<hbm>> -> memref<80x125xi32, #tpu.memory_space<hbm>>
      %dma_wait3A_47 = arith.constant 0 : i32
      %dma_wait3A_48 = arith.constant 0 : i32
      %dma_wait3A_49 = tpu.memref_slice %arg7[%arg0, %arg1, %dma_wait3A_47, %dma_wait3A_48] : memref<2x16x80x125xi32, #tpu.memory_space<hbm>> -> memref<1x1x80x125xi32, #tpu.memory_space<hbm>>
      %dma_wait3A_50 = tpu.memref_squeeze %dma_wait3A_49 : memref<1x1x80x125xi32, #tpu.memory_space<hbm>> -> memref<80x125xi32, #tpu.memory_space<hbm>>
      tpu.wait_dma2 semaphore(%run_scoped3A : memref<!tpu.dma_semaphore, #tpu.memory_space<semaphore_mem>>) src(%arg12 : memref<80x125xi32, #tpu.memory_space<vmem>>) dst(%dma_wait3A_50 : memref<80x125xi32, #tpu.memory_space<hbm>>)
      tpu.yield
    }) : () -> ()
    "tpu.region"() ({
      %run_scoped3A = tpu.sem_alloc : memref<!tpu.dma_semaphore, #tpu.memory_space<semaphore_mem>>
      %dma_start3A_36 = arith.constant 0 : i32
      %dma_start3A_37 = arith.constant 0 : i32
      %dma_start3A_38 = tpu.memref_slice %arg8[%arg0, %arg1, %dma_start3A_36, %dma_start3A_37] : memref<2x16x80x125xi32, #tpu.memory_space<hbm>> -> memref<1x1x80x125xi32, #tpu.memory_space<hbm>>
      %dma_start3A_39 = tpu.memref_squeeze %dma_start3A_38 : memref<1x1x80x125xi32, #tpu.memory_space<hbm>> -> memref<80x125xi32, #tpu.memory_space<hbm>>
      %dma_start3A_40 = arith.constant 0 : i32
      %dma_start3A_41 = arith.constant 0 : i32
      %dma_start3A_42 = tpu.memref_slice %arg8[%arg0, %arg1, %dma_start3A_40, %dma_start3A_41] : memref<2x16x80x125xi32, #tpu.memory_space<hbm>> -> memref<1x1x80x125xi32, #tpu.memory_space<hbm>>
      %dma_start3A_43 = tpu.memref_squeeze %dma_start3A_42 : memref<1x1x80x125xi32, #tpu.memory_space<hbm>> -> memref<80x125xi32, #tpu.memory_space<hbm>>
      tpu.enqueue_dma source(%arg13 : memref<80x125xi32, #tpu.memory_space<vmem>>) target(%dma_start3A_43 : memref<80x125xi32, #tpu.memory_space<hbm>>) target_semaphore(%run_scoped3A : memref<!tpu.dma_semaphore, #tpu.memory_space<semaphore_mem>>)
      %dma_wait3A = arith.constant 0 : i32
      %dma_wait3A_44 = arith.constant 0 : i32
      %dma_wait3A_45 = tpu.memref_slice %arg8[%arg0, %arg1, %dma_wait3A, %dma_wait3A_44] : memref<2x16x80x125xi32, #tpu.memory_space<hbm>> -> memref<1x1x80x125xi32, #tpu.memory_space<hbm>>
      %dma_wait3A_46 = tpu.memref_squeeze %dma_wait3A_45 : memref<1x1x80x125xi32, #tpu.memory_space<hbm>> -> memref<80x125xi32, #tpu.memory_space<hbm>>
      %dma_wait3A_47 = arith.constant 0 : i32
      %dma_wait3A_48 = arith.constant 0 : i32
      %dma_wait3A_49 = tpu.memref_slice %arg8[%arg0, %arg1, %dma_wait3A_47, %dma_wait3A_48] : memref<2x16x80x125xi32, #tpu.memory_space<hbm>> -> memref<1x1x80x125xi32, #tpu.memory_space<hbm>>
      %dma_wait3A_50 = tpu.memref_squeeze %dma_wait3A_49 : memref<1x1x80x125xi32, #tpu.memory_space<hbm>> -> memref<80x125xi32, #tpu.memory_space<hbm>>
      tpu.wait_dma2 semaphore(%run_scoped3A : memref<!tpu.dma_semaphore, #tpu.memory_space<semaphore_mem>>) src(%arg13 : memref<80x125xi32, #tpu.memory_space<vmem>>) dst(%dma_wait3A_50 : memref<80x125xi32, #tpu.memory_space<hbm>>)
      tpu.yield
    }) : () -> ()
    %barrier3A_27 = arith.constant 0 : index
    tpu.barrier barrier_id(%barrier3A_27)
    %mul3A_28 = arith.constant 640 : i32
    %mul3A_29 = arith.muli %arg1, %mul3A_28 : i32
    %mul3A_30 = arith.constant 640 : i32
    %mul3A_31 = arith.muli %arg1, %mul3A_30 : i32
    "tpu.region"() ({
      %run_scoped3A = tpu.sem_alloc : memref<!tpu.dma_semaphore, #tpu.memory_space<semaphore_mem>>
      %dma_start3A_36 = arith.constant 0 : i32
      %dma_start3A_37 = tpu.memref_slice %arg9[%arg0, %mul3A_31, %dma_start3A_36] : memref<2x10240x16xf32, #tpu.memory_space<hbm>> -> memref<1x640x16xf32, #tpu.memory_space<hbm>>
      %dma_start3A_38 = tpu.memref_squeeze %dma_start3A_37 : memref<1x640x16xf32, #tpu.memory_space<hbm>> -> memref<640x16xf32, #tpu.memory_space<hbm>>
      %dma_start3A_39 = arith.constant 0 : i32
      %dma_start3A_40 = tpu.memref_slice %arg16[%mul3A_29, %dma_start3A_39] : memref<10240x16xf32, #tpu.memory_space<vmem_shared>> -> memref<640x16xf32, #tpu.memory_space<vmem_shared>>
      tpu.enqueue_dma source(%dma_start3A_40 : memref<640x16xf32, #tpu.memory_space<vmem_shared>>) target(%dma_start3A_38 : memref<640x16xf32, #tpu.memory_space<hbm>>) target_semaphore(%run_scoped3A : memref<!tpu.dma_semaphore, #tpu.memory_space<semaphore_mem>>)
      %dma_wait3A = arith.constant 0 : i32
      %dma_wait3A_41 = tpu.memref_slice %arg9[%arg0, %mul3A_31, %dma_wait3A] : memref<2x10240x16xf32, #tpu.memory_space<hbm>> -> memref<1x640x16xf32, #tpu.memory_space<hbm>>
      %dma_wait3A_42 = tpu.memref_squeeze %dma_wait3A_41 : memref<1x640x16xf32, #tpu.memory_space<hbm>> -> memref<640x16xf32, #tpu.memory_space<hbm>>
      %dma_wait3A_43 = arith.constant 0 : i32
      %dma_wait3A_44 = tpu.memref_slice %arg16[%mul3A_29, %dma_wait3A_43] : memref<10240x16xf32, #tpu.memory_space<vmem_shared>> -> memref<640x16xf32, #tpu.memory_space<vmem_shared>>
      tpu.wait_dma2 semaphore(%run_scoped3A : memref<!tpu.dma_semaphore, #tpu.memory_space<semaphore_mem>>) src(%dma_wait3A_44 : memref<640x16xf32, #tpu.memory_space<vmem_shared>>) dst(%dma_wait3A_42 : memref<640x16xf32, #tpu.memory_space<hbm>>)
      tpu.yield
    }) : () -> ()
    %mul3A_32 = arith.constant 640 : i32
    %mul3A_33 = arith.muli %arg1, %mul3A_32 : i32
    %mul3A_34 = arith.constant 640 : i32
    %mul3A_35 = arith.muli %arg1, %mul3A_34 : i32
    "tpu.region"() ({
      %run_scoped3A = tpu.sem_alloc : memref<!tpu.dma_semaphore, #tpu.memory_space<semaphore_mem>>
      %dma_start3A_36 = arith.constant 0 : i32
      %dma_start3A_37 = tpu.memref_slice %arg10[%arg0, %mul3A_35, %dma_start3A_36] : memref<2x10240x16xf32, #tpu.memory_space<hbm>> -> memref<1x640x16xf32, #tpu.memory_space<hbm>>
      %dma_start3A_38 = tpu.memref_squeeze %dma_start3A_37 : memref<1x640x16xf32, #tpu.memory_space<hbm>> -> memref<640x16xf32, #tpu.memory_space<hbm>>
      %dma_start3A_39 = arith.constant 0 : i32
      %dma_start3A_40 = tpu.memref_slice %arg17[%mul3A_33, %dma_start3A_39] : memref<10240x16xf32, #tpu.memory_space<vmem_shared>> -> memref<640x16xf32, #tpu.memory_space<vmem_shared>>
      tpu.enqueue_dma source(%dma_start3A_40 : memref<640x16xf32, #tpu.memory_space<vmem_shared>>) target(%dma_start3A_38 : memref<640x16xf32, #tpu.memory_space<hbm>>) target_semaphore(%run_scoped3A : memref<!tpu.dma_semaphore, #tpu.memory_space<semaphore_mem>>)
      %dma_wait3A = arith.constant 0 : i32
      %dma_wait3A_41 = tpu.memref_slice %arg10[%arg0, %mul3A_35, %dma_wait3A] : memref<2x10240x16xf32, #tpu.memory_space<hbm>> -> memref<1x640x16xf32, #tpu.memory_space<hbm>>
      %dma_wait3A_42 = tpu.memref_squeeze %dma_wait3A_41 : memref<1x640x16xf32, #tpu.memory_space<hbm>> -> memref<640x16xf32, #tpu.memory_space<hbm>>
      %dma_wait3A_43 = arith.constant 0 : i32
      %dma_wait3A_44 = tpu.memref_slice %arg17[%mul3A_33, %dma_wait3A_43] : memref<10240x16xf32, #tpu.memory_space<vmem_shared>> -> memref<640x16xf32, #tpu.memory_space<vmem_shared>>
      tpu.wait_dma2 semaphore(%run_scoped3A : memref<!tpu.dma_semaphore, #tpu.memory_space<semaphore_mem>>) src(%dma_wait3A_44 : memref<640x16xf32, #tpu.memory_space<vmem_shared>>) dst(%dma_wait3A_42 : memref<640x16xf32, #tpu.memory_space<hbm>>)
      tpu.yield
    }) : () -> ()
    return
  }
}

#map = affine_map<(d0, d1) -> (0, 0)>
#map1 = affine_map<(d0, d1) -> (0, 0, 0, 0)>
#map2 = affine_map<(d0, d1) -> (0, 0, 0)>
module attributes {stable_mosaic.version = 14 : i64} {
  func.func @_s2_body(%arg0: i32, %arg1: i32, %arg2: memref<20000x128xbf16, #tpu.memory_space<hbm>>, %arg3: memref<20000x128xbf16, #tpu.memory_space<hbm>>, %arg4: memref<2x16x125x80xi32, #tpu.memory_space<hbm>>, %arg5: memref<2x16x125x80xi32, #tpu.memory_space<hbm>>, %arg6: memref<632x128xbf16, #tpu.memory_space<hbm>>, %arg7: memref<2x10112x128xbf16, #tpu.memory_space<hbm>>, %arg8: memref<2x10112x128xbf16, #tpu.memory_space<hbm>>, %arg9: memref<125x80xi32, #tpu.memory_space<vmem>>, %arg10: memref<125x80xi32, #tpu.memory_space<vmem>>, %arg11: memref<2x80xi32, #tpu.memory_space<vmem>>, %arg12: memref<80x128xbf16, #tpu.memory_space<vmem>>, %arg13: memref<80x128xbf16, #tpu.memory_space<vmem>>, %arg14: memref<10112x128xbf16, #tpu.memory_space<vmem_shared>>, %arg15: memref<!tpu.dma_semaphore, #tpu.memory_space<semaphore_mem>>, %arg16: memref<!tpu.dma_semaphore, #tpu.memory_space<semaphore_mem>>) attributes {dimension_semantics = [#tpu.dimension_semantics<core_parallel>, #tpu.dimension_semantics<subcore_parallel>], iteration_bounds = array<i64: 2, 16>, scalar_prefetch = 0 : i64, scratch_operands = 8 : i64, tpu.core_type = #tpu.core_type<sc_vector_subcore>, window_params = [{transform_indices = #map}, {transform_indices = #map}, {transform_indices = #map1}, {transform_indices = #map1}, {transform_indices = #map}, {transform_indices = #map2}, {transform_indices = #map2}]} {
    "tpu.region"() ({
      %run_scoped3A_185 = tpu.sem_alloc : memref<!tpu.dma_semaphore, #tpu.memory_space<semaphore_mem>>
      %dma_start3A_186 = arith.constant 0 : i32
      %dma_start3A_187 = arith.constant 0 : i32
      %dma_start3A_188 = tpu.memref_slice %arg4[%arg0, %arg1, %dma_start3A_186, %dma_start3A_187] : memref<2x16x125x80xi32, #tpu.memory_space<hbm>> -> memref<1x1x125x80xi32, #tpu.memory_space<hbm>>
      %dma_start3A_189 = tpu.memref_squeeze %dma_start3A_188 : memref<1x1x125x80xi32, #tpu.memory_space<hbm>> -> memref<125x80xi32, #tpu.memory_space<hbm>>
      %dma_start3A_190 = arith.constant 0 : i32
      %dma_start3A_191 = arith.constant 0 : i32
      %dma_start3A_192 = tpu.memref_slice %arg4[%arg0, %arg1, %dma_start3A_190, %dma_start3A_191] : memref<2x16x125x80xi32, #tpu.memory_space<hbm>> -> memref<1x1x125x80xi32, #tpu.memory_space<hbm>>
      %dma_start3A_193 = tpu.memref_squeeze %dma_start3A_192 : memref<1x1x125x80xi32, #tpu.memory_space<hbm>> -> memref<125x80xi32, #tpu.memory_space<hbm>>
      tpu.enqueue_dma source(%dma_start3A_193 : memref<125x80xi32, #tpu.memory_space<hbm>>) target(%arg9 : memref<125x80xi32, #tpu.memory_space<vmem>>) target_semaphore(%run_scoped3A_185 : memref<!tpu.dma_semaphore, #tpu.memory_space<semaphore_mem>>)
      %dma_wait3A_194 = arith.constant 0 : i32
      %dma_wait3A_195 = arith.constant 0 : i32
      %dma_wait3A_196 = tpu.memref_slice %arg4[%arg0, %arg1, %dma_wait3A_194, %dma_wait3A_195] : memref<2x16x125x80xi32, #tpu.memory_space<hbm>> -> memref<1x1x125x80xi32, #tpu.memory_space<hbm>>
      %dma_wait3A_197 = tpu.memref_squeeze %dma_wait3A_196 : memref<1x1x125x80xi32, #tpu.memory_space<hbm>> -> memref<125x80xi32, #tpu.memory_space<hbm>>
      %dma_wait3A_198 = arith.constant 0 : i32
      %dma_wait3A_199 = arith.constant 0 : i32
      %dma_wait3A_200 = tpu.memref_slice %arg4[%arg0, %arg1, %dma_wait3A_198, %dma_wait3A_199] : memref<2x16x125x80xi32, #tpu.memory_space<hbm>> -> memref<1x1x125x80xi32, #tpu.memory_space<hbm>>
      %dma_wait3A_201 = tpu.memref_squeeze %dma_wait3A_200 : memref<1x1x125x80xi32, #tpu.memory_space<hbm>> -> memref<125x80xi32, #tpu.memory_space<hbm>>
      tpu.wait_dma2 semaphore(%run_scoped3A_185 : memref<!tpu.dma_semaphore, #tpu.memory_space<semaphore_mem>>) src(%dma_wait3A_201 : memref<125x80xi32, #tpu.memory_space<hbm>>) dst(%arg9 : memref<125x80xi32, #tpu.memory_space<vmem>>)
      tpu.yield
    }) : () -> ()
    "tpu.region"() ({
      %run_scoped3A_185 = tpu.sem_alloc : memref<!tpu.dma_semaphore, #tpu.memory_space<semaphore_mem>>
      %dma_start3A_186 = arith.constant 0 : i32
      %dma_start3A_187 = arith.constant 0 : i32
      %dma_start3A_188 = tpu.memref_slice %arg5[%arg0, %arg1, %dma_start3A_186, %dma_start3A_187] : memref<2x16x125x80xi32, #tpu.memory_space<hbm>> -> memref<1x1x125x80xi32, #tpu.memory_space<hbm>>
      %dma_start3A_189 = tpu.memref_squeeze %dma_start3A_188 : memref<1x1x125x80xi32, #tpu.memory_space<hbm>> -> memref<125x80xi32, #tpu.memory_space<hbm>>
      %dma_start3A_190 = arith.constant 0 : i32
      %dma_start3A_191 = arith.constant 0 : i32
      %dma_start3A_192 = tpu.memref_slice %arg5[%arg0, %arg1, %dma_start3A_190, %dma_start3A_191] : memref<2x16x125x80xi32, #tpu.memory_space<hbm>> -> memref<1x1x125x80xi32, #tpu.memory_space<hbm>>
      %dma_start3A_193 = tpu.memref_squeeze %dma_start3A_192 : memref<1x1x125x80xi32, #tpu.memory_space<hbm>> -> memref<125x80xi32, #tpu.memory_space<hbm>>
      tpu.enqueue_dma source(%dma_start3A_193 : memref<125x80xi32, #tpu.memory_space<hbm>>) target(%arg10 : memref<125x80xi32, #tpu.memory_space<vmem>>) target_semaphore(%run_scoped3A_185 : memref<!tpu.dma_semaphore, #tpu.memory_space<semaphore_mem>>)
      %dma_wait3A_194 = arith.constant 0 : i32
      %dma_wait3A_195 = arith.constant 0 : i32
      %dma_wait3A_196 = tpu.memref_slice %arg5[%arg0, %arg1, %dma_wait3A_194, %dma_wait3A_195] : memref<2x16x125x80xi32, #tpu.memory_space<hbm>> -> memref<1x1x125x80xi32, #tpu.memory_space<hbm>>
      %dma_wait3A_197 = tpu.memref_squeeze %dma_wait3A_196 : memref<1x1x125x80xi32, #tpu.memory_space<hbm>> -> memref<125x80xi32, #tpu.memory_space<hbm>>
      %dma_wait3A_198 = arith.constant 0 : i32
      %dma_wait3A_199 = arith.constant 0 : i32
      %dma_wait3A_200 = tpu.memref_slice %arg5[%arg0, %arg1, %dma_wait3A_198, %dma_wait3A_199] : memref<2x16x125x80xi32, #tpu.memory_space<hbm>> -> memref<1x1x125x80xi32, #tpu.memory_space<hbm>>
      %dma_wait3A_201 = tpu.memref_squeeze %dma_wait3A_200 : memref<1x1x125x80xi32, #tpu.memory_space<hbm>> -> memref<125x80xi32, #tpu.memory_space<hbm>>
      tpu.wait_dma2 semaphore(%run_scoped3A_185 : memref<!tpu.dma_semaphore, #tpu.memory_space<semaphore_mem>>) src(%dma_wait3A_201 : memref<125x80xi32, #tpu.memory_space<hbm>>) dst(%arg10 : memref<125x80xi32, #tpu.memory_space<vmem>>)
      tpu.yield
    }) : () -> ()
    %mul3A = arith.constant 10000 : i32
    %mul3A_0 = arith.muli %arg0, %mul3A : i32
    %mul3A_1 = arith.constant 632 : i32
    %mul3A_2 = arith.muli %arg1, %mul3A_1 : i32
    "tpu.region"() ({
      %run_scoped3A_185 = tpu.sem_alloc : memref<!tpu.dma_semaphore, #tpu.memory_space<semaphore_mem>>
      %dma_start3A_186 = arith.constant 0 : i32
      %dma_start3A_187 = tpu.memref_slice %arg14[%mul3A_2, %dma_start3A_186] : memref<10112x128xbf16, #tpu.memory_space<vmem_shared>> -> memref<632x128xbf16, #tpu.memory_space<vmem_shared>>
      tpu.enqueue_dma source(%arg6 : memref<632x128xbf16, #tpu.memory_space<hbm>>) target(%dma_start3A_187 : memref<632x128xbf16, #tpu.memory_space<vmem_shared>>) target_semaphore(%run_scoped3A_185 : memref<!tpu.dma_semaphore, #tpu.memory_space<semaphore_mem>>)
      %dma_wait3A_188 = arith.constant 0 : i32
      %dma_wait3A_189 = tpu.memref_slice %arg14[%mul3A_2, %dma_wait3A_188] : memref<10112x128xbf16, #tpu.memory_space<vmem_shared>> -> memref<632x128xbf16, #tpu.memory_space<vmem_shared>>
      tpu.wait_dma2 semaphore(%run_scoped3A_185 : memref<!tpu.dma_semaphore, #tpu.memory_space<semaphore_mem>>) src(%arg6 : memref<632x128xbf16, #tpu.memory_space<hbm>>) dst(%dma_wait3A_189 : memref<632x128xbf16, #tpu.memory_space<vmem_shared>>)
      tpu.yield
    }) : () -> ()
    %barrier3A = arith.constant 0 : index
    tpu.barrier barrier_id(%barrier3A)
    %get3A = arith.constant 0 : i32
    %get3A_3 = arith.index_cast %get3A : i32 to index
    %get3A_4 = arith.constant 0 : index
    %get3A_5 = tpu.vector_load %arg9[%get3A_3, %get3A_4] {strides = array<i32>} : memref<125x80xi32, #tpu.memory_space<vmem>>, vector<1x16xi32>,
    %get3A_6 = vector.shape_cast %get3A_5 : vector<1x16xi32> to vector<16xi32>
    %add3A = vector.broadcast %mul3A_0 : i32 to vector<16xi32>
    %add3A_7 = arith.addi %get3A_6, %add3A : vector<16xi32>
    %swap3A = arith.constant 0 : i32
    %swap3A_8 = arith.index_cast %swap3A : i32 to index
    %swap3A_9 = arith.constant 0 : index
    %swap3A_10 = tpu.vector_load %arg11[%swap3A_8, %swap3A_9] {strides = array<i32>} : memref<2x80xi32, #tpu.memory_space<vmem>>, vector<1x16xi32>,
    %swap3A_11 = vector.shape_cast %swap3A_10 : vector<1x16xi32> to vector<16xi32>
    %swap3A_12 = vector.shape_cast %add3A_7 : vector<16xi32> to vector<1x16xi32>
    tpu.vector_store %arg11[%swap3A_8, %swap3A_9], %swap3A_12 {strides = array<i32>} : memref<2x80xi32, #tpu.memory_space<vmem>>, vector<1x16xi32>,
    %get3A_13 = arith.constant 0 : i32
    %get3A_14 = arith.index_cast %get3A_13 : i32 to index
    %get3A_15 = arith.constant 16 : index
    %get3A_16 = tpu.vector_load %arg9[%get3A_14, %get3A_15] {strides = array<i32>} : memref<125x80xi32, #tpu.memory_space<vmem>>, vector<1x16xi32>,
    %get3A_17 = vector.shape_cast %get3A_16 : vector<1x16xi32> to vector<16xi32>
    %add3A_18 = vector.broadcast %mul3A_0 : i32 to vector<16xi32>
    %add3A_19 = arith.addi %get3A_17, %add3A_18 : vector<16xi32>
    %swap3A_20 = arith.constant 0 : i32
    %swap3A_21 = arith.index_cast %swap3A_20 : i32 to index
    %swap3A_22 = arith.constant 16 : index
    %swap3A_23 = tpu.vector_load %arg11[%swap3A_21, %swap3A_22] {strides = array<i32>} : memref<2x80xi32, #tpu.memory_space<vmem>>, vector<1x16xi32>,
    %swap3A_24 = vector.shape_cast %swap3A_23 : vector<1x16xi32> to vector<16xi32>
    %swap3A_25 = vector.shape_cast %add3A_19 : vector<16xi32> to vector<1x16xi32>
    tpu.vector_store %arg11[%swap3A_21, %swap3A_22], %swap3A_25 {strides = array<i32>} : memref<2x80xi32, #tpu.memory_space<vmem>>, vector<1x16xi32>,
    %get3A_26 = arith.constant 0 : i32
    %get3A_27 = arith.index_cast %get3A_26 : i32 to index
    %get3A_28 = arith.constant 32 : index
    %get3A_29 = tpu.vector_load %arg9[%get3A_27, %get3A_28] {strides = array<i32>} : memref<125x80xi32, #tpu.memory_space<vmem>>, vector<1x16xi32>,
    %get3A_30 = vector.shape_cast %get3A_29 : vector<1x16xi32> to vector<16xi32>
    %add3A_31 = vector.broadcast %mul3A_0 : i32 to vector<16xi32>
    %add3A_32 = arith.addi %get3A_30, %add3A_31 : vector<16xi32>
    %swap3A_33 = arith.constant 0 : i32
    %swap3A_34 = arith.index_cast %swap3A_33 : i32 to index
    %swap3A_35 = arith.constant 32 : index
    %swap3A_36 = tpu.vector_load %arg11[%swap3A_34, %swap3A_35] {strides = array<i32>} : memref<2x80xi32, #tpu.memory_space<vmem>>, vector<1x16xi32>,
    %swap3A_37 = vector.shape_cast %swap3A_36 : vector<1x16xi32> to vector<16xi32>
    %swap3A_38 = vector.shape_cast %add3A_32 : vector<16xi32> to vector<1x16xi32>
    tpu.vector_store %arg11[%swap3A_34, %swap3A_35], %swap3A_38 {strides = array<i32>} : memref<2x80xi32, #tpu.memory_space<vmem>>, vector<1x16xi32>,
    %get3A_39 = arith.constant 0 : i32
    %get3A_40 = arith.index_cast %get3A_39 : i32 to index
    %get3A_41 = arith.constant 48 : index
    %get3A_42 = tpu.vector_load %arg9[%get3A_40, %get3A_41] {strides = array<i32>} : memref<125x80xi32, #tpu.memory_space<vmem>>, vector<1x16xi32>,
    %get3A_43 = vector.shape_cast %get3A_42 : vector<1x16xi32> to vector<16xi32>
    %add3A_44 = vector.broadcast %mul3A_0 : i32 to vector<16xi32>
    %add3A_45 = arith.addi %get3A_43, %add3A_44 : vector<16xi32>
    %swap3A_46 = arith.constant 0 : i32
    %swap3A_47 = arith.index_cast %swap3A_46 : i32 to index
    %swap3A_48 = arith.constant 48 : index
    %swap3A_49 = tpu.vector_load %arg11[%swap3A_47, %swap3A_48] {strides = array<i32>} : memref<2x80xi32, #tpu.memory_space<vmem>>, vector<1x16xi32>,
    %swap3A_50 = vector.shape_cast %swap3A_49 : vector<1x16xi32> to vector<16xi32>
    %swap3A_51 = vector.shape_cast %add3A_45 : vector<16xi32> to vector<1x16xi32>
    tpu.vector_store %arg11[%swap3A_47, %swap3A_48], %swap3A_51 {strides = array<i32>} : memref<2x80xi32, #tpu.memory_space<vmem>>, vector<1x16xi32>,
    %get3A_52 = arith.constant 0 : i32
    %get3A_53 = arith.index_cast %get3A_52 : i32 to index
    %get3A_54 = arith.constant 64 : index
    %get3A_55 = tpu.vector_load %arg9[%get3A_53, %get3A_54] {strides = array<i32>} : memref<125x80xi32, #tpu.memory_space<vmem>>, vector<1x16xi32>,
    %get3A_56 = vector.shape_cast %get3A_55 : vector<1x16xi32> to vector<16xi32>
    %add3A_57 = vector.broadcast %mul3A_0 : i32 to vector<16xi32>
    %add3A_58 = arith.addi %get3A_56, %add3A_57 : vector<16xi32>
    %swap3A_59 = arith.constant 0 : i32
    %swap3A_60 = arith.index_cast %swap3A_59 : i32 to index
    %swap3A_61 = arith.constant 64 : index
    %swap3A_62 = tpu.vector_load %arg11[%swap3A_60, %swap3A_61] {strides = array<i32>} : memref<2x80xi32, #tpu.memory_space<vmem>>, vector<1x16xi32>,
    %swap3A_63 = vector.shape_cast %swap3A_62 : vector<1x16xi32> to vector<16xi32>
    %swap3A_64 = vector.shape_cast %add3A_58 : vector<16xi32> to vector<1x16xi32>
    tpu.vector_store %arg11[%swap3A_60, %swap3A_61], %swap3A_64 {strides = array<i32>} : memref<2x80xi32, #tpu.memory_space<vmem>>, vector<1x16xi32>,
    %dma_start3A = arith.constant 0 : i32
    %dma_start3A_65 = arith.constant 0 : i32
    %dma_start3A_66 = tpu.memref_slice %arg11[%dma_start3A, %dma_start3A_65] : memref<2x80xi32, #tpu.memory_space<vmem>> -> memref<1x80xi32, #tpu.memory_space<vmem>>
    %dma_start3A_67 = tpu.memref_squeeze %dma_start3A_66 : memref<1x80xi32, #tpu.memory_space<vmem>> -> memref<80xi32, #tpu.memory_space<vmem>>
    %dma_start3A_68 = arith.constant 0 : i32
    %dma_start3A_69 = arith.constant 0 : i32
    %dma_start3A_70 = tpu.memref_slice %arg2[%dma_start3A_68, %dma_start3A_69] : memref<20000x128xbf16, #tpu.memory_space<hbm>> -> memref<20000x128xbf16, #tpu.memory_space<hbm>>
    tpu.enqueue_indirect_dma source(%dma_start3A_70 : memref<20000x128xbf16, #tpu.memory_space<hbm>>) target(%arg12 : memref<80x128xbf16, #tpu.memory_space<vmem>>) offsets(%dma_start3A_67 : memref<80xi32, #tpu.memory_space<vmem>>) semaphore(%arg15 : memref<!tpu.dma_semaphore, #tpu.memory_space<semaphore_mem>>)
    %scan3A = arith.constant 0 : i32
    %scan3A_71 = arith.constant 0 : i32
    %scan3A_72 = arith.constant 62 : i32
    %scan3A_73 = arith.addi %scan3A_71, %scan3A_72 : i32
    %scan3A_74 = arith.constant 1 : i32
    scf.for %scan3A_185 = %scan3A_71 to %scan3A_73 step %scan3A_74  : i32 {
      %mul3A_186 = arith.constant 2 : i32
      %mul3A_187 = arith.muli %mul3A_186, %scan3A_185 : i32
      %dma_wait3A_188 = arith.constant 0 : i32
      %dma_wait3A_189 = arith.constant 0 : i32
      %dma_wait3A_190 = tpu.memref_slice %arg11[%dma_wait3A_188, %dma_wait3A_189] : memref<2x80xi32, #tpu.memory_space<vmem>> -> memref<1x80xi32, #tpu.memory_space<vmem>>
      %dma_wait3A_191 = tpu.memref_squeeze %dma_wait3A_190 : memref<1x80xi32, #tpu.memory_space<vmem>> -> memref<80xi32, #tpu.memory_space<vmem>>
      %dma_wait3A_192 = arith.constant 0 : i32
      %dma_wait3A_193 = arith.constant 0 : i32
      %dma_wait3A_194 = tpu.memref_slice %arg2[%dma_wait3A_192, %dma_wait3A_193] : memref<20000x128xbf16, #tpu.memory_space<hbm>> -> memref<20000x128xbf16, #tpu.memory_space<hbm>>
      tpu.wait_indirect_dma semaphore(%arg15 : memref<!tpu.dma_semaphore, #tpu.memory_space<semaphore_mem>>) src(%dma_wait3A_194 : memref<20000x128xbf16, #tpu.memory_space<hbm>>) dst(%arg12 : memref<80x128xbf16, #tpu.memory_space<vmem>>)
      %add3A_195 = arith.constant 1 : i32
      %add3A_196 = arith.addi %mul3A_187, %add3A_195 : i32
      %get3A_197 = arith.index_cast %add3A_196 : i32 to index
      %get3A_198 = arith.constant 0 : index
      %get3A_199 = tpu.vector_load %arg9[%get3A_197, %get3A_198] {strides = array<i32>} : memref<125x80xi32, #tpu.memory_space<vmem>>, vector<1x16xi32>,
      %get3A_200 = vector.shape_cast %get3A_199 : vector<1x16xi32> to vector<16xi32>
      %add3A_201 = vector.broadcast %mul3A_0 : i32 to vector<16xi32>
      %add3A_202 = arith.addi %get3A_200, %add3A_201 : vector<16xi32>
      %swap3A_203 = arith.constant 1 : i32
      %swap3A_204 = arith.index_cast %swap3A_203 : i32 to index
      %swap3A_205 = arith.constant 0 : index
      %swap3A_206 = tpu.vector_load %arg11[%swap3A_204, %swap3A_205] {strides = array<i32>} : memref<2x80xi32, #tpu.memory_space<vmem>>, vector<1x16xi32>,
      %swap3A_207 = vector.shape_cast %swap3A_206 : vector<1x16xi32> to vector<16xi32>
      %swap3A_208 = vector.shape_cast %add3A_202 : vector<16xi32> to vector<1x16xi32>
      tpu.vector_store %arg11[%swap3A_204, %swap3A_205], %swap3A_208 {strides = array<i32>} : memref<2x80xi32, #tpu.memory_space<vmem>>, vector<1x16xi32>,
      %get3A_209 = arith.index_cast %add3A_196 : i32 to index
      %get3A_210 = arith.constant 16 : index
      %get3A_211 = tpu.vector_load %arg9[%get3A_209, %get3A_210] {strides = array<i32>} : memref<125x80xi32, #tpu.memory_space<vmem>>, vector<1x16xi32>,
      %get3A_212 = vector.shape_cast %get3A_211 : vector<1x16xi32> to vector<16xi32>
      %add3A_213 = vector.broadcast %mul3A_0 : i32 to vector<16xi32>
      %add3A_214 = arith.addi %get3A_212, %add3A_213 : vector<16xi32>
      %swap3A_215 = arith.constant 1 : i32
      %swap3A_216 = arith.index_cast %swap3A_215 : i32 to index
      %swap3A_217 = arith.constant 16 : index
      %swap3A_218 = tpu.vector_load %arg11[%swap3A_216, %swap3A_217] {strides = array<i32>} : memref<2x80xi32, #tpu.memory_space<vmem>>, vector<1x16xi32>,
      %swap3A_219 = vector.shape_cast %swap3A_218 : vector<1x16xi32> to vector<16xi32>
      %swap3A_220 = vector.shape_cast %add3A_214 : vector<16xi32> to vector<1x16xi32>
      tpu.vector_store %arg11[%swap3A_216, %swap3A_217], %swap3A_220 {strides = array<i32>} : memref<2x80xi32, #tpu.memory_space<vmem>>, vector<1x16xi32>,
      %get3A_221 = arith.index_cast %add3A_196 : i32 to index
      %get3A_222 = arith.constant 32 : index
      %get3A_223 = tpu.vector_load %arg9[%get3A_221, %get3A_222] {strides = array<i32>} : memref<125x80xi32, #tpu.memory_space<vmem>>, vector<1x16xi32>,
      %get3A_224 = vector.shape_cast %get3A_223 : vector<1x16xi32> to vector<16xi32>
      %add3A_225 = vector.broadcast %mul3A_0 : i32 to vector<16xi32>
      %add3A_226 = arith.addi %get3A_224, %add3A_225 : vector<16xi32>
      %swap3A_227 = arith.constant 1 : i32
      %swap3A_228 = arith.index_cast %swap3A_227 : i32 to index
      %swap3A_229 = arith.constant 32 : index
      %swap3A_230 = tpu.vector_load %arg11[%swap3A_228, %swap3A_229] {strides = array<i32>} : memref<2x80xi32, #tpu.memory_space<vmem>>, vector<1x16xi32>,
      %swap3A_231 = vector.shape_cast %swap3A_230 : vector<1x16xi32> to vector<16xi32>
      %swap3A_232 = vector.shape_cast %add3A_226 : vector<16xi32> to vector<1x16xi32>
      tpu.vector_store %arg11[%swap3A_228, %swap3A_229], %swap3A_232 {strides = array<i32>} : memref<2x80xi32, #tpu.memory_space<vmem>>, vector<1x16xi32>,
      %get3A_233 = arith.index_cast %add3A_196 : i32 to index
      %get3A_234 = arith.constant 48 : index
      %get3A_235 = tpu.vector_load %arg9[%get3A_233, %get3A_234] {strides = array<i32>} : memref<125x80xi32, #tpu.memory_space<vmem>>, vector<1x16xi32>,
      %get3A_236 = vector.shape_cast %get3A_235 : vector<1x16xi32> to vector<16xi32>
      %add3A_237 = vector.broadcast %mul3A_0 : i32 to vector<16xi32>
      %add3A_238 = arith.addi %get3A_236, %add3A_237 : vector<16xi32>
      %swap3A_239 = arith.constant 1 : i32
      %swap3A_240 = arith.index_cast %swap3A_239 : i32 to index
      %swap3A_241 = arith.constant 48 : index
      %swap3A_242 = tpu.vector_load %arg11[%swap3A_240, %swap3A_241] {strides = array<i32>} : memref<2x80xi32, #tpu.memory_space<vmem>>, vector<1x16xi32>,
      %swap3A_243 = vector.shape_cast %swap3A_242 : vector<1x16xi32> to vector<16xi32>
      %swap3A_244 = vector.shape_cast %add3A_238 : vector<16xi32> to vector<1x16xi32>
      tpu.vector_store %arg11[%swap3A_240, %swap3A_241], %swap3A_244 {strides = array<i32>} : memref<2x80xi32, #tpu.memory_space<vmem>>, vector<1x16xi32>,
      %get3A_245 = arith.index_cast %add3A_196 : i32 to index
      %get3A_246 = arith.constant 64 : index
      %get3A_247 = tpu.vector_load %arg9[%get3A_245, %get3A_246] {strides = array<i32>} : memref<125x80xi32, #tpu.memory_space<vmem>>, vector<1x16xi32>,
      %get3A_248 = vector.shape_cast %get3A_247 : vector<1x16xi32> to vector<16xi32>
      %add3A_249 = vector.broadcast %mul3A_0 : i32 to vector<16xi32>
      %add3A_250 = arith.addi %get3A_248, %add3A_249 : vector<16xi32>
      %swap3A_251 = arith.constant 1 : i32
      %swap3A_252 = arith.index_cast %swap3A_251 : i32 to index
      %swap3A_253 = arith.constant 64 : index
      %swap3A_254 = tpu.vector_load %arg11[%swap3A_252, %swap3A_253] {strides = array<i32>} : memref<2x80xi32, #tpu.memory_space<vmem>>, vector<1x16xi32>,
      %swap3A_255 = vector.shape_cast %swap3A_254 : vector<1x16xi32> to vector<16xi32>
      %swap3A_256 = vector.shape_cast %add3A_250 : vector<16xi32> to vector<1x16xi32>
      tpu.vector_store %arg11[%swap3A_252, %swap3A_253], %swap3A_256 {strides = array<i32>} : memref<2x80xi32, #tpu.memory_space<vmem>>, vector<1x16xi32>,
      %dma_start3A_257 = arith.constant 1 : i32
      %dma_start3A_258 = arith.constant 0 : i32
      %dma_start3A_259 = tpu.memref_slice %arg11[%dma_start3A_257, %dma_start3A_258] : memref<2x80xi32, #tpu.memory_space<vmem>> -> memref<1x80xi32, #tpu.memory_space<vmem>>
      %dma_start3A_260 = tpu.memref_squeeze %dma_start3A_259 : memref<1x80xi32, #tpu.memory_space<vmem>> -> memref<80xi32, #tpu.memory_space<vmem>>
      %dma_start3A_261 = arith.constant 0 : i32
      %dma_start3A_262 = arith.constant 0 : i32
      %dma_start3A_263 = tpu.memref_slice %arg2[%dma_start3A_261, %dma_start3A_262] : memref<20000x128xbf16, #tpu.memory_space<hbm>> -> memref<20000x128xbf16, #tpu.memory_space<hbm>>
      tpu.enqueue_indirect_dma source(%dma_start3A_263 : memref<20000x128xbf16, #tpu.memory_space<hbm>>) target(%arg13 : memref<80x128xbf16, #tpu.memory_space<vmem>>) offsets(%dma_start3A_260 : memref<80xi32, #tpu.memory_space<vmem>>) semaphore(%arg16 : memref<!tpu.dma_semaphore, #tpu.memory_space<semaphore_mem>>)
      "tpu.region"() ({
        %run_scoped3A_277 = tpu.sem_alloc : memref<!tpu.dma_semaphore, #tpu.memory_space<semaphore_mem>>
        %dma_start3A_278 = arith.constant 0 : i32
        %dma_start3A_279 = tpu.memref_slice %arg10[%mul3A_187, %dma_start3A_278] : memref<125x80xi32, #tpu.memory_space<vmem>> -> memref<1x80xi32, #tpu.memory_space<vmem>>
        %dma_start3A_280 = tpu.memref_squeeze %dma_start3A_279 : memref<1x80xi32, #tpu.memory_space<vmem>> -> memref<80xi32, #tpu.memory_space<vmem>>
        %dma_start3A_281 = arith.constant 0 : i32
        %dma_start3A_282 = arith.constant 0 : i32
        %dma_start3A_283 = tpu.memref_slice %arg14[%dma_start3A_281, %dma_start3A_282] : memref<10112x128xbf16, #tpu.memory_space<vmem_shared>> -> memref<10112x128xbf16, #tpu.memory_space<vmem_shared>>
        tpu.enqueue_indirect_dma source(%arg12 : memref<80x128xbf16, #tpu.memory_space<vmem>>) target(%dma_start3A_283 : memref<10112x128xbf16, #tpu.memory_space<vmem_shared>>) offsets(%dma_start3A_280 : memref<80xi32, #tpu.memory_space<vmem>>) semaphore(%run_scoped3A_277 : memref<!tpu.dma_semaphore, #tpu.memory_space<semaphore_mem>>) {add = true}
        %dma_wait3A_284 = arith.constant 0 : i32
        %dma_wait3A_285 = tpu.memref_slice %arg10[%mul3A_187, %dma_wait3A_284] : memref<125x80xi32, #tpu.memory_space<vmem>> -> memref<1x80xi32, #tpu.memory_space<vmem>>
        %dma_wait3A_286 = tpu.memref_squeeze %dma_wait3A_285 : memref<1x80xi32, #tpu.memory_space<vmem>> -> memref<80xi32, #tpu.memory_space<vmem>>
        %dma_wait3A_287 = arith.constant 0 : i32
        %dma_wait3A_288 = arith.constant 0 : i32
        %dma_wait3A_289 = tpu.memref_slice %arg14[%dma_wait3A_287, %dma_wait3A_288] : memref<10112x128xbf16, #tpu.memory_space<vmem_shared>> -> memref<10112x128xbf16, #tpu.memory_space<vmem_shared>>
        tpu.wait_indirect_dma semaphore(%run_scoped3A_277 : memref<!tpu.dma_semaphore, #tpu.memory_space<semaphore_mem>>) src(%arg12 : memref<80x128xbf16, #tpu.memory_space<vmem>>) dst(%dma_wait3A_289 : memref<10112x128xbf16, #tpu.memory_space<vmem_shared>>)
        tpu.yield
      }) : () -> ()
      %dma_wait3A_264 = arith.constant 1 : i32
      %dma_wait3A_265 = arith.constant 0 : i32
      %dma_wait3A_266 = tpu.memref_slice %arg11[%dma_wait3A_264, %dma_wait3A_265] : memref<2x80xi32, #tpu.memory_space<vmem>> -> memref<1x80xi32, #tpu.memory_space<vmem>>
      %dma_wait3A_267 = tpu.memref_squeeze %dma_wait3A_266 : memref<1x80xi32, #tpu.memory_space<vmem>> -> memref<80xi32, #tpu.memory_space<vmem>>
      %dma_wait3A_268 = arith.constant 0 : i32
      %dma_wait3A_269 = arith.constant 0 : i32
      %dma_wait3A_270 = tpu.memref_slice %arg2[%dma_wait3A_268, %dma_wait3A_269] : memref<20000x128xbf16, #tpu.memory_space<hbm>> -> memref<20000x128xbf16, #tpu.memory_space<hbm>>
      tpu.wait_indirect_dma semaphore(%arg16 : memref<!tpu.dma_semaphore, #tpu.memory_space<semaphore_mem>>) src(%dma_wait3A_270 : memref<20000x128xbf16, #tpu.memory_space<hbm>>) dst(%arg13 : memref<80x128xbf16, #tpu.memory_space<vmem>>)
      %add3A_271 = arith.constant 2 : i32
      %add3A_272 = arith.addi %mul3A_187, %add3A_271 : i32
      %lt3A = arith.constant 125 : i32
      %lt3A_273 = arith.cmpi slt, %add3A_272, %lt3A : i32
      %convert_element_type3A = arith.extui %lt3A_273 : i1 to i32
      %cond3A = arith.constant 0 : i32
      %cond3A_274 = arith.cmpi ne, %convert_element_type3A, %cond3A : i32
      scf.if %cond3A_274 {
        %add3A_277 = arith.constant 2 : i32
        %add3A_278 = arith.addi %mul3A_187, %add3A_277 : i32
        %get3A_279 = arith.index_cast %add3A_278 : i32 to index
        %get3A_280 = arith.constant 0 : index
        %get3A_281 = tpu.vector_load %arg9[%get3A_279, %get3A_280] {strides = array<i32>} : memref<125x80xi32, #tpu.memory_space<vmem>>, vector<1x16xi32>,
        %get3A_282 = vector.shape_cast %get3A_281 : vector<1x16xi32> to vector<16xi32>
        %add3A_283 = vector.broadcast %mul3A_0 : i32 to vector<16xi32>
        %add3A_284 = arith.addi %get3A_282, %add3A_283 : vector<16xi32>
        %swap3A_285 = arith.constant 0 : i32
        %swap3A_286 = arith.index_cast %swap3A_285 : i32 to index
        %swap3A_287 = arith.constant 0 : index
        %swap3A_288 = tpu.vector_load %arg11[%swap3A_286, %swap3A_287] {strides = array<i32>} : memref<2x80xi32, #tpu.memory_space<vmem>>, vector<1x16xi32>,
        %swap3A_289 = vector.shape_cast %swap3A_288 : vector<1x16xi32> to vector<16xi32>
        %swap3A_290 = vector.shape_cast %add3A_284 : vector<16xi32> to vector<1x16xi32>
        tpu.vector_store %arg11[%swap3A_286, %swap3A_287], %swap3A_290 {strides = array<i32>} : memref<2x80xi32, #tpu.memory_space<vmem>>, vector<1x16xi32>,
        %get3A_291 = arith.index_cast %add3A_278 : i32 to index
        %get3A_292 = arith.constant 16 : index
        %get3A_293 = tpu.vector_load %arg9[%get3A_291, %get3A_292] {strides = array<i32>} : memref<125x80xi32, #tpu.memory_space<vmem>>, vector<1x16xi32>,
        %get3A_294 = vector.shape_cast %get3A_293 : vector<1x16xi32> to vector<16xi32>
        %add3A_295 = vector.broadcast %mul3A_0 : i32 to vector<16xi32>
        %add3A_296 = arith.addi %get3A_294, %add3A_295 : vector<16xi32>
        %swap3A_297 = arith.constant 0 : i32
        %swap3A_298 = arith.index_cast %swap3A_297 : i32 to index
        %swap3A_299 = arith.constant 16 : index
        %swap3A_300 = tpu.vector_load %arg11[%swap3A_298, %swap3A_299] {strides = array<i32>} : memref<2x80xi32, #tpu.memory_space<vmem>>, vector<1x16xi32>,
        %swap3A_301 = vector.shape_cast %swap3A_300 : vector<1x16xi32> to vector<16xi32>
        %swap3A_302 = vector.shape_cast %add3A_296 : vector<16xi32> to vector<1x16xi32>
        tpu.vector_store %arg11[%swap3A_298, %swap3A_299], %swap3A_302 {strides = array<i32>} : memref<2x80xi32, #tpu.memory_space<vmem>>, vector<1x16xi32>,
        %get3A_303 = arith.index_cast %add3A_278 : i32 to index
        %get3A_304 = arith.constant 32 : index
        %get3A_305 = tpu.vector_load %arg9[%get3A_303, %get3A_304] {strides = array<i32>} : memref<125x80xi32, #tpu.memory_space<vmem>>, vector<1x16xi32>,
        %get3A_306 = vector.shape_cast %get3A_305 : vector<1x16xi32> to vector<16xi32>
        %add3A_307 = vector.broadcast %mul3A_0 : i32 to vector<16xi32>
        %add3A_308 = arith.addi %get3A_306, %add3A_307 : vector<16xi32>
        %swap3A_309 = arith.constant 0 : i32
        %swap3A_310 = arith.index_cast %swap3A_309 : i32 to index
        %swap3A_311 = arith.constant 32 : index
        %swap3A_312 = tpu.vector_load %arg11[%swap3A_310, %swap3A_311] {strides = array<i32>} : memref<2x80xi32, #tpu.memory_space<vmem>>, vector<1x16xi32>,
        %swap3A_313 = vector.shape_cast %swap3A_312 : vector<1x16xi32> to vector<16xi32>
        %swap3A_314 = vector.shape_cast %add3A_308 : vector<16xi32> to vector<1x16xi32>
        tpu.vector_store %arg11[%swap3A_310, %swap3A_311], %swap3A_314 {strides = array<i32>} : memref<2x80xi32, #tpu.memory_space<vmem>>, vector<1x16xi32>,
        %get3A_315 = arith.index_cast %add3A_278 : i32 to index
        %get3A_316 = arith.constant 48 : index
        %get3A_317 = tpu.vector_load %arg9[%get3A_315, %get3A_316] {strides = array<i32>} : memref<125x80xi32, #tpu.memory_space<vmem>>, vector<1x16xi32>,
        %get3A_318 = vector.shape_cast %get3A_317 : vector<1x16xi32> to vector<16xi32>
        %add3A_319 = vector.broadcast %mul3A_0 : i32 to vector<16xi32>
        %add3A_320 = arith.addi %get3A_318, %add3A_319 : vector<16xi32>
        %swap3A_321 = arith.constant 0 : i32
        %swap3A_322 = arith.index_cast %swap3A_321 : i32 to index
        %swap3A_323 = arith.constant 48 : index
        %swap3A_324 = tpu.vector_load %arg11[%swap3A_322, %swap3A_323] {strides = array<i32>} : memref<2x80xi32, #tpu.memory_space<vmem>>, vector<1x16xi32>,
        %swap3A_325 = vector.shape_cast %swap3A_324 : vector<1x16xi32> to vector<16xi32>
        %swap3A_326 = vector.shape_cast %add3A_320 : vector<16xi32> to vector<1x16xi32>
        tpu.vector_store %arg11[%swap3A_322, %swap3A_323], %swap3A_326 {strides = array<i32>} : memref<2x80xi32, #tpu.memory_space<vmem>>, vector<1x16xi32>,
        %get3A_327 = arith.index_cast %add3A_278 : i32 to index
        %get3A_328 = arith.constant 64 : index
        %get3A_329 = tpu.vector_load %arg9[%get3A_327, %get3A_328] {strides = array<i32>} : memref<125x80xi32, #tpu.memory_space<vmem>>, vector<1x16xi32>,
        %get3A_330 = vector.shape_cast %get3A_329 : vector<1x16xi32> to vector<16xi32>
        %add3A_331 = vector.broadcast %mul3A_0 : i32 to vector<16xi32>
        %add3A_332 = arith.addi %get3A_330, %add3A_331 : vector<16xi32>
        %swap3A_333 = arith.constant 0 : i32
        %swap3A_334 = arith.index_cast %swap3A_333 : i32 to index
        %swap3A_335 = arith.constant 64 : index
        %swap3A_336 = tpu.vector_load %arg11[%swap3A_334, %swap3A_335] {strides = array<i32>} : memref<2x80xi32, #tpu.memory_space<vmem>>, vector<1x16xi32>,
        %swap3A_337 = vector.shape_cast %swap3A_336 : vector<1x16xi32> to vector<16xi32>
        %swap3A_338 = vector.shape_cast %add3A_332 : vector<16xi32> to vector<1x16xi32>
        tpu.vector_store %arg11[%swap3A_334, %swap3A_335], %swap3A_338 {strides = array<i32>} : memref<2x80xi32, #tpu.memory_space<vmem>>, vector<1x16xi32>,
        %dma_start3A_339 = arith.constant 0 : i32
        %dma_start3A_340 = arith.constant 0 : i32
        %dma_start3A_341 = tpu.memref_slice %arg11[%dma_start3A_339, %dma_start3A_340] : memref<2x80xi32, #tpu.memory_space<vmem>> -> memref<1x80xi32, #tpu.memory_space<vmem>>
        %dma_start3A_342 = tpu.memref_squeeze %dma_start3A_341 : memref<1x80xi32, #tpu.memory_space<vmem>> -> memref<80xi32, #tpu.memory_space<vmem>>
        %dma_start3A_343 = arith.constant 0 : i32
        %dma_start3A_344 = arith.constant 0 : i32
        %dma_start3A_345 = tpu.memref_slice %arg2[%dma_start3A_343, %dma_start3A_344] : memref<20000x128xbf16, #tpu.memory_space<hbm>> -> memref<20000x128xbf16, #tpu.memory_space<hbm>>
        tpu.enqueue_indirect_dma source(%dma_start3A_345 : memref<20000x128xbf16, #tpu.memory_space<hbm>>) target(%arg12 : memref<80x128xbf16, #tpu.memory_space<vmem>>) offsets(%dma_start3A_342 : memref<80xi32, #tpu.memory_space<vmem>>) semaphore(%arg15 : memref<!tpu.dma_semaphore, #tpu.memory_space<semaphore_mem>>)
      } else {
      }
      %add3A_275 = arith.constant 1 : i32
      %add3A_276 = arith.addi %mul3A_187, %add3A_275 : i32
      "tpu.region"() ({
        %run_scoped3A_277 = tpu.sem_alloc : memref<!tpu.dma_semaphore, #tpu.memory_space<semaphore_mem>>
        %dma_start3A_278 = arith.constant 0 : i32
        %dma_start3A_279 = tpu.memref_slice %arg10[%add3A_276, %dma_start3A_278] : memref<125x80xi32, #tpu.memory_space<vmem>> -> memref<1x80xi32, #tpu.memory_space<vmem>>
        %dma_start3A_280 = tpu.memref_squeeze %dma_start3A_279 : memref<1x80xi32, #tpu.memory_space<vmem>> -> memref<80xi32, #tpu.memory_space<vmem>>
        %dma_start3A_281 = arith.constant 0 : i32
        %dma_start3A_282 = arith.constant 0 : i32
        %dma_start3A_283 = tpu.memref_slice %arg14[%dma_start3A_281, %dma_start3A_282] : memref<10112x128xbf16, #tpu.memory_space<vmem_shared>> -> memref<10112x128xbf16, #tpu.memory_space<vmem_shared>>
        tpu.enqueue_indirect_dma source(%arg13 : memref<80x128xbf16, #tpu.memory_space<vmem>>) target(%dma_start3A_283 : memref<10112x128xbf16, #tpu.memory_space<vmem_shared>>) offsets(%dma_start3A_280 : memref<80xi32, #tpu.memory_space<vmem>>) semaphore(%run_scoped3A_277 : memref<!tpu.dma_semaphore, #tpu.memory_space<semaphore_mem>>) {add = true}
        %dma_wait3A_284 = arith.constant 0 : i32
        %dma_wait3A_285 = tpu.memref_slice %arg10[%add3A_276, %dma_wait3A_284] : memref<125x80xi32, #tpu.memory_space<vmem>> -> memref<1x80xi32, #tpu.memory_space<vmem>>
        %dma_wait3A_286 = tpu.memref_squeeze %dma_wait3A_285 : memref<1x80xi32, #tpu.memory_space<vmem>> -> memref<80xi32, #tpu.memory_space<vmem>>
        %dma_wait3A_287 = arith.constant 0 : i32
        %dma_wait3A_288 = arith.constant 0 : i32
        %dma_wait3A_289 = tpu.memref_slice %arg14[%dma_wait3A_287, %dma_wait3A_288] : memref<10112x128xbf16, #tpu.memory_space<vmem_shared>> -> memref<10112x128xbf16, #tpu.memory_space<vmem_shared>>
        tpu.wait_indirect_dma semaphore(%run_scoped3A_277 : memref<!tpu.dma_semaphore, #tpu.memory_space<semaphore_mem>>) src(%arg13 : memref<80x128xbf16, #tpu.memory_space<vmem>>) dst(%dma_wait3A_289 : memref<10112x128xbf16, #tpu.memory_space<vmem_shared>>)
        tpu.yield
      }) : () -> ()
    }
    %scan3A_75 = arith.constant 62 : i32
    %dma_wait3A = arith.constant 0 : i32
    %dma_wait3A_76 = arith.constant 0 : i32
    %dma_wait3A_77 = tpu.memref_slice %arg11[%dma_wait3A, %dma_wait3A_76] : memref<2x80xi32, #tpu.memory_space<vmem>> -> memref<1x80xi32, #tpu.memory_space<vmem>>
    %dma_wait3A_78 = tpu.memref_squeeze %dma_wait3A_77 : memref<1x80xi32, #tpu.memory_space<vmem>> -> memref<80xi32, #tpu.memory_space<vmem>>
    %dma_wait3A_79 = arith.constant 0 : i32
    %dma_wait3A_80 = arith.constant 0 : i32
    %dma_wait3A_81 = tpu.memref_slice %arg2[%dma_wait3A_79, %dma_wait3A_80] : memref<20000x128xbf16, #tpu.memory_space<hbm>> -> memref<20000x128xbf16, #tpu.memory_space<hbm>>
    tpu.wait_indirect_dma semaphore(%arg15 : memref<!tpu.dma_semaphore, #tpu.memory_space<semaphore_mem>>) src(%dma_wait3A_81 : memref<20000x128xbf16, #tpu.memory_space<hbm>>) dst(%arg12 : memref<80x128xbf16, #tpu.memory_space<vmem>>)
    %run_scoped3A = arith.constant 124 : i32
    "tpu.region"() ({
      %run_scoped3A_185 = tpu.sem_alloc : memref<!tpu.dma_semaphore, #tpu.memory_space<semaphore_mem>>
      %dma_start3A_186 = arith.constant 0 : i32
      %dma_start3A_187 = tpu.memref_slice %arg10[%run_scoped3A, %dma_start3A_186] : memref<125x80xi32, #tpu.memory_space<vmem>> -> memref<1x80xi32, #tpu.memory_space<vmem>>
      %dma_start3A_188 = tpu.memref_squeeze %dma_start3A_187 : memref<1x80xi32, #tpu.memory_space<vmem>> -> memref<80xi32, #tpu.memory_space<vmem>>
      %dma_start3A_189 = arith.constant 0 : i32
      %dma_start3A_190 = arith.constant 0 : i32
      %dma_start3A_191 = tpu.memref_slice %arg14[%dma_start3A_189, %dma_start3A_190] : memref<10112x128xbf16, #tpu.memory_space<vmem_shared>> -> memref<10112x128xbf16, #tpu.memory_space<vmem_shared>>
      tpu.enqueue_indirect_dma source(%arg12 : memref<80x128xbf16, #tpu.memory_space<vmem>>) target(%dma_start3A_191 : memref<10112x128xbf16, #tpu.memory_space<vmem_shared>>) offsets(%dma_start3A_188 : memref<80xi32, #tpu.memory_space<vmem>>) semaphore(%run_scoped3A_185 : memref<!tpu.dma_semaphore, #tpu.memory_space<semaphore_mem>>) {add = true}
      %dma_wait3A_192 = arith.constant 0 : i32
      %dma_wait3A_193 = tpu.memref_slice %arg10[%run_scoped3A, %dma_wait3A_192] : memref<125x80xi32, #tpu.memory_space<vmem>> -> memref<1x80xi32, #tpu.memory_space<vmem>>
      %dma_wait3A_194 = tpu.memref_squeeze %dma_wait3A_193 : memref<1x80xi32, #tpu.memory_space<vmem>> -> memref<80xi32, #tpu.memory_space<vmem>>
      %dma_wait3A_195 = arith.constant 0 : i32
      %dma_wait3A_196 = arith.constant 0 : i32
      %dma_wait3A_197 = tpu.memref_slice %arg14[%dma_wait3A_195, %dma_wait3A_196] : memref<10112x128xbf16, #tpu.memory_space<vmem_shared>> -> memref<10112x128xbf16, #tpu.memory_space<vmem_shared>>
      tpu.wait_indirect_dma semaphore(%run_scoped3A_185 : memref<!tpu.dma_semaphore, #tpu.memory_space<semaphore_mem>>) src(%arg12 : memref<80x128xbf16, #tpu.memory_space<vmem>>) dst(%dma_wait3A_197 : memref<10112x128xbf16, #tpu.memory_space<vmem_shared>>)
      tpu.yield
    }) : () -> ()
    %barrier3A_82 = arith.constant 0 : index
    tpu.barrier barrier_id(%barrier3A_82)
    %mul3A_83 = arith.constant 632 : i32
    %mul3A_84 = arith.muli %arg1, %mul3A_83 : i32
    %mul3A_85 = arith.constant 632 : i32
    %mul3A_86 = arith.muli %arg1, %mul3A_85 : i32
    "tpu.region"() ({
      %run_scoped3A_185 = tpu.sem_alloc : memref<!tpu.dma_semaphore, #tpu.memory_space<semaphore_mem>>
      %dma_start3A_186 = arith.constant 0 : i32
      %dma_start3A_187 = tpu.memref_slice %arg7[%arg0, %mul3A_86, %dma_start3A_186] : memref<2x10112x128xbf16, #tpu.memory_space<hbm>> -> memref<1x632x128xbf16, #tpu.memory_space<hbm>>
      %dma_start3A_188 = tpu.memref_squeeze %dma_start3A_187 : memref<1x632x128xbf16, #tpu.memory_space<hbm>> -> memref<632x128xbf16, #tpu.memory_space<hbm>>
      %dma_start3A_189 = arith.constant 0 : i32
      %dma_start3A_190 = tpu.memref_slice %arg14[%mul3A_84, %dma_start3A_189] : memref<10112x128xbf16, #tpu.memory_space<vmem_shared>> -> memref<632x128xbf16, #tpu.memory_space<vmem_shared>>
      tpu.enqueue_dma source(%dma_start3A_190 : memref<632x128xbf16, #tpu.memory_space<vmem_shared>>) target(%dma_start3A_188 : memref<632x128xbf16, #tpu.memory_space<hbm>>) target_semaphore(%run_scoped3A_185 : memref<!tpu.dma_semaphore, #tpu.memory_space<semaphore_mem>>)
      %dma_wait3A_191 = arith.constant 0 : i32
      %dma_wait3A_192 = tpu.memref_slice %arg7[%arg0, %mul3A_86, %dma_wait3A_191] : memref<2x10112x128xbf16, #tpu.memory_space<hbm>> -> memref<1x632x128xbf16, #tpu.memory_space<hbm>>
      %dma_wait3A_193 = tpu.memref_squeeze %dma_wait3A_192 : memref<1x632x128xbf16, #tpu.memory_space<hbm>> -> memref<632x128xbf16, #tpu.memory_space<hbm>>
      %dma_wait3A_194 = arith.constant 0 : i32
      %dma_wait3A_195 = tpu.memref_slice %arg14[%mul3A_84, %dma_wait3A_194] : memref<10112x128xbf16, #tpu.memory_space<vmem_shared>> -> memref<632x128xbf16, #tpu.memory_space<vmem_shared>>
      tpu.wait_dma2 semaphore(%run_scoped3A_185 : memref<!tpu.dma_semaphore, #tpu.memory_space<semaphore_mem>>) src(%dma_wait3A_195 : memref<632x128xbf16, #tpu.memory_space<vmem_shared>>) dst(%dma_wait3A_193 : memref<632x128xbf16, #tpu.memory_space<hbm>>)
      tpu.yield
    }) : () -> ()
    %barrier3A_87 = arith.constant 0 : index
    tpu.barrier barrier_id(%barrier3A_87)
    %mul3A_88 = arith.constant 10000 : i32
    %mul3A_89 = arith.muli %arg0, %mul3A_88 : i32
    %mul3A_90 = arith.constant 632 : i32
    %mul3A_91 = arith.muli %arg1, %mul3A_90 : i32
    "tpu.region"() ({
      %run_scoped3A_185 = tpu.sem_alloc : memref<!tpu.dma_semaphore, #tpu.memory_space<semaphore_mem>>
      %dma_start3A_186 = arith.constant 0 : i32
      %dma_start3A_187 = tpu.memref_slice %arg14[%mul3A_91, %dma_start3A_186] : memref<10112x128xbf16, #tpu.memory_space<vmem_shared>> -> memref<632x128xbf16, #tpu.memory_space<vmem_shared>>
      tpu.enqueue_dma source(%arg6 : memref<632x128xbf16, #tpu.memory_space<hbm>>) target(%dma_start3A_187 : memref<632x128xbf16, #tpu.memory_space<vmem_shared>>) target_semaphore(%run_scoped3A_185 : memref<!tpu.dma_semaphore, #tpu.memory_space<semaphore_mem>>)
      %dma_wait3A_188 = arith.constant 0 : i32
      %dma_wait3A_189 = tpu.memref_slice %arg14[%mul3A_91, %dma_wait3A_188] : memref<10112x128xbf16, #tpu.memory_space<vmem_shared>> -> memref<632x128xbf16, #tpu.memory_space<vmem_shared>>
      tpu.wait_dma2 semaphore(%run_scoped3A_185 : memref<!tpu.dma_semaphore, #tpu.memory_space<semaphore_mem>>) src(%arg6 : memref<632x128xbf16, #tpu.memory_space<hbm>>) dst(%dma_wait3A_189 : memref<632x128xbf16, #tpu.memory_space<vmem_shared>>)
      tpu.yield
    }) : () -> ()
    %barrier3A_92 = arith.constant 0 : index
    tpu.barrier barrier_id(%barrier3A_92)
    %get3A_93 = arith.constant 0 : i32
    %get3A_94 = arith.index_cast %get3A_93 : i32 to index
    %get3A_95 = arith.constant 0 : index
    %get3A_96 = tpu.vector_load %arg10[%get3A_94, %get3A_95] {strides = array<i32>} : memref<125x80xi32, #tpu.memory_space<vmem>>, vector<1x16xi32>,
    %get3A_97 = vector.shape_cast %get3A_96 : vector<1x16xi32> to vector<16xi32>
    %add3A_98 = vector.broadcast %mul3A_89 : i32 to vector<16xi32>
    %add3A_99 = arith.addi %get3A_97, %add3A_98 : vector<16xi32>
    %swap3A_100 = arith.constant 0 : i32
    %swap3A_101 = arith.index_cast %swap3A_100 : i32 to index
    %swap3A_102 = arith.constant 0 : index
    %swap3A_103 = tpu.vector_load %arg11[%swap3A_101, %swap3A_102] {strides = array<i32>} : memref<2x80xi32, #tpu.memory_space<vmem>>, vector<1x16xi32>,
    %swap3A_104 = vector.shape_cast %swap3A_103 : vector<1x16xi32> to vector<16xi32>
    %swap3A_105 = vector.shape_cast %add3A_99 : vector<16xi32> to vector<1x16xi32>
    tpu.vector_store %arg11[%swap3A_101, %swap3A_102], %swap3A_105 {strides = array<i32>} : memref<2x80xi32, #tpu.memory_space<vmem>>, vector<1x16xi32>,
    %get3A_106 = arith.constant 0 : i32
    %get3A_107 = arith.index_cast %get3A_106 : i32 to index
    %get3A_108 = arith.constant 16 : index
    %get3A_109 = tpu.vector_load %arg10[%get3A_107, %get3A_108] {strides = array<i32>} : memref<125x80xi32, #tpu.memory_space<vmem>>, vector<1x16xi32>,
    %get3A_110 = vector.shape_cast %get3A_109 : vector<1x16xi32> to vector<16xi32>
    %add3A_111 = vector.broadcast %mul3A_89 : i32 to vector<16xi32>
    %add3A_112 = arith.addi %get3A_110, %add3A_111 : vector<16xi32>
    %swap3A_113 = arith.constant 0 : i32
    %swap3A_114 = arith.index_cast %swap3A_113 : i32 to index
    %swap3A_115 = arith.constant 16 : index
    %swap3A_116 = tpu.vector_load %arg11[%swap3A_114, %swap3A_115] {strides = array<i32>} : memref<2x80xi32, #tpu.memory_space<vmem>>, vector<1x16xi32>,
    %swap3A_117 = vector.shape_cast %swap3A_116 : vector<1x16xi32> to vector<16xi32>
    %swap3A_118 = vector.shape_cast %add3A_112 : vector<16xi32> to vector<1x16xi32>
    tpu.vector_store %arg11[%swap3A_114, %swap3A_115], %swap3A_118 {strides = array<i32>} : memref<2x80xi32, #tpu.memory_space<vmem>>, vector<1x16xi32>,
    %get3A_119 = arith.constant 0 : i32
    %get3A_120 = arith.index_cast %get3A_119 : i32 to index
    %get3A_121 = arith.constant 32 : index
    %get3A_122 = tpu.vector_load %arg10[%get3A_120, %get3A_121] {strides = array<i32>} : memref<125x80xi32, #tpu.memory_space<vmem>>, vector<1x16xi32>,
    %get3A_123 = vector.shape_cast %get3A_122 : vector<1x16xi32> to vector<16xi32>
    %add3A_124 = vector.broadcast %mul3A_89 : i32 to vector<16xi32>
    %add3A_125 = arith.addi %get3A_123, %add3A_124 : vector<16xi32>
    %swap3A_126 = arith.constant 0 : i32
    %swap3A_127 = arith.index_cast %swap3A_126 : i32 to index
    %swap3A_128 = arith.constant 32 : index
    %swap3A_129 = tpu.vector_load %arg11[%swap3A_127, %swap3A_128] {strides = array<i32>} : memref<2x80xi32, #tpu.memory_space<vmem>>, vector<1x16xi32>,
    %swap3A_130 = vector.shape_cast %swap3A_129 : vector<1x16xi32> to vector<16xi32>
    %swap3A_131 = vector.shape_cast %add3A_125 : vector<16xi32> to vector<1x16xi32>
    tpu.vector_store %arg11[%swap3A_127, %swap3A_128], %swap3A_131 {strides = array<i32>} : memref<2x80xi32, #tpu.memory_space<vmem>>, vector<1x16xi32>,
    %get3A_132 = arith.constant 0 : i32
    %get3A_133 = arith.index_cast %get3A_132 : i32 to index
    %get3A_134 = arith.constant 48 : index
    %get3A_135 = tpu.vector_load %arg10[%get3A_133, %get3A_134] {strides = array<i32>} : memref<125x80xi32, #tpu.memory_space<vmem>>, vector<1x16xi32>,
    %get3A_136 = vector.shape_cast %get3A_135 : vector<1x16xi32> to vector<16xi32>
    %add3A_137 = vector.broadcast %mul3A_89 : i32 to vector<16xi32>
    %add3A_138 = arith.addi %get3A_136, %add3A_137 : vector<16xi32>
    %swap3A_139 = arith.constant 0 : i32
    %swap3A_140 = arith.index_cast %swap3A_139 : i32 to index
    %swap3A_141 = arith.constant 48 : index
    %swap3A_142 = tpu.vector_load %arg11[%swap3A_140, %swap3A_141] {strides = array<i32>} : memref<2x80xi32, #tpu.memory_space<vmem>>, vector<1x16xi32>,
    %swap3A_143 = vector.shape_cast %swap3A_142 : vector<1x16xi32> to vector<16xi32>
    %swap3A_144 = vector.shape_cast %add3A_138 : vector<16xi32> to vector<1x16xi32>
    tpu.vector_store %arg11[%swap3A_140, %swap3A_141], %swap3A_144 {strides = array<i32>} : memref<2x80xi32, #tpu.memory_space<vmem>>, vector<1x16xi32>,
    %get3A_145 = arith.constant 0 : i32
    %get3A_146 = arith.index_cast %get3A_145 : i32 to index
    %get3A_147 = arith.constant 64 : index
    %get3A_148 = tpu.vector_load %arg10[%get3A_146, %get3A_147] {strides = array<i32>} : memref<125x80xi32, #tpu.memory_space<vmem>>, vector<1x16xi32>,
    %get3A_149 = vector.shape_cast %get3A_148 : vector<1x16xi32> to vector<16xi32>
    %add3A_150 = vector.broadcast %mul3A_89 : i32 to vector<16xi32>
    %add3A_151 = arith.addi %get3A_149, %add3A_150 : vector<16xi32>
    %swap3A_152 = arith.constant 0 : i32
    %swap3A_153 = arith.index_cast %swap3A_152 : i32 to index
    %swap3A_154 = arith.constant 64 : index
    %swap3A_155 = tpu.vector_load %arg11[%swap3A_153, %swap3A_154] {strides = array<i32>} : memref<2x80xi32, #tpu.memory_space<vmem>>, vector<1x16xi32>,
    %swap3A_156 = vector.shape_cast %swap3A_155 : vector<1x16xi32> to vector<16xi32>
    %swap3A_157 = vector.shape_cast %add3A_151 : vector<16xi32> to vector<1x16xi32>
    tpu.vector_store %arg11[%swap3A_153, %swap3A_154], %swap3A_157 {strides = array<i32>} : memref<2x80xi32, #tpu.memory_space<vmem>>, vector<1x16xi32>,
    %dma_start3A_158 = arith.constant 0 : i32
    %dma_start3A_159 = arith.constant 0 : i32
    %dma_start3A_160 = tpu.memref_slice %arg11[%dma_start3A_158, %dma_start3A_159] : memref<2x80xi32, #tpu.memory_space<vmem>> -> memref<1x80xi32, #tpu.memory_space<vmem>>
    %dma_start3A_161 = tpu.memref_squeeze %dma_start3A_160 : memref<1x80xi32, #tpu.memory_space<vmem>> -> memref<80xi32, #tpu.memory_space<vmem>>
    %dma_start3A_162 = arith.constant 0 : i32
    %dma_start3A_163 = arith.constant 0 : i32
    %dma_start3A_164 = tpu.memref_slice %arg3[%dma_start3A_162, %dma_start3A_163] : memref<20000x128xbf16, #tpu.memory_space<hbm>> -> memref<20000x128xbf16, #tpu.memory_space<hbm>>
    tpu.enqueue_indirect_dma source(%dma_start3A_164 : memref<20000x128xbf16, #tpu.memory_space<hbm>>) target(%arg12 : memref<80x128xbf16, #tpu.memory_space<vmem>>) offsets(%dma_start3A_161 : memref<80xi32, #tpu.memory_space<vmem>>) semaphore(%arg15 : memref<!tpu.dma_semaphore, #tpu.memory_space<semaphore_mem>>)
    %scan3A_165 = arith.constant 0 : i32
    %scan3A_166 = arith.constant 0 : i32
    %scan3A_167 = arith.constant 62 : i32
    %scan3A_168 = arith.addi %scan3A_166, %scan3A_167 : i32
    %scan3A_169 = arith.constant 1 : i32
    scf.for %scan3A_185 = %scan3A_166 to %scan3A_168 step %scan3A_169  : i32 {
      %mul3A_186 = arith.constant 2 : i32
      %mul3A_187 = arith.muli %mul3A_186, %scan3A_185 : i32
      %dma_wait3A_188 = arith.constant 0 : i32
      %dma_wait3A_189 = arith.constant 0 : i32
      %dma_wait3A_190 = tpu.memref_slice %arg11[%dma_wait3A_188, %dma_wait3A_189] : memref<2x80xi32, #tpu.memory_space<vmem>> -> memref<1x80xi32, #tpu.memory_space<vmem>>
      %dma_wait3A_191 = tpu.memref_squeeze %dma_wait3A_190 : memref<1x80xi32, #tpu.memory_space<vmem>> -> memref<80xi32, #tpu.memory_space<vmem>>
      %dma_wait3A_192 = arith.constant 0 : i32
      %dma_wait3A_193 = arith.constant 0 : i32
      %dma_wait3A_194 = tpu.memref_slice %arg3[%dma_wait3A_192, %dma_wait3A_193] : memref<20000x128xbf16, #tpu.memory_space<hbm>> -> memref<20000x128xbf16, #tpu.memory_space<hbm>>
      tpu.wait_indirect_dma semaphore(%arg15 : memref<!tpu.dma_semaphore, #tpu.memory_space<semaphore_mem>>) src(%dma_wait3A_194 : memref<20000x128xbf16, #tpu.memory_space<hbm>>) dst(%arg12 : memref<80x128xbf16, #tpu.memory_space<vmem>>)
      %add3A_195 = arith.constant 1 : i32
      %add3A_196 = arith.addi %mul3A_187, %add3A_195 : i32
      %get3A_197 = arith.index_cast %add3A_196 : i32 to index
      %get3A_198 = arith.constant 0 : index
      %get3A_199 = tpu.vector_load %arg10[%get3A_197, %get3A_198] {strides = array<i32>} : memref<125x80xi32, #tpu.memory_space<vmem>>, vector<1x16xi32>,
      %get3A_200 = vector.shape_cast %get3A_199 : vector<1x16xi32> to vector<16xi32>
      %add3A_201 = vector.broadcast %mul3A_89 : i32 to vector<16xi32>
      %add3A_202 = arith.addi %get3A_200, %add3A_201 : vector<16xi32>
      %swap3A_203 = arith.constant 1 : i32
      %swap3A_204 = arith.index_cast %swap3A_203 : i32 to index
      %swap3A_205 = arith.constant 0 : index
      %swap3A_206 = tpu.vector_load %arg11[%swap3A_204, %swap3A_205] {strides = array<i32>} : memref<2x80xi32, #tpu.memory_space<vmem>>, vector<1x16xi32>,
      %swap3A_207 = vector.shape_cast %swap3A_206 : vector<1x16xi32> to vector<16xi32>
      %swap3A_208 = vector.shape_cast %add3A_202 : vector<16xi32> to vector<1x16xi32>
      tpu.vector_store %arg11[%swap3A_204, %swap3A_205], %swap3A_208 {strides = array<i32>} : memref<2x80xi32, #tpu.memory_space<vmem>>, vector<1x16xi32>,
      %get3A_209 = arith.index_cast %add3A_196 : i32 to index
      %get3A_210 = arith.constant 16 : index
      %get3A_211 = tpu.vector_load %arg10[%get3A_209, %get3A_210] {strides = array<i32>} : memref<125x80xi32, #tpu.memory_space<vmem>>, vector<1x16xi32>,
      %get3A_212 = vector.shape_cast %get3A_211 : vector<1x16xi32> to vector<16xi32>
      %add3A_213 = vector.broadcast %mul3A_89 : i32 to vector<16xi32>
      %add3A_214 = arith.addi %get3A_212, %add3A_213 : vector<16xi32>
      %swap3A_215 = arith.constant 1 : i32
      %swap3A_216 = arith.index_cast %swap3A_215 : i32 to index
      %swap3A_217 = arith.constant 16 : index
      %swap3A_218 = tpu.vector_load %arg11[%swap3A_216, %swap3A_217] {strides = array<i32>} : memref<2x80xi32, #tpu.memory_space<vmem>>, vector<1x16xi32>,
      %swap3A_219 = vector.shape_cast %swap3A_218 : vector<1x16xi32> to vector<16xi32>
      %swap3A_220 = vector.shape_cast %add3A_214 : vector<16xi32> to vector<1x16xi32>
      tpu.vector_store %arg11[%swap3A_216, %swap3A_217], %swap3A_220 {strides = array<i32>} : memref<2x80xi32, #tpu.memory_space<vmem>>, vector<1x16xi32>,
      %get3A_221 = arith.index_cast %add3A_196 : i32 to index
      %get3A_222 = arith.constant 32 : index
      %get3A_223 = tpu.vector_load %arg10[%get3A_221, %get3A_222] {strides = array<i32>} : memref<125x80xi32, #tpu.memory_space<vmem>>, vector<1x16xi32>,
      %get3A_224 = vector.shape_cast %get3A_223 : vector<1x16xi32> to vector<16xi32>
      %add3A_225 = vector.broadcast %mul3A_89 : i32 to vector<16xi32>
      %add3A_226 = arith.addi %get3A_224, %add3A_225 : vector<16xi32>
      %swap3A_227 = arith.constant 1 : i32
      %swap3A_228 = arith.index_cast %swap3A_227 : i32 to index
      %swap3A_229 = arith.constant 32 : index
      %swap3A_230 = tpu.vector_load %arg11[%swap3A_228, %swap3A_229] {strides = array<i32>} : memref<2x80xi32, #tpu.memory_space<vmem>>, vector<1x16xi32>,
      %swap3A_231 = vector.shape_cast %swap3A_230 : vector<1x16xi32> to vector<16xi32>
      %swap3A_232 = vector.shape_cast %add3A_226 : vector<16xi32> to vector<1x16xi32>
      tpu.vector_store %arg11[%swap3A_228, %swap3A_229], %swap3A_232 {strides = array<i32>} : memref<2x80xi32, #tpu.memory_space<vmem>>, vector<1x16xi32>,
      %get3A_233 = arith.index_cast %add3A_196 : i32 to index
      %get3A_234 = arith.constant 48 : index
      %get3A_235 = tpu.vector_load %arg10[%get3A_233, %get3A_234] {strides = array<i32>} : memref<125x80xi32, #tpu.memory_space<vmem>>, vector<1x16xi32>,
      %get3A_236 = vector.shape_cast %get3A_235 : vector<1x16xi32> to vector<16xi32>
      %add3A_237 = vector.broadcast %mul3A_89 : i32 to vector<16xi32>
      %add3A_238 = arith.addi %get3A_236, %add3A_237 : vector<16xi32>
      %swap3A_239 = arith.constant 1 : i32
      %swap3A_240 = arith.index_cast %swap3A_239 : i32 to index
      %swap3A_241 = arith.constant 48 : index
      %swap3A_242 = tpu.vector_load %arg11[%swap3A_240, %swap3A_241] {strides = array<i32>} : memref<2x80xi32, #tpu.memory_space<vmem>>, vector<1x16xi32>,
      %swap3A_243 = vector.shape_cast %swap3A_242 : vector<1x16xi32> to vector<16xi32>
      %swap3A_244 = vector.shape_cast %add3A_238 : vector<16xi32> to vector<1x16xi32>
      tpu.vector_store %arg11[%swap3A_240, %swap3A_241], %swap3A_244 {strides = array<i32>} : memref<2x80xi32, #tpu.memory_space<vmem>>, vector<1x16xi32>,
      %get3A_245 = arith.index_cast %add3A_196 : i32 to index
      %get3A_246 = arith.constant 64 : index
      %get3A_247 = tpu.vector_load %arg10[%get3A_245, %get3A_246] {strides = array<i32>} : memref<125x80xi32, #tpu.memory_space<vmem>>, vector<1x16xi32>,
      %get3A_248 = vector.shape_cast %get3A_247 : vector<1x16xi32> to vector<16xi32>
      %add3A_249 = vector.broadcast %mul3A_89 : i32 to vector<16xi32>
      %add3A_250 = arith.addi %get3A_248, %add3A_249 : vector<16xi32>
      %swap3A_251 = arith.constant 1 : i32
      %swap3A_252 = arith.index_cast %swap3A_251 : i32 to index
      %swap3A_253 = arith.constant 64 : index
      %swap3A_254 = tpu.vector_load %arg11[%swap3A_252, %swap3A_253] {strides = array<i32>} : memref<2x80xi32, #tpu.memory_space<vmem>>, vector<1x16xi32>,
      %swap3A_255 = vector.shape_cast %swap3A_254 : vector<1x16xi32> to vector<16xi32>
      %swap3A_256 = vector.shape_cast %add3A_250 : vector<16xi32> to vector<1x16xi32>
      tpu.vector_store %arg11[%swap3A_252, %swap3A_253], %swap3A_256 {strides = array<i32>} : memref<2x80xi32, #tpu.memory_space<vmem>>, vector<1x16xi32>,
      %dma_start3A_257 = arith.constant 1 : i32
      %dma_start3A_258 = arith.constant 0 : i32
      %dma_start3A_259 = tpu.memref_slice %arg11[%dma_start3A_257, %dma_start3A_258] : memref<2x80xi32, #tpu.memory_space<vmem>> -> memref<1x80xi32, #tpu.memory_space<vmem>>
      %dma_start3A_260 = tpu.memref_squeeze %dma_start3A_259 : memref<1x80xi32, #tpu.memory_space<vmem>> -> memref<80xi32, #tpu.memory_space<vmem>>
      %dma_start3A_261 = arith.constant 0 : i32
      %dma_start3A_262 = arith.constant 0 : i32
      %dma_start3A_263 = tpu.memref_slice %arg3[%dma_start3A_261, %dma_start3A_262] : memref<20000x128xbf16, #tpu.memory_space<hbm>> -> memref<20000x128xbf16, #tpu.memory_space<hbm>>
      tpu.enqueue_indirect_dma source(%dma_start3A_263 : memref<20000x128xbf16, #tpu.memory_space<hbm>>) target(%arg13 : memref<80x128xbf16, #tpu.memory_space<vmem>>) offsets(%dma_start3A_260 : memref<80xi32, #tpu.memory_space<vmem>>) semaphore(%arg16 : memref<!tpu.dma_semaphore, #tpu.memory_space<semaphore_mem>>)
      "tpu.region"() ({
        %run_scoped3A_277 = tpu.sem_alloc : memref<!tpu.dma_semaphore, #tpu.memory_space<semaphore_mem>>
        %dma_start3A_278 = arith.constant 0 : i32
        %dma_start3A_279 = tpu.memref_slice %arg9[%mul3A_187, %dma_start3A_278] : memref<125x80xi32, #tpu.memory_space<vmem>> -> memref<1x80xi32, #tpu.memory_space<vmem>>
        %dma_start3A_280 = tpu.memref_squeeze %dma_start3A_279 : memref<1x80xi32, #tpu.memory_space<vmem>> -> memref<80xi32, #tpu.memory_space<vmem>>
        %dma_start3A_281 = arith.constant 0 : i32
        %dma_start3A_282 = arith.constant 0 : i32
        %dma_start3A_283 = tpu.memref_slice %arg14[%dma_start3A_281, %dma_start3A_282] : memref<10112x128xbf16, #tpu.memory_space<vmem_shared>> -> memref<10112x128xbf16, #tpu.memory_space<vmem_shared>>
        tpu.enqueue_indirect_dma source(%arg12 : memref<80x128xbf16, #tpu.memory_space<vmem>>) target(%dma_start3A_283 : memref<10112x128xbf16, #tpu.memory_space<vmem_shared>>) offsets(%dma_start3A_280 : memref<80xi32, #tpu.memory_space<vmem>>) semaphore(%run_scoped3A_277 : memref<!tpu.dma_semaphore, #tpu.memory_space<semaphore_mem>>) {add = true}
        %dma_wait3A_284 = arith.constant 0 : i32
        %dma_wait3A_285 = tpu.memref_slice %arg9[%mul3A_187, %dma_wait3A_284] : memref<125x80xi32, #tpu.memory_space<vmem>> -> memref<1x80xi32, #tpu.memory_space<vmem>>
        %dma_wait3A_286 = tpu.memref_squeeze %dma_wait3A_285 : memref<1x80xi32, #tpu.memory_space<vmem>> -> memref<80xi32, #tpu.memory_space<vmem>>
        %dma_wait3A_287 = arith.constant 0 : i32
        %dma_wait3A_288 = arith.constant 0 : i32
        %dma_wait3A_289 = tpu.memref_slice %arg14[%dma_wait3A_287, %dma_wait3A_288] : memref<10112x128xbf16, #tpu.memory_space<vmem_shared>> -> memref<10112x128xbf16, #tpu.memory_space<vmem_shared>>
        tpu.wait_indirect_dma semaphore(%run_scoped3A_277 : memref<!tpu.dma_semaphore, #tpu.memory_space<semaphore_mem>>) src(%arg12 : memref<80x128xbf16, #tpu.memory_space<vmem>>) dst(%dma_wait3A_289 : memref<10112x128xbf16, #tpu.memory_space<vmem_shared>>)
        tpu.yield
      }) : () -> ()
      %dma_wait3A_264 = arith.constant 1 : i32
      %dma_wait3A_265 = arith.constant 0 : i32
      %dma_wait3A_266 = tpu.memref_slice %arg11[%dma_wait3A_264, %dma_wait3A_265] : memref<2x80xi32, #tpu.memory_space<vmem>> -> memref<1x80xi32, #tpu.memory_space<vmem>>
      %dma_wait3A_267 = tpu.memref_squeeze %dma_wait3A_266 : memref<1x80xi32, #tpu.memory_space<vmem>> -> memref<80xi32, #tpu.memory_space<vmem>>
      %dma_wait3A_268 = arith.constant 0 : i32
      %dma_wait3A_269 = arith.constant 0 : i32
      %dma_wait3A_270 = tpu.memref_slice %arg3[%dma_wait3A_268, %dma_wait3A_269] : memref<20000x128xbf16, #tpu.memory_space<hbm>> -> memref<20000x128xbf16, #tpu.memory_space<hbm>>
      tpu.wait_indirect_dma semaphore(%arg16 : memref<!tpu.dma_semaphore, #tpu.memory_space<semaphore_mem>>) src(%dma_wait3A_270 : memref<20000x128xbf16, #tpu.memory_space<hbm>>) dst(%arg13 : memref<80x128xbf16, #tpu.memory_space<vmem>>)
      %add3A_271 = arith.constant 2 : i32
      %add3A_272 = arith.addi %mul3A_187, %add3A_271 : i32
      %lt3A = arith.constant 125 : i32
      %lt3A_273 = arith.cmpi slt, %add3A_272, %lt3A : i32
      %convert_element_type3A = arith.extui %lt3A_273 : i1 to i32
      %cond3A = arith.constant 0 : i32
      %cond3A_274 = arith.cmpi ne, %convert_element_type3A, %cond3A : i32
      scf.if %cond3A_274 {
        %add3A_277 = arith.constant 2 : i32
        %add3A_278 = arith.addi %mul3A_187, %add3A_277 : i32
        %get3A_279 = arith.index_cast %add3A_278 : i32 to index
        %get3A_280 = arith.constant 0 : index
        %get3A_281 = tpu.vector_load %arg10[%get3A_279, %get3A_280] {strides = array<i32>} : memref<125x80xi32, #tpu.memory_space<vmem>>, vector<1x16xi32>,
        %get3A_282 = vector.shape_cast %get3A_281 : vector<1x16xi32> to vector<16xi32>
        %add3A_283 = vector.broadcast %mul3A_89 : i32 to vector<16xi32>
        %add3A_284 = arith.addi %get3A_282, %add3A_283 : vector<16xi32>
        %swap3A_285 = arith.constant 0 : i32
        %swap3A_286 = arith.index_cast %swap3A_285 : i32 to index
        %swap3A_287 = arith.constant 0 : index
        %swap3A_288 = tpu.vector_load %arg11[%swap3A_286, %swap3A_287] {strides = array<i32>} : memref<2x80xi32, #tpu.memory_space<vmem>>, vector<1x16xi32>,
        %swap3A_289 = vector.shape_cast %swap3A_288 : vector<1x16xi32> to vector<16xi32>
        %swap3A_290 = vector.shape_cast %add3A_284 : vector<16xi32> to vector<1x16xi32>
        tpu.vector_store %arg11[%swap3A_286, %swap3A_287], %swap3A_290 {strides = array<i32>} : memref<2x80xi32, #tpu.memory_space<vmem>>, vector<1x16xi32>,
        %get3A_291 = arith.index_cast %add3A_278 : i32 to index
        %get3A_292 = arith.constant 16 : index
        %get3A_293 = tpu.vector_load %arg10[%get3A_291, %get3A_292] {strides = array<i32>} : memref<125x80xi32, #tpu.memory_space<vmem>>, vector<1x16xi32>,
        %get3A_294 = vector.shape_cast %get3A_293 : vector<1x16xi32> to vector<16xi32>
        %add3A_295 = vector.broadcast %mul3A_89 : i32 to vector<16xi32>
        %add3A_296 = arith.addi %get3A_294, %add3A_295 : vector<16xi32>
        %swap3A_297 = arith.constant 0 : i32
        %swap3A_298 = arith.index_cast %swap3A_297 : i32 to index
        %swap3A_299 = arith.constant 16 : index
        %swap3A_300 = tpu.vector_load %arg11[%swap3A_298, %swap3A_299] {strides = array<i32>} : memref<2x80xi32, #tpu.memory_space<vmem>>, vector<1x16xi32>,
        %swap3A_301 = vector.shape_cast %swap3A_300 : vector<1x16xi32> to vector<16xi32>
        %swap3A_302 = vector.shape_cast %add3A_296 : vector<16xi32> to vector<1x16xi32>
        tpu.vector_store %arg11[%swap3A_298, %swap3A_299], %swap3A_302 {strides = array<i32>} : memref<2x80xi32, #tpu.memory_space<vmem>>, vector<1x16xi32>,
        %get3A_303 = arith.index_cast %add3A_278 : i32 to index
        %get3A_304 = arith.constant 32 : index
        %get3A_305 = tpu.vector_load %arg10[%get3A_303, %get3A_304] {strides = array<i32>} : memref<125x80xi32, #tpu.memory_space<vmem>>, vector<1x16xi32>,
        %get3A_306 = vector.shape_cast %get3A_305 : vector<1x16xi32> to vector<16xi32>
        %add3A_307 = vector.broadcast %mul3A_89 : i32 to vector<16xi32>
        %add3A_308 = arith.addi %get3A_306, %add3A_307 : vector<16xi32>
        %swap3A_309 = arith.constant 0 : i32
        %swap3A_310 = arith.index_cast %swap3A_309 : i32 to index
        %swap3A_311 = arith.constant 32 : index
        %swap3A_312 = tpu.vector_load %arg11[%swap3A_310, %swap3A_311] {strides = array<i32>} : memref<2x80xi32, #tpu.memory_space<vmem>>, vector<1x16xi32>,
        %swap3A_313 = vector.shape_cast %swap3A_312 : vector<1x16xi32> to vector<16xi32>
        %swap3A_314 = vector.shape_cast %add3A_308 : vector<16xi32> to vector<1x16xi32>
        tpu.vector_store %arg11[%swap3A_310, %swap3A_311], %swap3A_314 {strides = array<i32>} : memref<2x80xi32, #tpu.memory_space<vmem>>, vector<1x16xi32>,
        %get3A_315 = arith.index_cast %add3A_278 : i32 to index
        %get3A_316 = arith.constant 48 : index
        %get3A_317 = tpu.vector_load %arg10[%get3A_315, %get3A_316] {strides = array<i32>} : memref<125x80xi32, #tpu.memory_space<vmem>>, vector<1x16xi32>,
        %get3A_318 = vector.shape_cast %get3A_317 : vector<1x16xi32> to vector<16xi32>
        %add3A_319 = vector.broadcast %mul3A_89 : i32 to vector<16xi32>
        %add3A_320 = arith.addi %get3A_318, %add3A_319 : vector<16xi32>
        %swap3A_321 = arith.constant 0 : i32
        %swap3A_322 = arith.index_cast %swap3A_321 : i32 to index
        %swap3A_323 = arith.constant 48 : index
        %swap3A_324 = tpu.vector_load %arg11[%swap3A_322, %swap3A_323] {strides = array<i32>} : memref<2x80xi32, #tpu.memory_space<vmem>>, vector<1x16xi32>,
        %swap3A_325 = vector.shape_cast %swap3A_324 : vector<1x16xi32> to vector<16xi32>
        %swap3A_326 = vector.shape_cast %add3A_320 : vector<16xi32> to vector<1x16xi32>
        tpu.vector_store %arg11[%swap3A_322, %swap3A_323], %swap3A_326 {strides = array<i32>} : memref<2x80xi32, #tpu.memory_space<vmem>>, vector<1x16xi32>,
        %get3A_327 = arith.index_cast %add3A_278 : i32 to index
        %get3A_328 = arith.constant 64 : index
        %get3A_329 = tpu.vector_load %arg10[%get3A_327, %get3A_328] {strides = array<i32>} : memref<125x80xi32, #tpu.memory_space<vmem>>, vector<1x16xi32>,
        %get3A_330 = vector.shape_cast %get3A_329 : vector<1x16xi32> to vector<16xi32>
        %add3A_331 = vector.broadcast %mul3A_89 : i32 to vector<16xi32>
        %add3A_332 = arith.addi %get3A_330, %add3A_331 : vector<16xi32>
        %swap3A_333 = arith.constant 0 : i32
        %swap3A_334 = arith.index_cast %swap3A_333 : i32 to index
        %swap3A_335 = arith.constant 64 : index
        %swap3A_336 = tpu.vector_load %arg11[%swap3A_334, %swap3A_335] {strides = array<i32>} : memref<2x80xi32, #tpu.memory_space<vmem>>, vector<1x16xi32>,
        %swap3A_337 = vector.shape_cast %swap3A_336 : vector<1x16xi32> to vector<16xi32>
        %swap3A_338 = vector.shape_cast %add3A_332 : vector<16xi32> to vector<1x16xi32>
        tpu.vector_store %arg11[%swap3A_334, %swap3A_335], %swap3A_338 {strides = array<i32>} : memref<2x80xi32, #tpu.memory_space<vmem>>, vector<1x16xi32>,
        %dma_start3A_339 = arith.constant 0 : i32
        %dma_start3A_340 = arith.constant 0 : i32
        %dma_start3A_341 = tpu.memref_slice %arg11[%dma_start3A_339, %dma_start3A_340] : memref<2x80xi32, #tpu.memory_space<vmem>> -> memref<1x80xi32, #tpu.memory_space<vmem>>
        %dma_start3A_342 = tpu.memref_squeeze %dma_start3A_341 : memref<1x80xi32, #tpu.memory_space<vmem>> -> memref<80xi32, #tpu.memory_space<vmem>>
        %dma_start3A_343 = arith.constant 0 : i32
        %dma_start3A_344 = arith.constant 0 : i32
        %dma_start3A_345 = tpu.memref_slice %arg3[%dma_start3A_343, %dma_start3A_344] : memref<20000x128xbf16, #tpu.memory_space<hbm>> -> memref<20000x128xbf16, #tpu.memory_space<hbm>>
        tpu.enqueue_indirect_dma source(%dma_start3A_345 : memref<20000x128xbf16, #tpu.memory_space<hbm>>) target(%arg12 : memref<80x128xbf16, #tpu.memory_space<vmem>>) offsets(%dma_start3A_342 : memref<80xi32, #tpu.memory_space<vmem>>) semaphore(%arg15 : memref<!tpu.dma_semaphore, #tpu.memory_space<semaphore_mem>>)
      } else {
      }
      %add3A_275 = arith.constant 1 : i32
      %add3A_276 = arith.addi %mul3A_187, %add3A_275 : i32
      "tpu.region"() ({
        %run_scoped3A_277 = tpu.sem_alloc : memref<!tpu.dma_semaphore, #tpu.memory_space<semaphore_mem>>
        %dma_start3A_278 = arith.constant 0 : i32
        %dma_start3A_279 = tpu.memref_slice %arg9[%add3A_276, %dma_start3A_278] : memref<125x80xi32, #tpu.memory_space<vmem>> -> memref<1x80xi32, #tpu.memory_space<vmem>>
        %dma_start3A_280 = tpu.memref_squeeze %dma_start3A_279 : memref<1x80xi32, #tpu.memory_space<vmem>> -> memref<80xi32, #tpu.memory_space<vmem>>
        %dma_start3A_281 = arith.constant 0 : i32
        %dma_start3A_282 = arith.constant 0 : i32
        %dma_start3A_283 = tpu.memref_slice %arg14[%dma_start3A_281, %dma_start3A_282] : memref<10112x128xbf16, #tpu.memory_space<vmem_shared>> -> memref<10112x128xbf16, #tpu.memory_space<vmem_shared>>
        tpu.enqueue_indirect_dma source(%arg13 : memref<80x128xbf16, #tpu.memory_space<vmem>>) target(%dma_start3A_283 : memref<10112x128xbf16, #tpu.memory_space<vmem_shared>>) offsets(%dma_start3A_280 : memref<80xi32, #tpu.memory_space<vmem>>) semaphore(%run_scoped3A_277 : memref<!tpu.dma_semaphore, #tpu.memory_space<semaphore_mem>>) {add = true}
        %dma_wait3A_284 = arith.constant 0 : i32
        %dma_wait3A_285 = tpu.memref_slice %arg9[%add3A_276, %dma_wait3A_284] : memref<125x80xi32, #tpu.memory_space<vmem>> -> memref<1x80xi32, #tpu.memory_space<vmem>>
        %dma_wait3A_286 = tpu.memref_squeeze %dma_wait3A_285 : memref<1x80xi32, #tpu.memory_space<vmem>> -> memref<80xi32, #tpu.memory_space<vmem>>
        %dma_wait3A_287 = arith.constant 0 : i32
        %dma_wait3A_288 = arith.constant 0 : i32
        %dma_wait3A_289 = tpu.memref_slice %arg14[%dma_wait3A_287, %dma_wait3A_288] : memref<10112x128xbf16, #tpu.memory_space<vmem_shared>> -> memref<10112x128xbf16, #tpu.memory_space<vmem_shared>>
        tpu.wait_indirect_dma semaphore(%run_scoped3A_277 : memref<!tpu.dma_semaphore, #tpu.memory_space<semaphore_mem>>) src(%arg13 : memref<80x128xbf16, #tpu.memory_space<vmem>>) dst(%dma_wait3A_289 : memref<10112x128xbf16, #tpu.memory_space<vmem_shared>>)
        tpu.yield
      }) : () -> ()
    }
    %scan3A_170 = arith.constant 62 : i32
    %dma_wait3A_171 = arith.constant 0 : i32
    %dma_wait3A_172 = arith.constant 0 : i32
    %dma_wait3A_173 = tpu.memref_slice %arg11[%dma_wait3A_171, %dma_wait3A_172] : memref<2x80xi32, #tpu.memory_space<vmem>> -> memref<1x80xi32, #tpu.memory_space<vmem>>
    %dma_wait3A_174 = tpu.memref_squeeze %dma_wait3A_173 : memref<1x80xi32, #tpu.memory_space<vmem>> -> memref<80xi32, #tpu.memory_space<vmem>>
    %dma_wait3A_175 = arith.constant 0 : i32
    %dma_wait3A_176 = arith.constant 0 : i32
    %dma_wait3A_177 = tpu.memref_slice %arg3[%dma_wait3A_175, %dma_wait3A_176] : memref<20000x128xbf16, #tpu.memory_space<hbm>> -> memref<20000x128xbf16, #tpu.memory_space<hbm>>
    tpu.wait_indirect_dma semaphore(%arg15 : memref<!tpu.dma_semaphore, #tpu.memory_space<semaphore_mem>>) src(%dma_wait3A_177 : memref<20000x128xbf16, #tpu.memory_space<hbm>>) dst(%arg12 : memref<80x128xbf16, #tpu.memory_space<vmem>>)
    %run_scoped3A_178 = arith.constant 124 : i32
    "tpu.region"() ({
      %run_scoped3A_185 = tpu.sem_alloc : memref<!tpu.dma_semaphore, #tpu.memory_space<semaphore_mem>>
      %dma_start3A_186 = arith.constant 0 : i32
      %dma_start3A_187 = tpu.memref_slice %arg9[%run_scoped3A_178, %dma_start3A_186] : memref<125x80xi32, #tpu.memory_space<vmem>> -> memref<1x80xi32, #tpu.memory_space<vmem>>
      %dma_start3A_188 = tpu.memref_squeeze %dma_start3A_187 : memref<1x80xi32, #tpu.memory_space<vmem>> -> memref<80xi32, #tpu.memory_space<vmem>>
      %dma_start3A_189 = arith.constant 0 : i32
      %dma_start3A_190 = arith.constant 0 : i32
      %dma_start3A_191 = tpu.memref_slice %arg14[%dma_start3A_189, %dma_start3A_190] : memref<10112x128xbf16, #tpu.memory_space<vmem_shared>> -> memref<10112x128xbf16, #tpu.memory_space<vmem_shared>>
      tpu.enqueue_indirect_dma source(%arg12 : memref<80x128xbf16, #tpu.memory_space<vmem>>) target(%dma_start3A_191 : memref<10112x128xbf16, #tpu.memory_space<vmem_shared>>) offsets(%dma_start3A_188 : memref<80xi32, #tpu.memory_space<vmem>>) semaphore(%run_scoped3A_185 : memref<!tpu.dma_semaphore, #tpu.memory_space<semaphore_mem>>) {add = true}
      %dma_wait3A_192 = arith.constant 0 : i32
      %dma_wait3A_193 = tpu.memref_slice %arg9[%run_scoped3A_178, %dma_wait3A_192] : memref<125x80xi32, #tpu.memory_space<vmem>> -> memref<1x80xi32, #tpu.memory_space<vmem>>
      %dma_wait3A_194 = tpu.memref_squeeze %dma_wait3A_193 : memref<1x80xi32, #tpu.memory_space<vmem>> -> memref<80xi32, #tpu.memory_space<vmem>>
      %dma_wait3A_195 = arith.constant 0 : i32
      %dma_wait3A_196 = arith.constant 0 : i32
      %dma_wait3A_197 = tpu.memref_slice %arg14[%dma_wait3A_195, %dma_wait3A_196] : memref<10112x128xbf16, #tpu.memory_space<vmem_shared>> -> memref<10112x128xbf16, #tpu.memory_space<vmem_shared>>
      tpu.wait_indirect_dma semaphore(%run_scoped3A_185 : memref<!tpu.dma_semaphore, #tpu.memory_space<semaphore_mem>>) src(%arg12 : memref<80x128xbf16, #tpu.memory_space<vmem>>) dst(%dma_wait3A_197 : memref<10112x128xbf16, #tpu.memory_space<vmem_shared>>)
      tpu.yield
    }) : () -> ()
    %barrier3A_179 = arith.constant 0 : index
    tpu.barrier barrier_id(%barrier3A_179)
    %mul3A_180 = arith.constant 632 : i32
    %mul3A_181 = arith.muli %arg1, %mul3A_180 : i32
    %mul3A_182 = arith.constant 632 : i32
    %mul3A_183 = arith.muli %arg1, %mul3A_182 : i32
    "tpu.region"() ({
      %run_scoped3A_185 = tpu.sem_alloc : memref<!tpu.dma_semaphore, #tpu.memory_space<semaphore_mem>>
      %dma_start3A_186 = arith.constant 0 : i32
      %dma_start3A_187 = tpu.memref_slice %arg8[%arg0, %mul3A_183, %dma_start3A_186] : memref<2x10112x128xbf16, #tpu.memory_space<hbm>> -> memref<1x632x128xbf16, #tpu.memory_space<hbm>>
      %dma_start3A_188 = tpu.memref_squeeze %dma_start3A_187 : memref<1x632x128xbf16, #tpu.memory_space<hbm>> -> memref<632x128xbf16, #tpu.memory_space<hbm>>
      %dma_start3A_189 = arith.constant 0 : i32
      %dma_start3A_190 = tpu.memref_slice %arg14[%mul3A_181, %dma_start3A_189] : memref<10112x128xbf16, #tpu.memory_space<vmem_shared>> -> memref<632x128xbf16, #tpu.memory_space<vmem_shared>>
      tpu.enqueue_dma source(%dma_start3A_190 : memref<632x128xbf16, #tpu.memory_space<vmem_shared>>) target(%dma_start3A_188 : memref<632x128xbf16, #tpu.memory_space<hbm>>) target_semaphore(%run_scoped3A_185 : memref<!tpu.dma_semaphore, #tpu.memory_space<semaphore_mem>>)
      %dma_wait3A_191 = arith.constant 0 : i32
      %dma_wait3A_192 = tpu.memref_slice %arg8[%arg0, %mul3A_183, %dma_wait3A_191] : memref<2x10112x128xbf16, #tpu.memory_space<hbm>> -> memref<1x632x128xbf16, #tpu.memory_space<hbm>>
      %dma_wait3A_193 = tpu.memref_squeeze %dma_wait3A_192 : memref<1x632x128xbf16, #tpu.memory_space<hbm>> -> memref<632x128xbf16, #tpu.memory_space<hbm>>
      %dma_wait3A_194 = arith.constant 0 : i32
      %dma_wait3A_195 = tpu.memref_slice %arg14[%mul3A_181, %dma_wait3A_194] : memref<10112x128xbf16, #tpu.memory_space<vmem_shared>> -> memref<632x128xbf16, #tpu.memory_space<vmem_shared>>
      tpu.wait_dma2 semaphore(%run_scoped3A_185 : memref<!tpu.dma_semaphore, #tpu.memory_space<semaphore_mem>>) src(%dma_wait3A_195 : memref<632x128xbf16, #tpu.memory_space<vmem_shared>>) dst(%dma_wait3A_193 : memref<632x128xbf16, #tpu.memory_space<hbm>>)
      tpu.yield
    }) : () -> ()
    %barrier3A_184 = arith.constant 0 : index
    tpu.barrier barrier_id(%barrier3A_184)
    return
  }
}

module attributes {stable_mosaic.version = 14 : i64} {
  func.func @_mlp2_body(%arg0: i32, %arg1: i32, %arg2: memref<1000x128xf32, #tpu.memory_space<vmem>>, %arg3: memref<1x128x128xf32, #tpu.memory_space<vmem>>, %arg4: memref<1x1x128xf32, #tpu.memory_space<vmem>>, %arg5: memref<1x128x128xf32, #tpu.memory_space<vmem>>, %arg6: memref<1x1x128xf32, #tpu.memory_space<vmem>>, %arg7: memref<1x1000x1xf32, #tpu.memory_space<vmem>>, %arg8: memref<1x1000x128xbf16, #tpu.memory_space<vmem>>) attributes {dimension_semantics = [#tpu.dimension_semantics<arbitrary>, #tpu.dimension_semantics<arbitrary>], iteration_bounds = array<i64: 2, 10>, scalar_prefetch = 0 : i64, scratch_operands = 0 : i64, tpu.core_type = #tpu.core_type<tc>, window_params = [{transform_indices = @transform_0, window_bounds = array<i64: 1000, 128>}, {transform_indices = @transform_1, window_bounds = array<i64: 1, 128, 128>}, {transform_indices = @transform_2, window_bounds = array<i64: 1, 1, 128>}, {transform_indices = @transform_3, window_bounds = array<i64: 1, 128, 128>}, {transform_indices = @transform_4, window_bounds = array<i64: 1, 1, 128>}, {transform_indices = @transform_5, window_bounds = array<i64: 1, 1000, 1>}, {transform_indices = @transform_6, window_bounds = array<i64: 1, 1000, 128>}]} {
    %get3A = arith.constant 0 : index
    %get3A_0 = arith.constant 0 : index
    %get3A_1 = vector.load %arg2[%get3A, %get3A_0] : memref<1000x128xf32, #tpu.memory_space<vmem>>, vector<1000x128xf32>
    %get3A_2 = arith.constant 0 : index
    %get3A_3 = arith.constant 0 : index
    %get3A_4 = arith.constant 0 : index
    %get3A_5 = vector.load %arg3[%get3A_2, %get3A_3, %get3A_4] : memref<1x128x128xf32, #tpu.memory_space<vmem>>, vector<1x128x128xf32>
    %get3A_6 = vector.shape_cast %get3A_5 : vector<1x128x128xf32> to vector<128x128xf32>
    %dot_general3A = arith.constant dense<0.000000e+00> : vector<1000x128xf32>
    %dot_general3A_7 = tpu.matmul %get3A_1, %get3A_6, %dot_general3A {dimension_numbers = #tpu.dot_dimension_numbers<[1], [0], [0], [1], [0, 0, 1, 1], [], []>, transpose_lhs_hint = false} : vector<1000x128xf32>, vector<128x128xf32>, vector<1000x128xf32> -> vector<1000x128xf32>
    %get3A_8 = arith.constant 0 : index
    %get3A_9 = arith.constant 0 : index
    %get3A_10 = arith.constant 0 : index
    %get3A_11 = vector.load %arg4[%get3A_8, %get3A_9, %get3A_10] : memref<1x1x128xf32, #tpu.memory_space<vmem>>, vector<1x1x128xf32>
    %get3A_12 = vector.shape_cast %get3A_11 : vector<1x1x128xf32> to vector<1x128xf32>
    %add3A = vector.broadcast %get3A_12 : vector<1x128xf32> to vector<1000x128xf32>
    %add3A_13 = arith.addf %dot_general3A_7, %add3A : vector<1000x128xf32>
    %max3A = arith.constant 0.000000e+00 : f32
    %max3A_14 = vector.broadcast %max3A : f32 to vector<1000x128xf32>
    %max3A_15 = arith.maximumf %add3A_13, %max3A_14 : vector<1000x128xf32>
    %get3A_16 = arith.constant 0 : index
    %get3A_17 = arith.constant 0 : index
    %get3A_18 = arith.constant 0 : index
    %get3A_19 = vector.load %arg5[%get3A_16, %get3A_17, %get3A_18] : memref<1x128x128xf32, #tpu.memory_space<vmem>>, vector<1x128x128xf32>
    %get3A_20 = vector.shape_cast %get3A_19 : vector<1x128x128xf32> to vector<128x128xf32>
    %dot_general3A_21 = arith.constant dense<0.000000e+00> : vector<1000x128xf32>
    %dot_general3A_22 = tpu.matmul %max3A_15, %get3A_20, %dot_general3A_21 {dimension_numbers = #tpu.dot_dimension_numbers<[1], [0], [0], [1], [0, 0, 1, 1], [], []>, transpose_lhs_hint = false} : vector<1000x128xf32>, vector<128x128xf32>, vector<1000x128xf32> -> vector<1000x128xf32>
    %get3A_23 = arith.constant 0 : index
    %get3A_24 = arith.constant 0 : index
    %get3A_25 = arith.constant 0 : index
    %get3A_26 = vector.load %arg6[%get3A_23, %get3A_24, %get3A_25] : memref<1x1x128xf32, #tpu.memory_space<vmem>>, vector<1x1x128xf32>
    %get3A_27 = vector.shape_cast %get3A_26 : vector<1x1x128xf32> to vector<1x128xf32>
    %add3A_28 = vector.broadcast %get3A_27 : vector<1x128xf32> to vector<1000x128xf32>
    %add3A_29 = arith.addf %dot_general3A_22, %add3A_28 : vector<1000x128xf32>
    %get3A_30 = arith.constant 0 : index
    %get3A_31 = arith.constant 0 : index
    %get3A_32 = arith.constant 0 : index
    %get3A_33 = vector.load %arg7[%get3A_30, %get3A_31, %get3A_32] : memref<1x1000x1xf32, #tpu.memory_space<vmem>>, vector<1x1000x1xf32>
    %get3A_34 = vector.shape_cast %get3A_33 : vector<1x1000x1xf32> to vector<1000x1xf32>
    %max3A_35 = arith.constant 1.000000e+00 : f32
    %max3A_36 = vector.broadcast %max3A_35 : f32 to vector<1000x1xf32>
    %max3A_37 = arith.maximumf %get3A_34, %max3A_36 : vector<1000x1xf32>
    %sqrt3A = math.sqrt %max3A_37 : vector<1000x1xf32>
    %div3A = arith.constant 1.000000e+00 : f32
    %div3A_38 = vector.broadcast %div3A : f32 to vector<1000x1xf32>
    %div3A_39 = arith.divf %div3A_38, %sqrt3A : vector<1000x1xf32>
    %mul3A = vector.broadcast %div3A_39 : vector<1000x1xf32> to vector<1000x128xf32>
    %mul3A_40 = arith.mulf %add3A_29, %mul3A : vector<1000x128xf32>
    %convert_element_type3A = arith.truncf %mul3A_40 : vector<1000x128xf32> to vector<1000x128xbf16>
    %swap3A = arith.constant 0 : index
    %swap3A_41 = arith.constant 0 : index
    %swap3A_42 = arith.constant 0 : index
    %swap3A_43 = vector.load %arg8[%swap3A, %swap3A_41, %swap3A_42] : memref<1x1000x128xbf16, #tpu.memory_space<vmem>>, vector<1x1000x128xbf16>
    %swap3A_44 = vector.shape_cast %swap3A_43 : vector<1x1000x128xbf16> to vector<1000x128xbf16>
    %swap3A_45 = vector.shape_cast %convert_element_type3A : vector<1000x128xbf16> to vector<1x1000x128xbf16>
    tpu.vector_store %arg8[%swap3A, %swap3A_41, %swap3A_42], %swap3A_45 {strides = array<i32>} : memref<1x1000x128xbf16, #tpu.memory_space<vmem>>, vector<1x1000x128xbf16>,
    return
  }
  func.func @transform_0(%arg0: i32, %arg1: i32) -> (i32, i32) {
    %c0_i32 = arith.constant 0 : i32
    %c0_i32_0 = arith.constant 0 : i32
    return %arg1, %c0_i32 : i32, i32
  }
  func.func @transform_1(%arg0: i32, %arg1: i32) -> (i32, i32, i32) {
    %c0_i32 = arith.constant 0 : i32
    %c0_i32_0 = arith.constant 0 : i32
    %c0_i32_1 = arith.constant 0 : i32
    return %arg0, %c0_i32, %c0_i32_0 : i32, i32, i32
  }
  func.func @transform_2(%arg0: i32, %arg1: i32) -> (i32, i32, i32) {
    %c0_i32 = arith.constant 0 : i32
    %c0_i32_0 = arith.constant 0 : i32
    %c0_i32_1 = arith.constant 0 : i32
    return %arg0, %c0_i32, %c0_i32_0 : i32, i32, i32
  }
  func.func @transform_3(%arg0: i32, %arg1: i32) -> (i32, i32, i32) {
    %c0_i32 = arith.constant 0 : i32
    %c0_i32_0 = arith.constant 0 : i32
    %c0_i32_1 = arith.constant 0 : i32
    return %arg0, %c0_i32, %c0_i32_0 : i32, i32, i32
  }
  func.func @transform_4(%arg0: i32, %arg1: i32) -> (i32, i32, i32) {
    %c0_i32 = arith.constant 0 : i32
    %c0_i32_0 = arith.constant 0 : i32
    %c0_i32_1 = arith.constant 0 : i32
    return %arg0, %c0_i32, %c0_i32_0 : i32, i32, i32
  }
  func.func @transform_5(%arg0: i32, %arg1: i32) -> (i32, i32, i32) {
    %c0_i32 = arith.constant 0 : i32
    %c0_i32_0 = arith.constant 0 : i32
    return %arg0, %arg1, %c0_i32 : i32, i32, i32
  }
  func.func @transform_6(%arg0: i32, %arg1: i32) -> (i32, i32, i32) {
    %c0_i32 = arith.constant 0 : i32
    %c0_i32_0 = arith.constant 0 : i32
    return %arg0, %arg1, %c0_i32 : i32, i32, i32
  }
}

module attributes {stable_mosaic.version = 14 : i64} {
  func.func @_upd_body(%arg0: i32, %arg1: memref<1000x128xf32, #tpu.memory_space<vmem>>, %arg2: memref<2x1000x128xbf16, #tpu.memory_space<vmem>>, %arg3: memref<2x1000x1xf32, #tpu.memory_space<vmem>>, %arg4: memref<384x128xf32, #tpu.memory_space<vmem>>, %arg5: memref<1x128xf32, #tpu.memory_space<vmem>>, %arg6: memref<1000x128xf32, #tpu.memory_space<vmem>>) attributes {dimension_semantics = [#tpu.dimension_semantics<arbitrary>], iteration_bounds = array<i64: 10>, scalar_prefetch = 0 : i64, scratch_operands = 0 : i64, tpu.core_type = #tpu.core_type<tc>, window_params = [{transform_indices = @transform_0, window_bounds = array<i64: 1000, 128>}, {transform_indices = @transform_1, window_bounds = array<i64: 2, 1000, 128>}, {transform_indices = @transform_2, window_bounds = array<i64: 2, 1000, 1>}, {pipeline_mode = #tpu.pipeline_mode<synchronous>, transform_indices = @transform_3, window_bounds = array<i64: 384, 128>}, {pipeline_mode = #tpu.pipeline_mode<synchronous>, transform_indices = @transform_4, window_bounds = array<i64: 1, 128>}, {transform_indices = @transform_5, window_bounds = array<i64: 1000, 128>}]} {
    %get3A = arith.constant 0 : index
    %get3A_0 = arith.constant 0 : index
    %get3A_1 = arith.constant 0 : index
    %get3A_2 = vector.load %arg3[%get3A, %get3A_0, %get3A_1] : memref<2x1000x1xf32, #tpu.memory_space<vmem>>, vector<1x1000x1xf32>
    %get3A_3 = vector.shape_cast %get3A_2 : vector<1x1000x1xf32> to vector<1000x1xf32>
    %max3A = arith.constant 1.000000e+00 : f32
    %max3A_4 = vector.broadcast %max3A : f32 to vector<1000x1xf32>
    %max3A_5 = arith.maximumf %get3A_3, %max3A_4 : vector<1000x1xf32>
    %sqrt3A = math.sqrt %max3A_5 : vector<1000x1xf32>
    %div3A = arith.constant 1.000000e+00 : f32
    %div3A_6 = vector.broadcast %div3A : f32 to vector<1000x1xf32>
    %div3A_7 = arith.divf %div3A_6, %sqrt3A : vector<1000x1xf32>
    %get3A_8 = arith.constant 1 : index
    %get3A_9 = arith.constant 0 : index
    %get3A_10 = arith.constant 0 : index
    %get3A_11 = vector.load %arg3[%get3A_8, %get3A_9, %get3A_10] : memref<2x1000x1xf32, #tpu.memory_space<vmem>>, vector<1x1000x1xf32>
    %get3A_12 = vector.shape_cast %get3A_11 : vector<1x1000x1xf32> to vector<1000x1xf32>
    %max3A_13 = arith.constant 1.000000e+00 : f32
    %max3A_14 = vector.broadcast %max3A_13 : f32 to vector<1000x1xf32>
    %max3A_15 = arith.maximumf %get3A_12, %max3A_14 : vector<1000x1xf32>
    %sqrt3A_16 = math.sqrt %max3A_15 : vector<1000x1xf32>
    %div3A_17 = arith.constant 1.000000e+00 : f32
    %div3A_18 = vector.broadcast %div3A_17 : f32 to vector<1000x1xf32>
    %div3A_19 = arith.divf %div3A_18, %sqrt3A_16 : vector<1000x1xf32>
    %get3A_20 = arith.constant 0 : index
    %get3A_21 = arith.constant 0 : index
    %get3A_22 = vector.load %arg4[%get3A_20, %get3A_21] : memref<384x128xf32, #tpu.memory_space<vmem>>, vector<384x128xf32>
    %get3A_23 = arith.constant 0 : index
    %get3A_24 = arith.constant 0 : index
    %get3A_25 = vector.load %arg1[%get3A_23, %get3A_24] : memref<1000x128xf32, #tpu.memory_space<vmem>>, vector<1000x128xf32>
    %slice3A = vector.extract_strided_slice %get3A_22 {offsets = [0, 0], sizes = [128, 128], strides = [1, 1]} : vector<384x128xf32> to vector<128x128xf32>
    %dot_general3A = arith.constant dense<0.000000e+00> : vector<1000x128xf32>
    %dot_general3A_26 = tpu.matmul %get3A_25, %slice3A, %dot_general3A {dimension_numbers = #tpu.dot_dimension_numbers<[1], [0], [0], [1], [0, 0, 1, 1], [], []>, transpose_lhs_hint = false} : vector<1000x128xf32>, vector<128x128xf32>, vector<1000x128xf32> -> vector<1000x128xf32>
    %get3A_27 = arith.constant 0 : index
    %get3A_28 = arith.constant 0 : index
    %get3A_29 = arith.constant 0 : index
    %get3A_30 = vector.load %arg2[%get3A_27, %get3A_28, %get3A_29] : memref<2x1000x128xbf16, #tpu.memory_space<vmem>>, vector<1x1000x128xbf16>
    %get3A_31 = vector.shape_cast %get3A_30 : vector<1x1000x128xbf16> to vector<1000x128xbf16>
    %convert_element_type3A = arith.extf %get3A_31 : vector<1000x128xbf16> to vector<1000x128xf32>
    %mul3A = vector.broadcast %div3A_7 : vector<1000x1xf32> to vector<1000x128xf32>
    %mul3A_32 = arith.mulf %convert_element_type3A, %mul3A : vector<1000x128xf32>
    %slice3A_33 = vector.extract_strided_slice %get3A_22 {offsets = [128, 0], sizes = [128, 128], strides = [1, 1]} : vector<384x128xf32> to vector<128x128xf32>
    %dot_general3A_34 = arith.constant dense<0.000000e+00> : vector<1000x128xf32>
    %dot_general3A_35 = tpu.matmul %mul3A_32, %slice3A_33, %dot_general3A_34 {dimension_numbers = #tpu.dot_dimension_numbers<[1], [0], [0], [1], [0, 0, 1, 1], [], []>, transpose_lhs_hint = false} : vector<1000x128xf32>, vector<128x128xf32>, vector<1000x128xf32> -> vector<1000x128xf32>
    %add3A = arith.addf %dot_general3A_26, %dot_general3A_35 : vector<1000x128xf32>
    %get3A_36 = arith.constant 1 : index
    %get3A_37 = arith.constant 0 : index
    %get3A_38 = arith.constant 0 : index
    %get3A_39 = vector.load %arg2[%get3A_36, %get3A_37, %get3A_38] : memref<2x1000x128xbf16, #tpu.memory_space<vmem>>, vector<1x1000x128xbf16>
    %get3A_40 = vector.shape_cast %get3A_39 : vector<1x1000x128xbf16> to vector<1000x128xbf16>
    %convert_element_type3A_41 = arith.extf %get3A_40 : vector<1000x128xbf16> to vector<1000x128xf32>
    %mul3A_42 = vector.broadcast %div3A_19 : vector<1000x1xf32> to vector<1000x128xf32>
    %mul3A_43 = arith.mulf %convert_element_type3A_41, %mul3A_42 : vector<1000x128xf32>
    %slice3A_44 = vector.extract_strided_slice %get3A_22 {offsets = [256, 0], sizes = [128, 128], strides = [1, 1]} : vector<384x128xf32> to vector<128x128xf32>
    %dot_general3A_45 = arith.constant dense<0.000000e+00> : vector<1000x128xf32>
    %dot_general3A_46 = tpu.matmul %mul3A_43, %slice3A_44, %dot_general3A_45 {dimension_numbers = #tpu.dot_dimension_numbers<[1], [0], [0], [1], [0, 0, 1, 1], [], []>, transpose_lhs_hint = false} : vector<1000x128xf32>, vector<128x128xf32>, vector<1000x128xf32> -> vector<1000x128xf32>
    %add3A_47 = arith.addf %add3A, %dot_general3A_46 : vector<1000x128xf32>
    %get3A_48 = arith.constant 0 : index
    %get3A_49 = arith.constant 0 : index
    %get3A_50 = vector.load %arg5[%get3A_48, %get3A_49] : memref<1x128xf32, #tpu.memory_space<vmem>>, vector<1x128xf32>
    %add3A_51 = vector.broadcast %get3A_50 : vector<1x128xf32> to vector<1000x128xf32>
    %add3A_52 = arith.addf %add3A_47, %add3A_51 : vector<1000x128xf32>
    %swap3A = arith.constant 0 : index
    %swap3A_53 = arith.constant 0 : index
    %swap3A_54 = vector.load %arg6[%swap3A, %swap3A_53] : memref<1000x128xf32, #tpu.memory_space<vmem>>, vector<1000x128xf32>
    tpu.vector_store %arg6[%swap3A, %swap3A_53], %add3A_52 {strides = array<i32>} : memref<1000x128xf32, #tpu.memory_space<vmem>>, vector<1000x128xf32>,
    return
  }
  func.func @transform_0(%arg0: i32) -> (i32, i32) {
    %c0_i32 = arith.constant 0 : i32
    %c0_i32_0 = arith.constant 0 : i32
    return %arg0, %c0_i32 : i32, i32
  }
  func.func @transform_1(%arg0: i32) -> (i32, i32, i32) {
    %c0_i32 = arith.constant 0 : i32
    %c0_i32_0 = arith.constant 0 : i32
    %c0_i32_1 = arith.constant 0 : i32
    return %c0_i32, %arg0, %c0_i32_0 : i32, i32, i32
  }
  func.func @transform_2(%arg0: i32) -> (i32, i32, i32) {
    %c0_i32 = arith.constant 0 : i32
    %c0_i32_0 = arith.constant 0 : i32
    %c0_i32_1 = arith.constant 0 : i32
    return %c0_i32, %arg0, %c0_i32_0 : i32, i32, i32
  }
  func.func @transform_3(%arg0: i32) -> (i32, i32) {
    %c0_i32 = arith.constant 0 : i32
    %c0_i32_0 = arith.constant 0 : i32
    %c0_i32_1 = arith.constant 0 : i32
    return %c0_i32, %c0_i32_0 : i32, i32
  }
  func.func @transform_4(%arg0: i32) -> (i32, i32) {
    %c0_i32 = arith.constant 0 : i32
    %c0_i32_0 = arith.constant 0 : i32
    %c0_i32_1 = arith.constant 0 : i32
    return %c0_i32, %c0_i32_0 : i32, i32
  }
  func.func @transform_5(%arg0: i32) -> (i32, i32) {
    %c0_i32 = arith.constant 0 : i32
    %c0_i32_0 = arith.constant 0 : i32
    return %arg0, %c0_i32 : i32, i32
  }
}

</mosaic_0001>

<sc_bundles>
// kernel: kernel.13.cloned.1.call-start
scs
__scs_entry_jumppad:
0x0: {  	(pc) =	sbr.rel $0x88, $3  }
0x1: {  	(tag) =	ssettag $0x0;
	lr =	simm.s32 $0x1  }
0x2: {  	[smem:$0x3F87] =	sst lr;
	_ =	strace $0xD0000000  }
0x3: {  	_ = 	snop  }
0x4: {  	_ = 	snop  }
0x5: {  	_ = 	snop  }
0x6: {  	_ = 	snop  }
0x7: {  	_ = 	snop  }
__scs_overlays_trampoline_lowered:
0x8: {  	[smem:$0x3F96] =	sst s0  }
0x9: {  	[smem:$0x3F97] =	sst s1  }
0xa: {  	[smem:$0x3F98] =	sst s2  }
0xb: {  	[smem:$0x3F99] =	sst s3  }
0xc: {  	[smem:$0x3F9A] =	sst s4  }
0xd: {  	[smem:$0x3F9B] =	sst s5  }
0xe: {  	[smem:$0x3F9C] =	sst s6  }
0xf: {  	[smem:$0x3F9D] =	sst s7  }
0x10: {  	[smem:$0x3F9E] =	sst s8  }
0x11: {  	[smem:$0x3F9F] =	sst s9;
	s0 =	simm.s32 @!p0 $0x0  }
0x12: {  	s1 =	sld [smem:$0x3F85];
	s0 =	simm.s32 @p0 $0x1  }
0x13: {  	[smem:$0x3FA0] =	sst s0;
	s0 =	simm.s32 @!p1 $0x0  }
0x14: {  	s2 =	sld [smem:$0x3F84];
	s0 =	simm.s32 @p1 $0x1  }
0x15: {  	[smem:$0x3FA1] =	sst s0;
	s0 =	simm.s32 @!p2 $0x0  }
0x16: {  	s3 =	sld [smem:$0x3FDB];
	s0 =	simm.s32 @p2 $0x1  }
0x17: {  	s4 =	simm.s32 $0x1BF5;
	[smem:$0x3FA3] =	sst s0  }
0x18: {  	s0 =	sld [smem:$0x3F86];
	_ =	swait.ge [sflag:s4], $0x0  }
0x19: {  	s7 =	sld [smem:$0x3F87]  }
0x1a: {  	s8 =	sadd.s32 $0xFFFFE003, lr  }
0x1b: {  	s9 =	sadd.s32 $0xFFFFFEF7, lr;
	s5 =	simm.s32 $0xFFFFFFFF;
	p2 =	slt.u32 s8, $0xFFFFF086  }
0x1c: {  	p1 =	slt.u32 s9, $0xF7A;
	s5 =	simm.s32 @!p2 $0x0  }
0x1d: {  	s5 =	simm.s32 @p1 $0x1;
	p0 =	seq.s32 s7, s2  }
0x1e: {  	s7 =	smul.u32 @!p0 $0xF7A, s2;
	p2 =	seq.s32 @!p0 s5, $0x0  }
0x1f: {  	s9 =	smul.u32 $0xF7A, s1;
	s8 =	simm.s32 @!p0 $0x1BF5;
	p2 =	por !p2, p0  }
0x20: {  	[sflag:s8] =	ssyncset.s32 @!p0 $0xFFFFF086;
	s6 =	sadd.s32 @!p0 s3, s7;
	s7 =	simm.s32 @!p0 $0x108  }
0x21: {  	s3 =	sadd.s32 s3, s9;
	s6 =	sadd.s32 @!p0 $0x88, s6;
	s7 =	simm.s32 @p2 $0x1082  }
0x22: {  	[simem:s7], [sflag:s8] =	dma.local @!p0 [hbm:s6], $0xF7A  }
0x23: {  	s9 =	sor.u32 $0xD0000000, s2;
	s6 =	simm.s32 $0x108;
	_ =	swait.ge @!p0 [sflag:s8], $0x0  }
0x24: {  	s3 =	sadd.s32 $0x88, s3;
	s6 =	simm.s32 @!p1 $0x1082;
	[sflag:s4] =	ssyncset.s32 $0xFFFFF086  }
0x25: {  	[simem:s6], [sflag:s4] =	dma.local [hbm:s3], $0xF7A  }
0x26: {  	[smem:$0x3F87] =	sst s1;
	(tag) =	ssettag s2;
	_ =	strace s9  }
0x27: {  	s1 =	sld [smem:$0x3F97]  }
0x28: {  	s2 =	sld [smem:$0x3F98]  }
0x29: {  	s4 =	sld [smem:$0x3F9A]  }
0x2a: {  	p0 =	seq.s32 s5, $0x0;
	s5 =	sld [smem:$0x3F9B]  }
0x2b: {  	s6 =	sld [smem:$0x3F9C]  }
0x2c: {  	s7 =	sld [smem:$0x3F9D]  }
0x2d: {  	s3 =	simm.s32 $0x108;
	s8 =	sld [smem:$0x3F9E]  }
0x2e: {  	s3 =	simm.s32 @!p0 $0x1082;
	s9 =	sld [smem:$0x3F9F]  }
0x2f: {  	lr =	sadd.s32 s0, s3;
	s0 =	sld [smem:$0x3F96]  }
0x30: {  	s3 =	sld [smem:$0x3F99]  }
0x31: {  	[smem:$0x3FA2] =	sst s10  }
0x32: {  	s10 =	sld [smem:$0x3FA0];
	_ =	sdelay $0x3  }
0x33: {  	p0 =	seq.s32 s10, $0x1;
	s10 =	sld [smem:$0x3FA2];
	_ =	sdelay $0x3  }
0x34: {  	[smem:$0x3FA2] =	sst s10  }
0x35: {  	s10 =	sld [smem:$0x3FA1];
	_ =	sdelay $0x3  }
0x36: {  	p1 =	seq.s32 s10, $0x1;
	s10 =	sld [smem:$0x3FA2];
	_ =	sdelay $0x3  }
0x37: {  	[smem:$0x3FA2] =	sst s10  }
0x38: {  	s10 =	sld [smem:$0x3FA3]  }
0x39: {  	_ = 	snop;
	(pc) =	sbr.ind lr, $3  }
0x3a: {  	_ = 	snop  }
0x3b: {  	_ = 	snop  }
0x3c: {  	p2 =	seq.s32 s10, $0x1;
	s10 =	sld [smem:$0x3FA2]  }
0x3d: {  	_ =	shalt  }
0x3e: {  	_ =	shalt  }
0x3f: {  	_ =	shalt  }
0x40: {  	_ =	shalt  }
0x41: {  	_ =	shalt  }
0x42: {  	_ =	shalt  }
0x43: {  	_ =	shalt  }
0x44: {  	_ =	shalt  }
0x45: {  	_ =	shalt  }
0x46: {  	_ =	shalt  }
0x47: {  	_ =	shalt  }
0x48: {  	_ =	shalt  }
0x49: {  	_ =	shalt  }
0x4a: {  	_ =	shalt  }
0x4b: {  	_ =	shalt  }
0x4c: {  	_ =	shalt  }
0x4d: {  	_ =	shalt  }
0x4e: {  	_ =	shalt  }
0x4f: {  	_ =	shalt  }
0x50: {  	_ =	shalt  }
0x51: {  	_ =	shalt  }
0x52: {  	_ =	shalt  }
0x53: {  	_ =	shalt  }
0x54: {  	_ =	shalt  }
0x55: {  	_ =	shalt  }
0x56: {  	_ =	shalt  }
0x57: {  	_ =	shalt  }
0x58: {  	_ =	shalt  }
0x59: {  	_ =	shalt  }
0x5a: {  	_ =	shalt  }
0x5b: {  	_ =	shalt  }
0x5c: {  	_ =	shalt  }
0x5d: {  	_ =	shalt  }
0x5e: {  	_ =	shalt  }
0x5f: {  	_ =	shalt  }
0x60: {  	_ =	shalt  }
0x61: {  	_ =	shalt  }
0x62: {  	_ =	shalt  }
0x63: {  	_ =	shalt  }
0x64: {  	_ =	shalt  }
0x65: {  	_ =	shalt  }
0x66: {  	_ =	shalt  }
0x67: {  	_ =	shalt  }
0x68: {  	_ =	shalt  }
0x69: {  	_ =	shalt  }
0x6a: {  	_ =	shalt  }
0x6b: {  	_ =	shalt  }
0x6c: {  	_ =	shalt  }
0x6d: {  	_ =	shalt  }
0x6e: {  	_ =	shalt  }
0x6f: {  	_ =	shalt  }
0x70: {  	_ =	shalt  }
0x71: {  	_ =	shalt  }
0x72: {  	_ =	shalt  }
0x73: {  	_ =	shalt  }
0x74: {  	_ =	shalt  }
0x75: {  	_ =	shalt  }
0x76: {  	_ =	shalt  }
0x77: {  	_ =	shalt  }
0x78: {  	_ =	shalt  }
0x79: {  	_ =	shalt  }
0x7a: {  	_ =	shalt  }
0x7b: {  	_ =	shalt  }
0x7c: {  	_ =	shalt  }
0x7d: {  	_ =	shalt  }
0x7e: {  	_ =	shalt  }
0x7f: {  	_ =	shalt  }
0x80: {  	_ =	shalt  }
0x81: {  	_ =	shalt  }
0x82: {  	_ =	shalt  }
0x83: {  	_ =	shalt  }
0x84: {  	_ =	shalt  }
0x85: {  	_ =	shalt  }
0x86: {  	_ =	shalt  }
0x87: {  	_ =	shalt  }
.Lfunc_end0:
.L_simem_size_0:
called_computation_lowered:
.L_overlay_start_0:
0x88: {  	s2 =	sld [smem:$0x3FD9]  }
0x89: {  	s3 =	sld [smem:$0x3FFE];
	_ =	sdelay $0x1  }
0x8a: {  	s1 =	srdreg.scid  }
0x8b: {  	s0 =	sand.u32 $0x1, s1  }
0x8c: {  	s14 =	sshll.u32 s0, $0xA;
	s2 =	sadd.s32 s3, s2  }
0x8d: {  	s2 =	sadd.s32 s2, s14  }
0x8e: {  	[smem:$0x3FAE] =	sst s2  }
0x8f: {  	_ = 	snop  }
0x90: {  	s2 =	sld [smem:$0x3FD0];
	_ =	sdelay $0x1  }
0x91: {  	s15 =	sld [smem:$0x3FC9]  }
0x92: {  	s5 =	simm.s32 $0xA;
	s6 =	simm.s32 $0x10;
	s4 =	sld [smem:$0x3FC8]  }
0x93: {  	[smem:s6], [sflag:s5] =	dma.local [hbm:s2], $0x1  }
0x94: {  	_ =	swait.eq [sflag:s5], $0x1  }
0x95: {  	[sflag:s5] =	ssyncset.done $0x0  }
0x96: {  	s16 =	sld [smem:$0x10];
	[sflag:s5] =	ssyncadd.s32 $0xFFFFFFFF  }
0x97: {  	s17 =	sld [smem:$0x11];
	(tm) =	ssettm $0x1  }
0x98: {  	s18 =	sld [smem:$0x3FFB];
	_ =	sdelay $0x3  }
0x99: {  	_ =	strace s18  }
0x9a: {  	s6 =	sld [smem:$0x3FFC];
	_ =	sdelay $0x3  }
0x9b: {  	_ =	strace s6  }
0x9c: {  	s6 =	sld [smem:$0x3FFD];
	_ =	sdelay $0x3  }
0x9d: {  	_ =	strace s6  }
0x9e: {  	_ =	strace $0x8FFFFFFF  }
0x9f: {  	s19 =	sld [smem:$0x3FDB];
	_ =	sdelay $0x1  }
0xa0: {  	s7 =	simm.s32 $_scs_section_size  }
0xa1: {  	s8 =	simm.s32 $_size__tile_overlayer_lowered;
	s9 =	simm.s32 $_tile_overlayer_lowered  }
0xa2: {  	s22 =	simm.s32 $0x1BFF;
	s21 =	sshll.u32 s9, $0x1;
	s6 =	sadd.s32 s7, s19  }
0xa3: {  	s10 =	simm.s32 $0x0;
	s20 =	sshll.u32 s8, $0x1;
	s8 =	sadd.s32 s21, s6  }
0xa4: {  	[timem:s10], [sflag:s22] =	dma.local [hbm:s8], s20  }
0xa5: {  	_ =	swait.ge [sflag:s22], s20  }
0xa6: {  	s7 =	ssub.s32 $0x0, s20;
	[sflag:s22] =	ssyncset.done $0x0  }
0xa7: {  	[sflag:s22] =	ssyncadd.s32 s7;
	_ =	sdelay $0x1  }
0xa8: {  	s23 =	simm.s32 $0x1B8B  }
0xa9: {  	_ =	swait.ge [sflag:s23], $0x1  }
0xaa: {  	[sflag:s23] =	ssyncset.done $0x0  }
0xab: {  	s25 =	simm.s32 $0x1B8E;
	s24 =	sld [smem:$0x3FFE];
	[sflag:s23] =	ssyncadd.s32 $0xFFFFFFFF  }
0xac: {  	s26 =	simm.s32 $execute0_lowered;
	[smem:$0x3FD2] =	sst s25  }
0xad: {  	s8 =	sshll.u32 s26, $0x1;
	_ =	strace $0x80000046;
	[dreg:$0x1] =	wrdreg $0xFFFFFFFF  }
0xae: {  	s28 =	simm.s32 $_size_execute0_lowered;
	s6 =	sadd.s32 s6, s8;
	[dreg:$0x0] =	wrdreg $0x0  }
0xaf: {  	s8 =	sshll.u32 s28, $0x1;
	[dreg:$0x2] =	wrdreg s6  }
0xb0: {  	[dreg:$0x3] =	wrdreg s8  }
0xb1: {  	[dreg:$0x4] =	wrdreg $0xC0  }
0xb2: {  	_ =	task [dreg:s10], $0x5FFFF  }
0xb3: {  	[dreg:$0x1] =	wrdreg $0xFFFFFFFF  }
0xb4: {  	[dreg:$0x0] =	wrdreg $0x60  }
0xb5: {  	[dreg:$0x2] =	wrdreg s17  }
0xb6: {  	[dreg:$0x3] =	wrdreg s15  }
0xb7: {  	[dreg:$0x4] =	wrdreg s4  }
0xb8: {  	[dreg:$0x5] =	wrdreg s24  }
0xb9: {  	[dreg:$0x6] =	wrdreg s16  }
0xba: {  	[dreg:$0x7] =	wrdreg $0xA7D00  }
0xbb: {  	[dreg:$0x8] =	wrdreg $0xCFD00  }
0xbc: {  	[dreg:$0x9] =	wrdreg $0x9  }
0xbd: {  	_ =	task.clear_ibuf [dreg:s10], $0xAFFFF;
	_ =	strace $0x90000046  }
0xbe: {  	s29 =	simm.s32 $0x9;
	_ =	strace $0x80000048  }
0xbf: {  	_ =	swait.ge [sflag:s29], $0x1  }
0xc0: {  	[sflag:s29] =	ssyncadd.s32 $0xFFFFFFFF  }
0xc1: {  	_ =	strace $0x90000048  }
0xc2: {  	_ =	sfence  }
0xc3: {  	s30 =	sld [smem:$0x0];
	_ =	sdelay $0x2  }
0xc4: {  	s31 =	sshll.u32 s1, $0xD;
	s1 =	sshrl.u32 s1, $0x2  }
0xc5: {  	s3 =	sand.u32 $0x4000, s31;
	s1 =	sadd.s32 s1, s30  }
0xc6: {  	s0 =	sor.u32 s3, s0;
	s1 =	sshll.u32 s1, $0x11  }
0xc7: {  	s0 =	sor.u32 s1, s0  }
0xc8: {  	s0 =	sadd.s32 $0x8F2B, s0  }
0xc9: {  	[sflag:s0] =	ssyncadd.remote.s32 $0x1  }
0xca: {  	_ =	sfence.sel $0xFFFF  }
0xcb: {  	[dreg:$0x0] =	wrdreg $0xFFFFFFFF;
	(pc) =	sbr.abs _section_cstart, $3  }
0xcc: {  	[dreg:$0x1] =	wrdreg $0xFFFFFFFF  }
0xcd: {  	_ =	task.clear_ibuf [dreg:s10], $0x2FFFF;
	_ =	strace $0x9FFFFFFF  }
0xce: {  	(tm) =	ssettm $0x7FFFFFFF  }
0xcf: {  	_ =	shalt  }
tec
execute0_lowered:
.L_overlay_start_1:
0x0: {  	(tag) =	ssettag $0x1  }
0x1: {  	s0 =	rddreg [dreg:$0x0]  }
0x2: {  	s1 =	rddreg [dreg:$0x1]  }
0x3: {  	s2 =	rddreg [dreg:$0x2]  }
0x4: {  	s9 =	rddreg [dreg:$0x3]  }
0x5: {  	s12 =	rddreg [dreg:$0x4]  }
0x6: {  	s4 =	rddreg [dreg:$0x5]  }
0x7: {  	s5 =	rddreg [dreg:$0x6]  }
0x8: {  	s7 =	srdreg.scid;
	s3 =	stileid.u32  }
0x9: {  	s6 =	simm.s32 $0x0;
	s17 =	simm.s32 $0x7800;
	s18 =	simm.s32 $0x3  }
0xa: {  	s19 =	simm.s32 $0x7FD0;
	s20 =	simm.s32 $0x7D;
	s21 =	simm.s32 $0x2800  }
0xb: {  	s22 =	simm.s32 $0x5000;
	s23 =	simm.s32 $0x1;
	s24 =	simm.s32 $0x2  }
0xc: {  	s25 =	simm.s32 $0x2780;
	s28 =	simm.s32 $0x7780;
	s31 =	simm.s32 $0x0  }
0xd: {  	s8 =	sand.u32 $0x1, s7;
	s10 =	smul.u32 $0x2800, s3;
	[smem:$0x7FF] =	sst s6  }
0xe: {  	s26 =	sadd.s32 $0xC000, s9;
	s29 =	sadd.s32 $0xC200, s9;
	s11 =	smul.u32 $0x28000, s8  }
0xf: {  	_ =	strace $0x80000047;
	[dreg:$0x8] =	wrdreg s26;
	s13 =	ssub.s32 $0x2, s8  }
0x10: {  	[dreg:$0x9] =	wrdreg s29;
	s30 =	sshrl.u32 s13, $0x1;
	s11 =	sadd.s32 s10, s11  }
0x11: {  	s26 =	simm.s32 $0x4F80;
	s16 =	ssub.s32 s13, s30;
	s14 =	sshrl.u32 s11, $0x3  }
0x12: {  	s16 =	smax.u32 s16, $0x1;
	s15 =	sadd.s32 s14, s9;
	s9 =	sadd.s32 s10, s4  }
0x13: {  	s10 =	sadd.s32 s10, s5;
	s11 =	sadd.s32 s0, s14;
	s12 =	sadd.s32 s12, s14  }
0x14: {  	s13 =	sadd.s32 $0xC800, s15;
	s14 =	sadd.s32 $0x20800, s15;
	s15 =	sadd.s32 $0x16800, s15  }
.LBB2_1:
0x15: {  	s0 =	rddreg [dreg:$0x8]  }
0x16: {  	[tilespmem:s17], [sflag:$0x3] =	stream.linear.gather [hbm4b:s0+s6], $0x7D0, $0x38;
	[tilespmem:$0xF7D0] =	vst v63  }
0x17: {  	_ =	swait.ge [sflag:s18], $0x7D0  }
0x18: {  	[sflag:s18] =	ssyncset.done $0x0  }
0x19: {  	s7 =	rddreg [dreg:$0x9];
	[sflag:s18] =	ssyncadd.s32 $0xFFFFF830  }
0x1a: {  	[tilespmem:s19], [sflag:$0x3] =	stream.linear.gather [hbm4b:s7+s6], $0x2800, $0x38;
	[tilespmem:$0xF7D0] =	vst v63  }
0x1b: {  	_ =	swait.ge [sflag:s18], $0x2800  }
0x1c: {  	[sflag:s18] =	ssyncset.done $0x0  }
0x1d: {  	[sflag:s18] =	ssyncadd.s32 $0xFFFFD800  }
0x1e: {  	[spmem:s9] =	stream.linear.scatter [tilespmem:s19], [sflag:$0x3], $0x2800, $0x38;
	[tilespmem:$0xF7D0] =	vst v63  }
0x1f: {  	_ =	swait.ge [sflag:s18], $0x2800  }
0x20: {  	[sflag:s18] =	ssyncset.done $0x0  }
0x21: {  	[sflag:s18] =	ssyncadd.s32 $0xFFFFD800  }
0x22: {  	[spmem:s10] =	stream.linear.scatter [tilespmem:s19], [sflag:$0x3], $0x2800, $0x38;
	[tilespmem:$0xF7D0] =	vst v63  }
0x23: {  	_ =	swait.ge [sflag:s18], $0x2800  }
0x24: {  	[sflag:s18] =	ssyncset.done $0x0  }
0x25: {  	[sflag:s18] =	ssyncadd.s32 $0xFFFFD800  }
0x26: {  	[bflag:$0x0] =	sbarrier.arrive $0xFFFF  }
0x27: {  	[tilespmem:s6], [sflag:$0x3] =	stream.linear.gather [hbm4b:s11+s6], $0x2800, $0x38;
	[tilespmem:$0xF7D0] =	vst v63  }
0x28: {  	_ =	swait.ge [sflag:s18], $0x2800  }
0x29: {  	[sflag:s18] =	ssyncset.done $0x0  }
0x2a: {  	[sflag:s18] =	ssyncadd.s32 $0xFFFFD800  }
0x2b: {  	[tilespmem:s21], [sflag:$0x1] =	stream.indirect.gather [hbm4b:s1+s20], $0x1, s6, s20, $0xb8;
	[tilespmem:$0xF7D0] =	vst v63  }
0x2c: {  	_ = 	snop  }
0x2d: {  	[tilespmem:s22], [sflag:$0x1] =	stream.indirect.gather [hbm4b:s2+s20], $0x1, s6, s20, $0xb8;
	[tilespmem:$0xF7D0] =	vst v63  }
0x2e: {  	_ =	swait.ge [sflag:s23], $0x7D  }
0x2f: {  	[sflag:s23] =	ssyncset.done $0x0  }
0x30: {  	[sflag:s23] =	ssyncadd.s32 $0xFFFFFF83  }
0x31: {  	_ =	swait.ge [sflag:s23], $0x7D  }
0x32: {  	[sflag:s23] =	ssyncset.done $0x0  }
0x33: {  	s3 =	simm.s32 $0x80;
	s0 =	simm.s32 $0x2880;
	[sflag:s23] =	ssyncadd.s32 $0xFFFFFF83  }
0x34: {  	[tilespmem:s0], [sflag:$0x2] =	stream.indirect.gather [hbm4b:s1+s20], $0x1, s3, s20, $0xb8;
	[tilespmem:$0xF7D0] =	vst v63  }
0x35: {  	s29 =	simm.s32 $0x5080  }
0x36: {  	[tilespmem:s29], [sflag:$0x2] =	stream.indirect.gather [hbm4b:s2+s20], $0x1, s3, s20, $0xb8;
	[tilespmem:$0xF7D0] =	vst v63  }
0x37: {  	s8 =	simm.s32 $0x2800  }
0x38: {  	[spmem:s4] =	stream.indirect.scatter.add.f32 [tilespmem:s17], [sflag:$0x3], $0x10, s8, s20, $0xb8;
	[tilespmem:$0xF7D0] =	vst v63  }
0x39: {  	_ =	swait.ge [sflag:s18], $0x7D0  }
0x3a: {  	[sflag:s18] =	ssyncset.done $0x0  }
0x3b: {  	s30 =	simm.s32 $0x5000;
	[sflag:s18] =	ssyncadd.s32 $0xFFFFF830  }
0x3c: {  	[spmem:s5] =	stream.indirect.scatter.add.f32 [tilespmem:s17], [sflag:$0x3], $0x10, s30, s20, $0xb8;
	[tilespmem:$0xF7D0] =	vst v63  }
0x3d: {  	_ =	swait.ge [sflag:s18], $0x7D0  }
0x3e: {  	[sflag:s18] =	ssyncset.done $0x0  }
0x3f: {  	[sflag:s18] =	ssyncadd.s32 $0xFFFFF830  }
0x40: {  	_ =	swait.ge [sflag:s24], $0x7D  }
0x41: {  	[sflag:s24] =	ssyncset.done $0x0  }
0x42: {  	[sflag:s24] =	ssyncadd.s32 $0xFFFFFF83  }
0x43: {  	_ =	swait.ge [sflag:s24], $0x7D  }
0x44: {  	[sflag:s24] =	ssyncset.done $0x0  }
0x45: {  	s7 =	simm.s32 $0x2900;
	s30 =	simm.s32 $0x100;
	[sflag:s24] =	ssyncadd.s32 $0xFFFFFF83  }
0x46: {  	[tilespmem:s7], [sflag:$0x1] =	stream.indirect.gather [hbm4b:s1+s20], $0x1, s30, s20, $0xb8;
	[tilespmem:$0xF7D0] =	vst v63  }
0x47: {  	s8 =	simm.s32 $0x5100  }
0x48: {  	[tilespmem:s8], [sflag:$0x1] =	stream.indirect.gather [hbm4b:s2+s20], $0x1, s30, s20, $0xb8;
	[tilespmem:$0xF7D0] =	vst v63  }
0x49: {  	_ = 	snop  }
0x4a: {  	[spmem:s4] =	stream.indirect.scatter.add.f32 [tilespmem:s17], [sflag:$0x3], $0x10, s0, s20, $0xb8;
	[tilespmem:$0xF7D0] =	vst v63  }
0x4b: {  	_ =	swait.ge [sflag:s18], $0x7D0  }
0x4c: {  	[sflag:s18] =	ssyncset.done $0x0  }
0x4d: {  	[sflag:s18] =	ssyncadd.s32 $0xFFFFF830  }
0x4e: {  	[spmem:s5] =	stream.indirect.scatter.add.f32 [tilespmem:s17], [sflag:$0x3], $0x10, s29, s20, $0xb8;
	[tilespmem:$0xF7D0] =	vst v63  }
0x4f: {  	_ =	swait.ge [sflag:s18], $0x7D0  }
0x50: {  	s0 =	simm.s32 $0x400;
	[sflag:s18] =	ssyncset.done $0x0  }
.LBB2_2:
0x51: {  	p0 =	sne.s32 s0, $0x9800  }
0x52: {  	[sflag:s18] =	ssyncadd.s32 $0xFFFFF830;
	s3 =	smov.u32 s0;
	s0 =	sadd.s32 $0x400, s0  }
0x53: {  	_ =	swait.ge [sflag:s23], $0x7D  }
0x54: {  	[sflag:s23] =	ssyncset.done $0x0  }
0x55: {  	[sflag:s23] =	ssyncadd.s32 $0xFFFFFF83  }
0x56: {  	_ =	swait.ge [sflag:s23], $0x7D  }
0x57: {  	s3 =	sshra.s32 s3, $0x2;
	[sflag:s23] =	ssyncset.done $0x0  }
0x58: {  	s29 =	sadd.s32 $0x2880, s3;
	s30 =	sadd.s32 $0x80, s3;
	[sflag:s23] =	ssyncadd.s32 $0xFFFFFF83  }
0x59: {  	[tilespmem:s29], [sflag:$0x2] =	stream.indirect.gather [hbm4b:s1+s20], $0x1, s30, s20, $0xb8;
	[tilespmem:$0xF7D0] =	vst v63  }
0x5a: {  	s7 =	sadd.s32 $0x5080, s3  }
0x5b: {  	[tilespmem:s7], [sflag:$0x2] =	stream.indirect.gather [hbm4b:s2+s20], $0x1, s30, s20, $0xb8;
	[tilespmem:$0xF7D0] =	vst v63  }
0x5c: {  	s30 =	sadd.s32 $0x2800, s3  }
0x5d: {  	[spmem:s4] =	stream.indirect.scatter.add.f32 [tilespmem:s17], [sflag:$0x3], $0x10, s30, s20, $0xb8;
	[tilespmem:$0xF7D0] =	vst v63  }
0x5e: {  	_ =	swait.ge [sflag:s18], $0x7D0  }
0x5f: {  	[sflag:s18] =	ssyncset.done $0x0  }
0x60: {  	s30 =	sadd.s32 $0x5000, s3;
	[sflag:s18] =	ssyncadd.s32 $0xFFFFF830  }
0x61: {  	[spmem:s5] =	stream.indirect.scatter.add.f32 [tilespmem:s17], [sflag:$0x3], $0x10, s30, s20, $0xb8;
	[tilespmem:$0xF7D0] =	vst v63  }
0x62: {  	_ =	swait.ge [sflag:s18], $0x7D0  }
0x63: {  	[sflag:s18] =	ssyncset.done $0x0  }
0x64: {  	[sflag:s18] =	ssyncadd.s32 $0xFFFFF830  }
0x65: {  	_ =	swait.ge [sflag:s24], $0x7D  }
0x66: {  	[sflag:s24] =	ssyncset.done $0x0  }
0x67: {  	[sflag:s24] =	ssyncadd.s32 $0xFFFFFF83  }
0x68: {  	_ =	swait.ge [sflag:s24], $0x7D  }
0x69: {  	[sflag:s24] =	ssyncset.done $0x0  }
0x6a: {  	s8 =	sadd.s32 $0x100, s3;
	s30 =	sadd.s32 $0x2900, s3;
	[sflag:s24] =	ssyncadd.s32 $0xFFFFFF83  }
0x6b: {  	[tilespmem:s30], [sflag:$0x1] =	stream.indirect.gather [hbm4b:s1+s20], $0x1, s8, s20, $0xb8;
	[tilespmem:$0xF7D0] =	vst v63  }
0x6c: {  	s3 =	sadd.s32 $0x5100, s3  }
0x6d: {  	[tilespmem:s3], [sflag:$0x1] =	stream.indirect.gather [hbm4b:s2+s20], $0x1, s8, s20, $0xb8;
	[tilespmem:$0xF7D0] =	vst v63  }
0x6e: {  	_ = 	snop  }
0x6f: {  	[spmem:s4] =	stream.indirect.scatter.add.f32 [tilespmem:s17], [sflag:$0x3], $0x10, s29, s20, $0xb8;
	[tilespmem:$0xF7D0] =	vst v63  }
0x70: {  	_ =	swait.ge [sflag:s18], $0x7D0  }
.Ltmp0:
0x71: {  	[sflag:s18] =	ssyncset.done $0x0;
	(pc) =	sbr.rel @p0 .LBB2_2-.Ltmp0, $4  }
0x72: {  	[sflag:s18] =	ssyncadd.s32 $0xFFFFF830  }
0x73: {  	[spmem:s5] =	stream.indirect.scatter.add.f32 [tilespmem:s17], [sflag:$0x3], $0x10, s7, s20, $0xb8;
	[tilespmem:$0xF7D0] =	vst v63  }
0x74: {  	_ =	swait.ge [sflag:s18], $0x7D0  }
0x75: {  	[sflag:s18] =	ssyncset.done $0x0  }
0x76: {  	[sflag:s18] =	ssyncadd.s32 $0xFFFFF830  }
0x77: {  	_ =	swait.ge [sflag:s23], $0x7D  }
0x78: {  	[sflag:s23] =	ssyncset.done $0x0  }
0x79: {  	[sflag:s23] =	ssyncadd.s32 $0xFFFFFF83  }
0x7a: {  	_ =	swait.ge [sflag:s23], $0x7D  }
0x7b: {  	[sflag:s23] =	ssyncset.done $0x0  }
0x7c: {  	[sflag:s23] =	ssyncadd.s32 $0xFFFFFF83  }
0x7d: {  	[tilespmem:s26], [sflag:$0x2] =	stream.indirect.gather [hbm4b:s1+s20], $0x1, s25, s20, $0xb8;
	[tilespmem:$0xF7D0] =	vst v63  }
0x7e: {  	_ = 	snop  }
0x7f: {  	[tilespmem:s28], [sflag:$0x2] =	stream.indirect.gather [hbm4b:s2+s20], $0x1, s25, s20, $0xb8;
	[tilespmem:$0xF7D0] =	vst v63  }
0x80: {  	s0 =	simm.s32 $0x4F00  }
0x81: {  	[spmem:s4] =	stream.indirect.scatter.add.f32 [tilespmem:s17], [sflag:$0x3], $0x10, s0, s20, $0xb8;
	[tilespmem:$0xF7D0] =	vst v63  }
0x82: {  	_ =	swait.ge [sflag:s18], $0x7D0  }
0x83: {  	[sflag:s18] =	ssyncset.done $0x0  }
0x84: {  	s8 =	simm.s32 $0x7700;
	[sflag:s18] =	ssyncadd.s32 $0xFFFFF830  }
0x85: {  	[spmem:s5] =	stream.indirect.scatter.add.f32 [tilespmem:s17], [sflag:$0x3], $0x10, s8, s20, $0xb8;
	[tilespmem:$0xF7D0] =	vst v63  }
0x86: {  	_ =	swait.ge [sflag:s18], $0x7D0  }
0x87: {  	[sflag:s18] =	ssyncset.done $0x0  }
0x88: {  	[sflag:s18] =	ssyncadd.s32 $0xFFFFF830  }
0x89: {  	_ =	swait.ge [sflag:s24], $0x7D  }
0x8a: {  	[sflag:s24] =	ssyncset.done $0x0  }
0x8b: {  	[sflag:s24] =	ssyncadd.s32 $0xFFFFFF83  }
0x8c: {  	_ =	swait.ge [sflag:s24], $0x7D  }
0x8d: {  	[sflag:s24] =	ssyncset.done $0x0  }
0x8e: {  	[sflag:s24] =	ssyncadd.s32 $0xFFFFFF83  }
0x8f: {  	[spmem:s4] =	stream.indirect.scatter.add.f32 [tilespmem:s17], [sflag:$0x3], $0x10, s26, s20, $0xb8;
	[tilespmem:$0xF7D0] =	vst v63  }
0x90: {  	_ =	swait.ge [sflag:s18], $0x7D0  }
0x91: {  	[sflag:s18] =	ssyncset.done $0x0  }
0x92: {  	[sflag:s18] =	ssyncadd.s32 $0xFFFFF830  }
0x93: {  	[spmem:s5] =	stream.indirect.scatter.add.f32 [tilespmem:s17], [sflag:$0x3], $0x10, s28, s20, $0xb8;
	[tilespmem:$0xF7D0] =	vst v63  }
0x94: {  	_ =	swait.ge [sflag:s18], $0x7D0  }
0x95: {  	[sflag:s18] =	ssyncset.done $0x0  }
0x96: {  	[sflag:s18] =	ssyncadd.s32 $0xFFFFF830  }
0x97: {  	[hbm4b:s12+s6] =	stream.linear.scatter [tilespmem:s21], [sflag:$0x3], $0x2800, $0x38;
	[tilespmem:$0xF7D0] =	vst v63  }
0x98: {  	_ =	swait.ge [sflag:s18], $0x2800  }
0x99: {  	[sflag:s18] =	ssyncset.done $0x0  }
0x9a: {  	[sflag:s18] =	ssyncadd.s32 $0xFFFFD800  }
0x9b: {  	[hbm4b:s13+s6] =	stream.linear.scatter [tilespmem:s22], [sflag:$0x3], $0x2800, $0x38;
	[tilespmem:$0xF7D0] =	vst v63  }
0x9c: {  	_ =	swait.ge [sflag:s18], $0x2800  }
0x9d: {  	s29 =	stileid.u32;
	[sflag:s18] =	ssyncset.done $0x0  }
0x9e: {  	s0 =	sshll.u32 s29, $0x6;
	[sflag:s18] =	ssyncadd.s32 $0xFFFFD800  }
0x9f: {  	s3 =	sshrl.u32 s9, $0x3;
	s0 =	sor.u32 $0x1C03, s0;
	[bflag:$0x0] =	sbarrier.arrive $0xFFFF  }
0xa0: {  	[hbm:s14], [sflag:s0] =	dma.local [spmem:s3], $0x500  }
0xa1: {  	s31 =	sadd.s32 $0x1, s31;
	_ =	swait.ge [sflag:s18], $0x500  }
0xa2: {  	p0 =	sne.s32 s31, s16;
	[sflag:s18] =	ssyncset.done $0x0  }
.Ltmp1:
0xa3: {  	s30 =	sshrl.u32 s10, $0x3;
	[sflag:s18] =	ssyncadd.s32 $0xFFFFFB00;
	(pc) =	sbr.rel @p0 .LBB2_1-.Ltmp1, $4  }
0xa4: {  	[hbm:s15], [sflag:s0] =	dma.local [spmem:s30], $0x500  }
0xa5: {  	_ =	swait.ge [sflag:s18], $0x500  }
0xa6: {  	[sflag:s18] =	ssyncset.done $0x0  }
0xa7: {  	[sflag:s18] =	ssyncadd.s32 $0xFFFFFB00  }
0xa8: {  	_ =	sfence.sel $0x180000  }
0xa9: {  	[bflag:$0x0] =	sbarrier.arrive $0xFFFF  }
0xaa: {  	_ =	strace $0x90000047  }
0xab: {  	s0 =	stileid.u32;
	[bflag:$0x2] =	sbarrier.arrive $0xFFFF  }
0xac: {  	p0 =	sne.s32 s0, $0x0;
	s0 =	rddreg [dreg:$0x7]  }
0xad: {  	s0 =	sadd.s32 @!p0 $0x100000, s0  }
0xae: {  	[sflag:s0] =	ssyncadd.tile.s32 @!p0 $0x1;
	_ =	shalt  }
.Lfunc_end2:
_tile_overlayer_lowered:
.L_overlay_start_2:
0xaf: {  	(tag) =	ssettag $0x2  }
0xb0: {  	s0 =	rddreg [dreg:$0x0];
	s2 =	stileid.u32  }
0xb1: {  	s1 =	rddreg [dreg:$0x1];
	p0 =	sne.s32 s2, $0x0  }
0xb2: {  	s3 =	rddreg [dreg:$0x2];
	[bflag:$0x3] =	sbarrier.arrive $0xFFFF;
	s2 =	simm.s32 @!p0 $0x1C03  }
0xb3: {  	[timem:s3], [sflag:s2] =	dma.local @!p0 [hbm:s0], s1  }
0xb4: {  	s0 =	simm.s32 @!p0 $0x3  }
0xb5: {  	_ =	swait.ge @!p0 [sflag:s0], s1  }
0xb6: {  	s1 =	ssub.s32 @!p0 $0x0, s1;
	[sflag:s0] =	ssyncset.done @!p0 $0x0  }
0xb7: {  	[sflag:s0] =	ssyncadd.s32 @!p0 s1  }
0xb8: {  	[bflag:$0x3] =	sbarrier.arrive $0xFFFF  }
0xb9: {  	_ =	shalt  }

// kernel: kernel.16.cloned.1.call-start
scs
__scs_entry_jumppad:
0x0: {  	(pc) =	sbr.rel $0x88, $3  }
0x1: {  	(tag) =	ssettag $0x0;
	lr =	simm.s32 $0x1  }
0x2: {  	[smem:$0x3F87] =	sst lr;
	_ =	strace $0xD0000000  }
0x3: {  	_ = 	snop  }
0x4: {  	_ = 	snop  }
0x5: {  	_ = 	snop  }
0x6: {  	_ = 	snop  }
0x7: {  	_ = 	snop  }
__scs_overlays_trampoline_lowered:
0x8: {  	[smem:$0x3F96] =	sst s0  }
0x9: {  	[smem:$0x3F97] =	sst s1  }
0xa: {  	[smem:$0x3F98] =	sst s2  }
0xb: {  	[smem:$0x3F99] =	sst s3  }
0xc: {  	[smem:$0x3F9A] =	sst s4  }
0xd: {  	[smem:$0x3F9B] =	sst s5  }
0xe: {  	[smem:$0x3F9C] =	sst s6  }
0xf: {  	[smem:$0x3F9D] =	sst s7  }
0x10: {  	[smem:$0x3F9E] =	sst s8  }
0x11: {  	[smem:$0x3F9F] =	sst s9;
	s0 =	simm.s32 @!p0 $0x0  }
0x12: {  	s1 =	sld [smem:$0x3F85];
	s0 =	simm.s32 @p0 $0x1  }
0x13: {  	[smem:$0x3FA0] =	sst s0;
	s0 =	simm.s32 @!p1 $0x0  }
0x14: {  	s2 =	sld [smem:$0x3F84];
	s0 =	simm.s32 @p1 $0x1  }
0x15: {  	[smem:$0x3FA1] =	sst s0;
	s0 =	simm.s32 @!p2 $0x0  }
0x16: {  	s3 =	sld [smem:$0x3FDB];
	s0 =	simm.s32 @p2 $0x1  }
0x17: {  	s4 =	simm.s32 $0x1BF5;
	[smem:$0x3FA3] =	sst s0  }
0x18: {  	s0 =	sld [smem:$0x3F86];
	_ =	swait.ge [sflag:s4], $0x0  }
0x19: {  	s7 =	sld [smem:$0x3F87]  }
0x1a: {  	s8 =	sadd.s32 $0xFFFFE003, lr  }
0x1b: {  	s9 =	sadd.s32 $0xFFFFFEF7, lr;
	s5 =	simm.s32 $0xFFFFFFFF;
	p2 =	slt.u32 s8, $0xFFFFF086  }
0x1c: {  	p1 =	slt.u32 s9, $0xF7A;
	s5 =	simm.s32 @!p2 $0x0  }
0x1d: {  	s5 =	simm.s32 @p1 $0x1;
	p0 =	seq.s32 s7, s2  }
0x1e: {  	s7 =	smul.u32 @!p0 $0xF7A, s2;
	p2 =	seq.s32 @!p0 s5, $0x0  }
0x1f: {  	s9 =	smul.u32 $0xF7A, s1;
	s8 =	simm.s32 @!p0 $0x1BF5;
	p2 =	por !p2, p0  }
0x20: {  	[sflag:s8] =	ssyncset.s32 @!p0 $0xFFFFF086;
	s6 =	sadd.s32 @!p0 s3, s7;
	s7 =	simm.s32 @!p0 $0x108  }
0x21: {  	s3 =	sadd.s32 s3, s9;
	s6 =	sadd.s32 @!p0 $0x88, s6;
	s7 =	simm.s32 @p2 $0x1082  }
0x22: {  	[simem:s7], [sflag:s8] =	dma.local @!p0 [hbm:s6], $0xF7A  }
0x23: {  	s9 =	sor.u32 $0xD0000000, s2;
	s6 =	simm.s32 $0x108;
	_ =	swait.ge @!p0 [sflag:s8], $0x0  }
0x24: {  	s3 =	sadd.s32 $0x88, s3;
	s6 =	simm.s32 @!p1 $0x1082;
	[sflag:s4] =	ssyncset.s32 $0xFFFFF086  }
0x25: {  	[simem:s6], [sflag:s4] =	dma.local [hbm:s3], $0xF7A  }
0x26: {  	[smem:$0x3F87] =	sst s1;
	(tag) =	ssettag s2;
	_ =	strace s9  }
0x27: {  	s1 =	sld [smem:$0x3F97]  }
0x28: {  	s2 =	sld [smem:$0x3F98]  }
0x29: {  	s4 =	sld [smem:$0x3F9A]  }
0x2a: {  	p0 =	seq.s32 s5, $0x0;
	s5 =	sld [smem:$0x3F9B]  }
0x2b: {  	s6 =	sld [smem:$0x3F9C]  }
0x2c: {  	s7 =	sld [smem:$0x3F9D]  }
0x2d: {  	s3 =	simm.s32 $0x108;
	s8 =	sld [smem:$0x3F9E]  }
0x2e: {  	s3 =	simm.s32 @!p0 $0x1082;
	s9 =	sld [smem:$0x3F9F]  }
0x2f: {  	lr =	sadd.s32 s0, s3;
	s0 =	sld [smem:$0x3F96]  }
0x30: {  	s3 =	sld [smem:$0x3F99]  }
0x31: {  	[smem:$0x3FA2] =	sst s10  }
0x32: {  	s10 =	sld [smem:$0x3FA0];
	_ =	sdelay $0x3  }
0x33: {  	p0 =	seq.s32 s10, $0x1;
	s10 =	sld [smem:$0x3FA2];
	_ =	sdelay $0x3  }
0x34: {  	[smem:$0x3FA2] =	sst s10  }
0x35: {  	s10 =	sld [smem:$0x3FA1];
	_ =	sdelay $0x3  }
0x36: {  	p1 =	seq.s32 s10, $0x1;
	s10 =	sld [smem:$0x3FA2];
	_ =	sdelay $0x3  }
0x37: {  	[smem:$0x3FA2] =	sst s10  }
0x38: {  	s10 =	sld [smem:$0x3FA3]  }
0x39: {  	_ = 	snop;
	(pc) =	sbr.ind lr, $3  }
0x3a: {  	_ = 	snop  }
0x3b: {  	_ = 	snop  }
0x3c: {  	p2 =	seq.s32 s10, $0x1;
	s10 =	sld [smem:$0x3FA2]  }
0x3d: {  	_ =	shalt  }
0x3e: {  	_ =	shalt  }
0x3f: {  	_ =	shalt  }
0x40: {  	_ =	shalt  }
0x41: {  	_ =	shalt  }
0x42: {  	_ =	shalt  }
0x43: {  	_ =	shalt  }
0x44: {  	_ =	shalt  }
0x45: {  	_ =	shalt  }
0x46: {  	_ =	shalt  }
0x47: {  	_ =	shalt  }
0x48: {  	_ =	shalt  }
0x49: {  	_ =	shalt  }
0x4a: {  	_ =	shalt  }
0x4b: {  	_ =	shalt  }
0x4c: {  	_ =	shalt  }
0x4d: {  	_ =	shalt  }
0x4e: {  	_ =	shalt  }
0x4f: {  	_ =	shalt  }
0x50: {  	_ =	shalt  }
0x51: {  	_ =	shalt  }
0x52: {  	_ =	shalt  }
0x53: {  	_ =	shalt  }
0x54: {  	_ =	shalt  }
0x55: {  	_ =	shalt  }
0x56: {  	_ =	shalt  }
0x57: {  	_ =	shalt  }
0x58: {  	_ =	shalt  }
0x59: {  	_ =	shalt  }
0x5a: {  	_ =	shalt  }
0x5b: {  	_ =	shalt  }
0x5c: {  	_ =	shalt  }
0x5d: {  	_ =	shalt  }
0x5e: {  	_ =	shalt  }
0x5f: {  	_ =	shalt  }
0x60: {  	_ =	shalt  }
0x61: {  	_ =	shalt  }
0x62: {  	_ =	shalt  }
0x63: {  	_ =	shalt  }
0x64: {  	_ =	shalt  }
0x65: {  	_ =	shalt  }
0x66: {  	_ =	shalt  }
0x67: {  	_ =	shalt  }
0x68: {  	_ =	shalt  }
0x69: {  	_ =	shalt  }
0x6a: {  	_ =	shalt  }
0x6b: {  	_ =	shalt  }
0x6c: {  	_ =	shalt  }
0x6d: {  	_ =	shalt  }
0x6e: {  	_ =	shalt  }
0x6f: {  	_ =	shalt  }
0x70: {  	_ =	shalt  }
0x71: {  	_ =	shalt  }
0x72: {  	_ =	shalt  }
0x73: {  	_ =	shalt  }
0x74: {  	_ =	shalt  }
0x75: {  	_ =	shalt  }
0x76: {  	_ =	shalt  }
0x77: {  	_ =	shalt  }
0x78: {  	_ =	shalt  }
0x79: {  	_ =	shalt  }
0x7a: {  	_ =	shalt  }
0x7b: {  	_ =	shalt  }
0x7c: {  	_ =	shalt  }
0x7d: {  	_ =	shalt  }
0x7e: {  	_ =	shalt  }
0x7f: {  	_ =	shalt  }
0x80: {  	_ =	shalt  }
0x81: {  	_ =	shalt  }
0x82: {  	_ =	shalt  }
0x83: {  	_ =	shalt  }
0x84: {  	_ =	shalt  }
0x85: {  	_ =	shalt  }
0x86: {  	_ =	shalt  }
0x87: {  	_ =	shalt  }
.Lfunc_end0:
.L_simem_size_0:
called_computation.1_lowered:
.L_overlay_start_0:
0x88: {  	s2 =	sld [smem:$0x3FD9]  }
0x89: {  	s3 =	sld [smem:$0x3FFE];
	_ =	sdelay $0x1  }
0x8a: {  	s1 =	srdreg.scid  }
0x8b: {  	s0 =	sand.u32 $0x1, s1  }
0x8c: {  	s16 =	sshll.u32 s0, $0xA;
	s2 =	sadd.s32 s3, s2  }
0x8d: {  	s2 =	sadd.s32 s2, s16  }
0x8e: {  	[smem:$0x3FAE] =	sst s2  }
0x8f: {  	_ = 	snop  }
0x90: {  	(tm) =	ssettm $0x1  }
0x91: {  	s17 =	sld [smem:$0x3FFB];
	_ =	sdelay $0x3  }
0x92: {  	_ =	strace s17  }
0x93: {  	s2 =	sld [smem:$0x3FFC];
	_ =	sdelay $0x3  }
0x94: {  	_ =	strace s2  }
0x95: {  	s2 =	sld [smem:$0x3FFD];
	_ =	sdelay $0x3  }
0x96: {  	_ =	strace s2  }
0x97: {  	_ =	strace $0x8FFFFFFF  }
0x98: {  	s18 =	sld [smem:$0x3FDB];
	_ =	sdelay $0x1  }
0x99: {  	s19 =	simm.s32 $_scs_section_size  }
0x9a: {  	s4 =	simm.s32 $_size__tile_overlayer_lowered;
	s5 =	simm.s32 $_tile_overlayer_lowered  }
0x9b: {  	s22 =	simm.s32 $0x1BFF;
	s21 =	sshll.u32 s5, $0x1;
	s2 =	sadd.s32 s19, s18  }
0x9c: {  	s6 =	simm.s32 $0x0;
	s20 =	sshll.u32 s4, $0x1;
	s4 =	sadd.s32 s21, s2  }
0x9d: {  	[timem:s6], [sflag:s22] =	dma.local [hbm:s4], s20  }
0x9e: {  	_ =	swait.ge [sflag:s22], s20  }
0x9f: {  	s3 =	ssub.s32 $0x0, s20;
	[sflag:s22] =	ssyncset.done $0x0  }
0xa0: {  	[sflag:s22] =	ssyncadd.s32 s3;
	_ =	sdelay $0x1  }
0xa1: {  	s23 =	simm.s32 $0x1B8B  }
0xa2: {  	_ =	swait.ge [sflag:s23], $0x1  }
0xa3: {  	[sflag:s23] =	ssyncset.done $0x0  }
0xa4: {  	s25 =	simm.s32 $0x1B8E;
	s24 =	sld [smem:$0x3FFE];
	[sflag:s23] =	ssyncadd.s32 $0xFFFFFFFF  }
0xa5: {  	s26 =	simm.s32 $execute0_lowered;
	[smem:$0x3FD2] =	sst s25  }
0xa6: {  	s4 =	sshll.u32 s26, $0x1;
	_ =	strace $0x80000049;
	[dreg:$0x1] =	wrdreg $0xFFFFFFFF  }
0xa7: {  	s28 =	simm.s32 $_size_execute0_lowered;
	s2 =	sadd.s32 s2, s4;
	[dreg:$0x0] =	wrdreg $0x0  }
0xa8: {  	s4 =	sshll.u32 s28, $0x1;
	[dreg:$0x2] =	wrdreg s2  }
0xa9: {  	[dreg:$0x3] =	wrdreg s4  }
0xaa: {  	[dreg:$0x4] =	wrdreg $0xC0  }
0xab: {  	_ =	task [dreg:s6], $0x5FFFF  }
0xac: {  	[dreg:$0x1] =	wrdreg $0xFFFFFFFF  }
0xad: {  	[dreg:$0x0] =	wrdreg $0x60  }
0xae: {  	[dreg:$0x2] =	wrdreg s24  }
0xaf: {  	[dreg:$0x3] =	wrdreg $0x76C00  }
0xb0: {  	[dreg:$0x4] =	wrdreg $0x9  }
0xb1: {  	_ =	task.clear_ibuf [dreg:s6], $0x5FFFF;
	_ =	strace $0x90000049  }
0xb2: {  	s29 =	simm.s32 $0x9;
	_ =	strace $0x8000004B  }
0xb3: {  	_ =	swait.ge [sflag:s29], $0x1  }
0xb4: {  	[sflag:s29] =	ssyncadd.s32 $0xFFFFFFFF  }
0xb5: {  	_ =	strace $0x9000004B  }
0xb6: {  	_ =	sfence  }
0xb7: {  	s30 =	sld [smem:$0x0];
	_ =	sdelay $0x2  }
0xb8: {  	s31 =	sshll.u32 s1, $0xD;
	s1 =	sshrl.u32 s1, $0x2  }
0xb9: {  	s3 =	sand.u32 $0x4000, s31;
	s1 =	sadd.s32 s1, s30  }
0xba: {  	s0 =	sor.u32 s3, s0;
	s1 =	sshll.u32 s1, $0x11  }
0xbb: {  	s0 =	sor.u32 s1, s0  }
0xbc: {  	s0 =	sadd.s32 $0x8F2B, s0  }
0xbd: {  	[sflag:s0] =	ssyncadd.remote.s32 $0x1  }
0xbe: {  	_ =	sfence.sel $0xFFFF  }
0xbf: {  	[dreg:$0x0] =	wrdreg $0xFFFFFFFF;
	(pc) =	sbr.abs _section_cstart, $3  }
0xc0: {  	[dreg:$0x1] =	wrdreg $0xFFFFFFFF  }
0xc1: {  	_ =	task.clear_ibuf [dreg:s6], $0x2FFFF;
	_ =	strace $0x9FFFFFFF  }
0xc2: {  	(tm) =	ssettm $0x7FFFFFFF  }
0xc3: {  	_ =	shalt  }
tec
execute0_lowered:
.L_overlay_start_1:
0x0: {  	(tag) =	ssettag $0x1  }
0x1: {  	s7 =	rddreg [dreg:$0x0]  }
0x2: {  	s0 =	srdreg.scid;
	s2 =	rddreg [dreg:$0x1]  }
0x3: {  	s1 =	rddreg [dreg:$0x2];
	s3 =	simm.s32 $0x0;
	s16 =	simm.s32 $0x50  }
0x4: {  	s17 =	simm.s32 $0x4E20;
	s18 =	simm.s32 $0x4EC0;
	s19 =	simm.s32 $0x1  }
0x5: {  	s20 =	simm.s32 $0x4E70;
	s21 =	simm.s32 $0x62C0;
	s9 =	sand.u32 $0x1, s0  }
0x6: {  	s22 =	simm.s32 $0x2;
	s0 =	stileid.u32;
	s5 =	smul.u32 $0x27100, s9  }
0x7: {  	s24 =	simm.s32 $0x26C0;
	s25 =	simm.s32 $0x0;
	s6 =	smul.u32 $0x2710, s0  }
0x8: {  	[smem:$0x7FF] =	sst s3;
	s4 =	sadd.s32 $0x66A00, s7;
	s8 =	smul.u32 $0x13C00, s0  }
0x9: {  	s10 =	smul.u32 $0x13C000, s9;
	_ =	strace $0x8000004A;
	s12 =	ssub.s32 $0x2, s9  }
0xa: {  	s23 =	smul.u32 $0x2710, s9;
	s14 =	sshll.u32 s0, $0x6;
	s31 =	sshrl.u32 s12, $0x1  }
0xb: {  	s14 =	sor.u32 $0x1C03, s14;
	s6 =	sadd.s32 s6, s5;
	s5 =	sadd.s32 $0x3F800, s7  }
0xc: {  	s10 =	sadd.s32 s8, s10;
	s12 =	ssub.s32 s12, s31;
	s13 =	sshrl.u32 s8, $0x1  }
0xd: {  	v0 =	vmov s23;
	s23 =	simm.s32 $0x4DD0;
	s6 =	sshrl.u32 s6, $0x3;
	s10 =	sshrl.u32 s10, $0x4  }
0xe: {  	s15 =	sadd.s32 s13, s2;
	s13 =	simm.s32 $0x2710;
	s11 =	sadd.s32 s6, s7  }
0xf: {  	s6 =	sadd.s32 $0x2A800, s7;
	s10 =	sadd.s32 s10, s7;
	s15 =	sshrl.u32 s15, $0x3  }
0x10: {  	s7 =	sadd.s32 $0x2BC00, s11;
	s8 =	sadd.s32 $0x35A00, s11;
	s9 =	sadd.s32 $0xB5400, s10  }
0x11: {  	s10 =	sadd.s32 $0x8DC00, s10;
	s11 =	smax.u32 s12, $0x1;
	s12 =	simm.s32 $0x3  }
.LBB2_1:
0x12: {  	[tilespmem:s3], [sflag:$0x3] =	stream.linear.gather [hbm4b:s7+s3], $0x2710, $0x38;
	[tilespmem:$0x114C0] =	vst v63  }
0x13: {  	_ =	swait.ge [sflag:s12], $0x2710  }
0x14: {  	[sflag:s12] =	ssyncset.done $0x0  }
0x15: {  	[sflag:s12] =	ssyncadd.s32 $0xFFFFD8F0  }
0x16: {  	[tilespmem:s13], [sflag:$0x3] =	stream.linear.gather [hbm4b:s8+s3], $0x2710, $0x38;
	[tilespmem:$0x114C0] =	vst v63  }
0x17: {  	_ =	swait.ge [sflag:s12], $0x2710  }
0x18: {  	[sflag:s12] =	ssyncset.done $0x0  }
0x19: {  	[sflag:s12] =	ssyncadd.s32 $0xFFFFD8F0  }
0x1a: {  	[spmem:s15], [sflag:s14] =	dma.local [hbm:s6], $0x13C0  }
0x1b: {  	_ =	swait.ge [sflag:s12], $0x13C0  }
0x1c: {  	[sflag:s12] =	ssyncset.done $0x0  }
0x1d: {  	[sflag:s12] =	ssyncadd.s32 $0xFFFFEC40  }
0x1e: {  	[bflag:$0x0] =	sbarrier.arrive $0xFFFF  }
0x1f: {  	v1 =	vld [tilespmem:$0x0]  }
0x20: {  	v2 =	vld [tilespmem:$0x10]  }
0x21: {  	v3 =	vld [tilespmem:$0x20]  }
0x22: {  	v4 =	vld [tilespmem:$0x30]  }
0x23: {  	v5 =	vld [tilespmem:$0x40]  }
0x24: {  	v1 =	vadd.s32 v0, v1  }
0x25: {  	[tilespmem:$0x4E20] =	vst v1;
	v1 =	vadd.s32 v0, v2  }
0x26: {  	[tilespmem:$0x4E30] =	vst v1;
	v1 =	vadd.s32 v0, v3  }
0x27: {  	[tilespmem:$0x4E40] =	vst v1;
	v1 =	vadd.s32 v0, v4  }
0x28: {  	[tilespmem:$0x4E50] =	vst v1;
	v1 =	vadd.s32 v0, v5  }
0x29: {  	[tilespmem:$0x4E60] =	vst v1  }
0x2a: {  	[tilespmem:s18], [sflag:$0x1] =	stream.indirect.gather [hbm4b:s4+s16], $0x40, s17, s16, $0xb8;
	[tilespmem:$0x114C0] =	vst v63  }
0x2b: {  	_ =	swait.ge [sflag:s19], $0x1400  }
0x2c: {  	[sflag:s19] =	ssyncset.done $0x0  }
0x2d: {  	s26 =	simm.s32 $0x0;
	[sflag:s19] =	ssyncadd.s32 $0xFFFFEC00  }
0x2e: {  	v1 =	vld [tilespmem:s26+$0x50];
	_ =	sdelay $0x4  }
0x2f: {  	v1 =	vadd.s32 v0, v1  }
0x30: {  	[tilespmem:$0x4E70] =	vst v1  }
0x31: {  	v1 =	vld [tilespmem:s26+$0x60];
	_ =	sdelay $0x4  }
0x32: {  	v1 =	vadd.s32 v0, v1  }
0x33: {  	[tilespmem:$0x4E80] =	vst v1  }
0x34: {  	v1 =	vld [tilespmem:s26+$0x70];
	_ =	sdelay $0x4  }
0x35: {  	v1 =	vadd.s32 v0, v1  }
0x36: {  	[tilespmem:$0x4E90] =	vst v1  }
0x37: {  	v1 =	vld [tilespmem:s26+$0x80];
	_ =	sdelay $0x4  }
0x38: {  	v1 =	vadd.s32 v0, v1  }
0x39: {  	[tilespmem:$0x4EA0] =	vst v1  }
0x3a: {  	v1 =	vld [tilespmem:s26+$0x90];
	_ =	sdelay $0x4  }
0x3b: {  	v1 =	vadd.s32 v0, v1  }
0x3c: {  	[tilespmem:$0x4EB0] =	vst v1  }
0x3d: {  	[tilespmem:s21], [sflag:$0x2] =	stream.indirect.gather [hbm4b:s4+s16], $0x40, s20, s16, $0xb8;
	[tilespmem:$0x114C0] =	vst v63  }
0x3e: {  	s28 =	simm.s32 $0x2710  }
0x3f: {  	[spmem:s2] =	stream.indirect.scatter.add.bf16 [tilespmem:s18], [sflag:$0x3], $0x40, s28, s16, $0xb8;
	[tilespmem:$0x114C0] =	vst v63  }
0x40: {  	_ =	swait.ge [sflag:s12], $0x1400  }
0x41: {  	[sflag:s12] =	ssyncset.done $0x0  }
0x42: {  	[sflag:s12] =	ssyncadd.s32 $0xFFFFEC00  }
0x43: {  	_ =	swait.ge [sflag:s22], $0x1400  }
0x44: {  	[sflag:s22] =	ssyncset.done $0x0  }
0x45: {  	[sflag:s22] =	ssyncadd.s32 $0xFFFFEC00  }
0x46: {  	v1 =	vld [tilespmem:s26+$0xA0];
	_ =	sdelay $0x4  }
0x47: {  	v1 =	vadd.s32 v0, v1  }
0x48: {  	[tilespmem:$0x4E20] =	vst v1  }
0x49: {  	v1 =	vld [tilespmem:s26+$0xB0];
	_ =	sdelay $0x4  }
0x4a: {  	v1 =	vadd.s32 v0, v1  }
0x4b: {  	[tilespmem:$0x4E30] =	vst v1  }
0x4c: {  	v1 =	vld [tilespmem:s26+$0xC0];
	_ =	sdelay $0x4  }
0x4d: {  	v1 =	vadd.s32 v0, v1  }
0x4e: {  	[tilespmem:$0x4E40] =	vst v1  }
0x4f: {  	v1 =	vld [tilespmem:s26+$0xD0];
	_ =	sdelay $0x4  }
0x50: {  	v1 =	vadd.s32 v0, v1  }
0x51: {  	[tilespmem:$0x4E50] =	vst v1  }
0x52: {  	v1 =	vld [tilespmem:s26+$0xE0];
	_ =	sdelay $0x4  }
0x53: {  	v1 =	vadd.s32 v0, v1  }
0x54: {  	[tilespmem:$0x4E60] =	vst v1  }
0x55: {  	[tilespmem:s18], [sflag:$0x1] =	stream.indirect.gather [hbm4b:s4+s16], $0x40, s17, s16, $0xb8;
	[tilespmem:$0x114C0] =	vst v63  }
0x56: {  	s31 =	simm.s32 $0x2760  }
0x57: {  	[spmem:s2] =	stream.indirect.scatter.add.bf16 [tilespmem:s21], [sflag:$0x3], $0x40, s31, s16, $0xb8;
	[tilespmem:$0x114C0] =	vst v63  }
0x58: {  	_ =	swait.ge [sflag:s12], $0x1400  }
0x59: {  	s26 =	simm.s32 $0x280;
	[sflag:s12] =	ssyncset.done $0x0  }
.LBB2_2:
0x5a: {  	p0 =	sne.s32 s26, $0x9880  }
0x5b: {  	[sflag:s12] =	ssyncadd.s32 $0xFFFFEC00;
	s28 =	smov.u32 s26;
	s26 =	sadd.s32 $0x280, s26  }
0x5c: {  	_ = 	snop  }
0x5d: {  	_ =	swait.ge [sflag:s19], $0x1400  }
0x5e: {  	[sflag:s19] =	ssyncset.done $0x0  }
0x5f: {  	s28 =	sshra.s32 s28, $0x2;
	[sflag:s19] =	ssyncadd.s32 $0xFFFFEC00  }
0x60: {  	v1 =	vld [tilespmem:s28+$0x50];
	_ =	sdelay $0x4  }
0x61: {  	v1 =	vadd.s32 v0, v1  }
0x62: {  	[tilespmem:$0x4E70] =	vst v1  }
0x63: {  	v1 =	vld [tilespmem:s28+$0x60];
	_ =	sdelay $0x4  }
0x64: {  	v1 =	vadd.s32 v0, v1  }
0x65: {  	[tilespmem:$0x4E80] =	vst v1  }
0x66: {  	v1 =	vld [tilespmem:s28+$0x70];
	_ =	sdelay $0x4  }
0x67: {  	v1 =	vadd.s32 v0, v1  }
0x68: {  	[tilespmem:$0x4E90] =	vst v1  }
0x69: {  	v1 =	vld [tilespmem:s28+$0x80];
	_ =	sdelay $0x4  }
0x6a: {  	v1 =	vadd.s32 v0, v1  }
0x6b: {  	[tilespmem:$0x4EA0] =	vst v1  }
0x6c: {  	v1 =	vld [tilespmem:s28+$0x90];
	_ =	sdelay $0x4  }
0x6d: {  	v1 =	vadd.s32 v0, v1  }
0x6e: {  	[tilespmem:$0x4EB0] =	vst v1  }
0x6f: {  	[tilespmem:s21], [sflag:$0x2] =	stream.indirect.gather [hbm4b:s4+s16], $0x40, s20, s16, $0xb8;
	[tilespmem:$0x114C0] =	vst v63  }
0x70: {  	s29 =	sadd.s32 $0x2710, s28  }
0x71: {  	[spmem:s2] =	stream.indirect.scatter.add.bf16 [tilespmem:s18], [sflag:$0x3], $0x40, s29, s16, $0xb8;
	[tilespmem:$0x114C0] =	vst v63  }
0x72: {  	_ =	swait.ge [sflag:s12], $0x1400  }
0x73: {  	[sflag:s12] =	ssyncset.done $0x0  }
0x74: {  	[sflag:s12] =	ssyncadd.s32 $0xFFFFEC00  }
0x75: {  	_ =	swait.ge [sflag:s22], $0x1400  }
0x76: {  	[sflag:s22] =	ssyncset.done $0x0  }
0x77: {  	[sflag:s22] =	ssyncadd.s32 $0xFFFFEC00  }
0x78: {  	v1 =	vld [tilespmem:s28+$0xA0];
	_ =	sdelay $0x4  }
0x79: {  	v1 =	vadd.s32 v0, v1  }
0x7a: {  	[tilespmem:$0x4E20] =	vst v1  }
0x7b: {  	v1 =	vld [tilespmem:s28+$0xB0];
	_ =	sdelay $0x4  }
0x7c: {  	v1 =	vadd.s32 v0, v1  }
0x7d: {  	[tilespmem:$0x4E30] =	vst v1  }
0x7e: {  	v1 =	vld [tilespmem:s28+$0xC0];
	_ =	sdelay $0x4  }
0x7f: {  	v1 =	vadd.s32 v0, v1  }
0x80: {  	[tilespmem:$0x4E40] =	vst v1  }
0x81: {  	v1 =	vld [tilespmem:s28+$0xD0];
	_ =	sdelay $0x4  }
0x82: {  	v1 =	vadd.s32 v0, v1  }
0x83: {  	[tilespmem:$0x4E50] =	vst v1  }
0x84: {  	v1 =	vld [tilespmem:s28+$0xE0];
	_ =	sdelay $0x4  }
0x85: {  	v1 =	vadd.s32 v0, v1  }
0x86: {  	[tilespmem:$0x4E60] =	vst v1  }
0x87: {  	[tilespmem:s18], [sflag:$0x1] =	stream.indirect.gather [hbm4b:s4+s16], $0x40, s17, s16, $0xb8;
	[tilespmem:$0x114C0] =	vst v63  }
.Ltmp0:
0x88: {  	_ = 	snop;
	(pc) =	sbr.rel @p0 .LBB2_2-.Ltmp0, $4  }
0x89: {  	s28 =	sadd.s32 $0x2760, s28  }
0x8a: {  	[spmem:s2] =	stream.indirect.scatter.add.bf16 [tilespmem:s21], [sflag:$0x3], $0x40, s28, s16, $0xb8;
	[tilespmem:$0x114C0] =	vst v63  }
0x8b: {  	_ =	swait.ge [sflag:s12], $0x1400  }
0x8c: {  	[sflag:s12] =	ssyncset.done $0x0  }
0x8d: {  	[sflag:s12] =	ssyncadd.s32 $0xFFFFEC00  }
0x8e: {  	_ =	swait.ge [sflag:s19], $0x1400  }
0x8f: {  	[sflag:s19] =	ssyncset.done $0x0  }
0x90: {  	[sflag:s19] =	ssyncadd.s32 $0xFFFFEC00  }
0x91: {  	[spmem:s2] =	stream.indirect.scatter.add.bf16 [tilespmem:s18], [sflag:$0x3], $0x40, s23, s16, $0xb8;
	[tilespmem:$0x114C0] =	vst v63  }
0x92: {  	_ =	swait.ge [sflag:s12], $0x1400  }
0x93: {  	[sflag:s12] =	ssyncset.done $0x0  }
0x94: {  	[sflag:s12] =	ssyncadd.s32 $0xFFFFEC00  }
0x95: {  	[bflag:$0x0] =	sbarrier.arrive $0xFFFF  }
0x96: {  	[hbm:s9], [sflag:s14] =	dma.local [spmem:s15], $0x13C0  }
0x97: {  	_ =	swait.ge [sflag:s12], $0x13C0  }
0x98: {  	[sflag:s12] =	ssyncset.done $0x0  }
0x99: {  	[sflag:s12] =	ssyncadd.s32 $0xFFFFEC40  }
0x9a: {  	[bflag:$0x0] =	sbarrier.arrive $0xFFFF  }
0x9b: {  	[spmem:s15], [sflag:s14] =	dma.local [hbm:s6], $0x13C0  }
0x9c: {  	_ =	swait.ge [sflag:s12], $0x13C0  }
0x9d: {  	[sflag:s12] =	ssyncset.done $0x0  }
0x9e: {  	[sflag:s12] =	ssyncadd.s32 $0xFFFFEC40  }
0x9f: {  	[bflag:$0x0] =	sbarrier.arrive $0xFFFF  }
0xa0: {  	v1 =	vld [tilespmem:$0x2710]  }
0xa1: {  	v2 =	vld [tilespmem:$0x2720]  }
0xa2: {  	v3 =	vld [tilespmem:$0x2730]  }
0xa3: {  	v4 =	vld [tilespmem:$0x2740]  }
0xa4: {  	v5 =	vld [tilespmem:$0x2750]  }
0xa5: {  	v1 =	vadd.s32 v0, v1  }
0xa6: {  	[tilespmem:$0x4E20] =	vst v1;
	v1 =	vadd.s32 v0, v2  }
0xa7: {  	[tilespmem:$0x4E30] =	vst v1;
	v1 =	vadd.s32 v0, v3  }
0xa8: {  	[tilespmem:$0x4E40] =	vst v1;
	v1 =	vadd.s32 v0, v4  }
0xa9: {  	[tilespmem:$0x4E50] =	vst v1;
	v1 =	vadd.s32 v0, v5  }
0xaa: {  	[tilespmem:$0x4E60] =	vst v1  }
0xab: {  	[tilespmem:s18], [sflag:$0x1] =	stream.indirect.gather [hbm4b:s5+s16], $0x40, s17, s16, $0xb8;
	[tilespmem:$0x114C0] =	vst v63  }
0xac: {  	_ =	swait.ge [sflag:s19], $0x1400  }
0xad: {  	[sflag:s19] =	ssyncset.done $0x0  }
0xae: {  	s26 =	simm.s32 $0x0;
	[sflag:s19] =	ssyncadd.s32 $0xFFFFEC00  }
0xaf: {  	v1 =	vld [tilespmem:s26+$0x2760];
	_ =	sdelay $0x4  }
0xb0: {  	v1 =	vadd.s32 v0, v1  }
0xb1: {  	[tilespmem:$0x4E70] =	vst v1  }
0xb2: {  	v1 =	vld [tilespmem:s26+$0x2770];
	_ =	sdelay $0x4  }
0xb3: {  	v1 =	vadd.s32 v0, v1  }
0xb4: {  	[tilespmem:$0x4E80] =	vst v1  }
0xb5: {  	v1 =	vld [tilespmem:s26+$0x2780];
	_ =	sdelay $0x4  }
0xb6: {  	v1 =	vadd.s32 v0, v1  }
0xb7: {  	[tilespmem:$0x4E90] =	vst v1  }
0xb8: {  	v1 =	vld [tilespmem:s26+$0x2790];
	_ =	sdelay $0x4  }
0xb9: {  	v1 =	vadd.s32 v0, v1  }
0xba: {  	[tilespmem:$0x4EA0] =	vst v1  }
0xbb: {  	v1 =	vld [tilespmem:s26+$0x27A0];
	_ =	sdelay $0x4  }
0xbc: {  	v1 =	vadd.s32 v0, v1  }
0xbd: {  	[tilespmem:$0x4EB0] =	vst v1  }
0xbe: {  	[tilespmem:s21], [sflag:$0x2] =	stream.indirect.gather [hbm4b:s5+s16], $0x40, s20, s16, $0xb8;
	[tilespmem:$0x114C0] =	vst v63  }
0xbf: {  	_ = 	snop  }
0xc0: {  	[spmem:s2] =	stream.indirect.scatter.add.bf16 [tilespmem:s18], [sflag:$0x3], $0x40, s26, s16, $0xb8;
	[tilespmem:$0x114C0] =	vst v63  }
0xc1: {  	_ =	swait.ge [sflag:s12], $0x1400  }
0xc2: {  	[sflag:s12] =	ssyncset.done $0x0  }
0xc3: {  	[sflag:s12] =	ssyncadd.s32 $0xFFFFEC00  }
0xc4: {  	_ =	swait.ge [sflag:s22], $0x1400  }
0xc5: {  	[sflag:s22] =	ssyncset.done $0x0  }
0xc6: {  	[sflag:s22] =	ssyncadd.s32 $0xFFFFEC00  }
0xc7: {  	v1 =	vld [tilespmem:s26+$0x27B0];
	_ =	sdelay $0x4  }
0xc8: {  	v1 =	vadd.s32 v0, v1  }
0xc9: {  	[tilespmem:$0x4E20] =	vst v1  }
0xca: {  	v1 =	vld [tilespmem:s26+$0x27C0];
	_ =	sdelay $0x4  }
0xcb: {  	v1 =	vadd.s32 v0, v1  }
0xcc: {  	[tilespmem:$0x4E30] =	vst v1  }
0xcd: {  	v1 =	vld [tilespmem:s26+$0x27D0];
	_ =	sdelay $0x4  }
0xce: {  	v1 =	vadd.s32 v0, v1  }
0xcf: {  	[tilespmem:$0x4E40] =	vst v1  }
0xd0: {  	v1 =	vld [tilespmem:s26+$0x27E0];
	_ =	sdelay $0x4  }
0xd1: {  	v1 =	vadd.s32 v0, v1  }
0xd2: {  	[tilespmem:$0x4E50] =	vst v1  }
0xd3: {  	v1 =	vld [tilespmem:s26+$0x27F0];
	_ =	sdelay $0x4  }
0xd4: {  	v1 =	vadd.s32 v0, v1  }
0xd5: {  	[tilespmem:$0x4E60] =	vst v1  }
0xd6: {  	[tilespmem:s18], [sflag:$0x1] =	stream.indirect.gather [hbm4b:s5+s16], $0x40, s17, s16, $0xb8;
	[tilespmem:$0x114C0] =	vst v63  }
0xd7: {  	s31 =	simm.s32 $0x50  }
0xd8: {  	[spmem:s2] =	stream.indirect.scatter.add.bf16 [tilespmem:s21], [sflag:$0x3], $0x40, s31, s16, $0xb8;
	[tilespmem:$0x114C0] =	vst v63  }
0xd9: {  	_ =	swait.ge [sflag:s12], $0x1400  }
0xda: {  	s26 =	simm.s32 $0x280;
	[sflag:s12] =	ssyncset.done $0x0  }
.LBB2_4:
0xdb: {  	p0 =	sne.s32 s26, $0x9880  }
0xdc: {  	[sflag:s12] =	ssyncadd.s32 $0xFFFFEC00;
	s28 =	smov.u32 s26;
	s26 =	sadd.s32 $0x280, s26  }
0xdd: {  	_ = 	snop  }
0xde: {  	_ =	swait.ge [sflag:s19], $0x1400  }
0xdf: {  	[sflag:s19] =	ssyncset.done $0x0  }
0xe0: {  	s28 =	sshra.s32 s28, $0x2;
	[sflag:s19] =	ssyncadd.s32 $0xFFFFEC00  }
0xe1: {  	v1 =	vld [tilespmem:s28+$0x2760];
	_ =	sdelay $0x4  }
0xe2: {  	v1 =	vadd.s32 v0, v1  }
0xe3: {  	[tilespmem:$0x4E70] =	vst v1  }
0xe4: {  	v1 =	vld [tilespmem:s28+$0x2770];
	_ =	sdelay $0x4  }
0xe5: {  	v1 =	vadd.s32 v0, v1  }
0xe6: {  	[tilespmem:$0x4E80] =	vst v1  }
0xe7: {  	v1 =	vld [tilespmem:s28+$0x2780];
	_ =	sdelay $0x4  }
0xe8: {  	v1 =	vadd.s32 v0, v1  }
0xe9: {  	[tilespmem:$0x4E90] =	vst v1  }
0xea: {  	v1 =	vld [tilespmem:s28+$0x2790];
	_ =	sdelay $0x4  }
0xeb: {  	v1 =	vadd.s32 v0, v1  }
0xec: {  	[tilespmem:$0x4EA0] =	vst v1  }
0xed: {  	v1 =	vld [tilespmem:s28+$0x27A0];
	_ =	sdelay $0x4  }
0xee: {  	v1 =	vadd.s32 v0, v1  }
0xef: {  	[tilespmem:$0x4EB0] =	vst v1  }
0xf0: {  	[tilespmem:s21], [sflag:$0x2] =	stream.indirect.gather [hbm4b:s5+s16], $0x40, s20, s16, $0xb8;
	[tilespmem:$0x114C0] =	vst v63  }
0xf1: {  	_ = 	snop  }
0xf2: {  	[spmem:s2] =	stream.indirect.scatter.add.bf16 [tilespmem:s18], [sflag:$0x3], $0x40, s28, s16, $0xb8;
	[tilespmem:$0x114C0] =	vst v63  }
0xf3: {  	_ =	swait.ge [sflag:s12], $0x1400  }
0xf4: {  	[sflag:s12] =	ssyncset.done $0x0  }
0xf5: {  	[sflag:s12] =	ssyncadd.s32 $0xFFFFEC00  }
0xf6: {  	_ =	swait.ge [sflag:s22], $0x1400  }
0xf7: {  	[sflag:s22] =	ssyncset.done $0x0  }
0xf8: {  	[sflag:s22] =	ssyncadd.s32 $0xFFFFEC00  }
0xf9: {  	v1 =	vld [tilespmem:s28+$0x27B0];
	_ =	sdelay $0x4  }
0xfa: {  	v1 =	vadd.s32 v0, v1  }
0xfb: {  	[tilespmem:$0x4E20] =	vst v1  }
0xfc: {  	v1 =	vld [tilespmem:s28+$0x27C0];
	_ =	sdelay $0x4  }
0xfd: {  	v1 =	vadd.s32 v0, v1  }
0xfe: {  	[tilespmem:$0x4E30] =	vst v1  }
0xff: {  	v1 =	vld [tilespmem:s28+$0x27D0];
	_ =	sdelay $0x4  }
0x100: {  	v1 =	vadd.s32 v0, v1  }
0x101: {  	[tilespmem:$0x4E40] =	vst v1  }
0x102: {  	v1 =	vld [tilespmem:s28+$0x27E0];
	_ =	sdelay $0x4  }
0x103: {  	v1 =	vadd.s32 v0, v1  }
0x104: {  	[tilespmem:$0x4E50] =	vst v1  }
0x105: {  	v1 =	vld [tilespmem:s28+$0x27F0];
	_ =	sdelay $0x4  }
0x106: {  	v1 =	vadd.s32 v0, v1  }
0x107: {  	[tilespmem:$0x4E60] =	vst v1  }
0x108: {  	[tilespmem:s18], [sflag:$0x1] =	stream.indirect.gather [hbm4b:s5+s16], $0x40, s17, s16, $0xb8;
	[tilespmem:$0x114C0] =	vst v63  }
.Ltmp1:
0x109: {  	_ = 	snop;
	(pc) =	sbr.rel @p0 .LBB2_4-.Ltmp1, $4  }
0x10a: {  	s28 =	sadd.s32 $0x50, s28  }
0x10b: {  	[spmem:s2] =	stream.indirect.scatter.add.bf16 [tilespmem:s21], [sflag:$0x3], $0x40, s28, s16, $0xb8;
	[tilespmem:$0x114C0] =	vst v63  }
0x10c: {  	_ =	swait.ge [sflag:s12], $0x1400  }
0x10d: {  	[sflag:s12] =	ssyncset.done $0x0  }
0x10e: {  	[sflag:s12] =	ssyncadd.s32 $0xFFFFEC00  }
0x10f: {  	_ =	swait.ge [sflag:s19], $0x1400  }
0x110: {  	[sflag:s19] =	ssyncset.done $0x0  }
0x111: {  	[sflag:s19] =	ssyncadd.s32 $0xFFFFEC00  }
0x112: {  	[spmem:s2] =	stream.indirect.scatter.add.bf16 [tilespmem:s18], [sflag:$0x3], $0x40, s24, s16, $0xb8;
	[tilespmem:$0x114C0] =	vst v63  }
0x113: {  	_ =	swait.ge [sflag:s12], $0x1400  }
0x114: {  	[sflag:s12] =	ssyncset.done $0x0  }
0x115: {  	s25 =	sadd.s32 $0x1, s25;
	[sflag:s12] =	ssyncadd.s32 $0xFFFFEC00  }
0x116: {  	p0 =	sne.s32 s25, s11;
	[bflag:$0x0] =	sbarrier.arrive $0xFFFF  }
0x117: {  	[hbm:s10], [sflag:s14] =	dma.local [spmem:s15], $0x13C0  }
.Ltmp2:
0x118: {  	_ =	swait.ge [sflag:s12], $0x13C0;
	(pc) =	sbr.rel @p0 .LBB2_1-.Ltmp2, $3  }
0x119: {  	[sflag:s12] =	ssyncset.done $0x0  }
0x11a: {  	[sflag:s12] =	ssyncadd.s32 $0xFFFFEC40  }
0x11b: {  	[bflag:$0x0] =	sbarrier.arrive $0xFFFF;
	_ =	sdelay $0x1  }
0x11c: {  	_ =	sfence.sel $0x180000  }
0x11d: {  	[bflag:$0x0] =	sbarrier.arrive $0xFFFF  }
0x11e: {  	p0 =	sne.s32 s0, $0x0;
	_ =	strace $0x9000004A  }
0x11f: {  	s0 =	sadd.s32 @!p0 $0x100000, s1;
	[bflag:$0x2] =	sbarrier.arrive $0xFFFF  }
0x120: {  	[sflag:s0] =	ssyncadd.tile.s32 @!p0 $0x1;
	_ =	shalt  }
.Lfunc_end2:
_tile_overlayer_lowered:
.L_overlay_start_2:
0x121: {  	(tag) =	ssettag $0x2  }
0x122: {  	s0 =	rddreg [dreg:$0x0];
	s2 =	stileid.u32  }
0x123: {  	s1 =	rddreg [dreg:$0x1];
	p0 =	sne.s32 s2, $0x0  }
0x124: {  	s3 =	rddreg [dreg:$0x2];
	[bflag:$0x3] =	sbarrier.arrive $0xFFFF;
	s2 =	simm.s32 @!p0 $0x1C03  }
0x125: {  	[timem:s3], [sflag:s2] =	dma.local @!p0 [hbm:s0], s1  }
0x126: {  	s0 =	simm.s32 @!p0 $0x3  }
0x127: {  	_ =	swait.ge @!p0 [sflag:s0], s1  }
0x128: {  	s1 =	ssub.s32 @!p0 $0x0, s1;
	[sflag:s0] =	ssyncset.done @!p0 $0x0  }
0x129: {  	[sflag:s0] =	ssyncadd.s32 @!p0 s1  }
0x12a: {  	[bflag:$0x3] =	sbarrier.arrive $0xFFFF  }
0x12b: {  	_ =	shalt  }

// kernel: kernel.19.cloned.1.call-start
scs
__scs_entry_jumppad:
0x0: {  	(pc) =	sbr.rel $0x88, $3  }
0x1: {  	(tag) =	ssettag $0x0;
	lr =	simm.s32 $0x1  }
0x2: {  	[smem:$0x3F87] =	sst lr;
	_ =	strace $0xD0000000  }
0x3: {  	_ = 	snop  }
0x4: {  	_ = 	snop  }
0x5: {  	_ = 	snop  }
0x6: {  	_ = 	snop  }
0x7: {  	_ = 	snop  }
__scs_overlays_trampoline_lowered:
0x8: {  	[smem:$0x3F96] =	sst s0  }
0x9: {  	[smem:$0x3F97] =	sst s1  }
0xa: {  	[smem:$0x3F98] =	sst s2  }
0xb: {  	[smem:$0x3F99] =	sst s3  }
0xc: {  	[smem:$0x3F9A] =	sst s4  }
0xd: {  	[smem:$0x3F9B] =	sst s5  }
0xe: {  	[smem:$0x3F9C] =	sst s6  }
0xf: {  	[smem:$0x3F9D] =	sst s7  }
0x10: {  	[smem:$0x3F9E] =	sst s8  }
0x11: {  	[smem:$0x3F9F] =	sst s9;
	s0 =	simm.s32 @!p0 $0x0  }
0x12: {  	s1 =	sld [smem:$0x3F85];
	s0 =	simm.s32 @p0 $0x1  }
0x13: {  	[smem:$0x3FA0] =	sst s0;
	s0 =	simm.s32 @!p1 $0x0  }
0x14: {  	s2 =	sld [smem:$0x3F84];
	s0 =	simm.s32 @p1 $0x1  }
0x15: {  	[smem:$0x3FA1] =	sst s0;
	s0 =	simm.s32 @!p2 $0x0  }
0x16: {  	s3 =	sld [smem:$0x3FDB];
	s0 =	simm.s32 @p2 $0x1  }
0x17: {  	s4 =	simm.s32 $0x1BF5;
	[smem:$0x3FA3] =	sst s0  }
0x18: {  	s0 =	sld [smem:$0x3F86];
	_ =	swait.ge [sflag:s4], $0x0  }
0x19: {  	s7 =	sld [smem:$0x3F87]  }
0x1a: {  	s8 =	sadd.s32 $0xFFFFE003, lr  }
0x1b: {  	s9 =	sadd.s32 $0xFFFFFEF7, lr;
	s5 =	simm.s32 $0xFFFFFFFF;
	p2 =	slt.u32 s8, $0xFFFFF086  }
0x1c: {  	p1 =	slt.u32 s9, $0xF7A;
	s5 =	simm.s32 @!p2 $0x0  }
0x1d: {  	s5 =	simm.s32 @p1 $0x1;
	p0 =	seq.s32 s7, s2  }
0x1e: {  	s7 =	smul.u32 @!p0 $0xF7A, s2;
	p2 =	seq.s32 @!p0 s5, $0x0  }
0x1f: {  	s9 =	smul.u32 $0xF7A, s1;
	s8 =	simm.s32 @!p0 $0x1BF5;
	p2 =	por !p2, p0  }
0x20: {  	[sflag:s8] =	ssyncset.s32 @!p0 $0xFFFFF086;
	s6 =	sadd.s32 @!p0 s3, s7;
	s7 =	simm.s32 @!p0 $0x108  }
0x21: {  	s3 =	sadd.s32 s3, s9;
	s6 =	sadd.s32 @!p0 $0x88, s6;
	s7 =	simm.s32 @p2 $0x1082  }
0x22: {  	[simem:s7], [sflag:s8] =	dma.local @!p0 [hbm:s6], $0xF7A  }
0x23: {  	s9 =	sor.u32 $0xD0000000, s2;
	s6 =	simm.s32 $0x108;
	_ =	swait.ge @!p0 [sflag:s8], $0x0  }
0x24: {  	s3 =	sadd.s32 $0x88, s3;
	s6 =	simm.s32 @!p1 $0x1082;
	[sflag:s4] =	ssyncset.s32 $0xFFFFF086  }
0x25: {  	[simem:s6], [sflag:s4] =	dma.local [hbm:s3], $0xF7A  }
0x26: {  	[smem:$0x3F87] =	sst s1;
	(tag) =	ssettag s2;
	_ =	strace s9  }
0x27: {  	s1 =	sld [smem:$0x3F97]  }
0x28: {  	s2 =	sld [smem:$0x3F98]  }
0x29: {  	s4 =	sld [smem:$0x3F9A]  }
0x2a: {  	p0 =	seq.s32 s5, $0x0;
	s5 =	sld [smem:$0x3F9B]  }
0x2b: {  	s6 =	sld [smem:$0x3F9C]  }
0x2c: {  	s7 =	sld [smem:$0x3F9D]  }
0x2d: {  	s3 =	simm.s32 $0x108;
	s8 =	sld [smem:$0x3F9E]  }
0x2e: {  	s3 =	simm.s32 @!p0 $0x1082;
	s9 =	sld [smem:$0x3F9F]  }
0x2f: {  	lr =	sadd.s32 s0, s3;
	s0 =	sld [smem:$0x3F96]  }
0x30: {  	s3 =	sld [smem:$0x3F99]  }
0x31: {  	[smem:$0x3FA2] =	sst s10  }
0x32: {  	s10 =	sld [smem:$0x3FA0];
	_ =	sdelay $0x3  }
0x33: {  	p0 =	seq.s32 s10, $0x1;
	s10 =	sld [smem:$0x3FA2];
	_ =	sdelay $0x3  }
0x34: {  	[smem:$0x3FA2] =	sst s10  }
0x35: {  	s10 =	sld [smem:$0x3FA1];
	_ =	sdelay $0x3  }
0x36: {  	p1 =	seq.s32 s10, $0x1;
	s10 =	sld [smem:$0x3FA2];
	_ =	sdelay $0x3  }
0x37: {  	[smem:$0x3FA2] =	sst s10  }
0x38: {  	s10 =	sld [smem:$0x3FA3]  }
0x39: {  	_ = 	snop;
	(pc) =	sbr.ind lr, $3  }
0x3a: {  	_ = 	snop  }
0x3b: {  	_ = 	snop  }
0x3c: {  	p2 =	seq.s32 s10, $0x1;
	s10 =	sld [smem:$0x3FA2]  }
0x3d: {  	_ =	shalt  }
0x3e: {  	_ =	shalt  }
0x3f: {  	_ =	shalt  }
0x40: {  	_ =	shalt  }
0x41: {  	_ =	shalt  }
0x42: {  	_ =	shalt  }
0x43: {  	_ =	shalt  }
0x44: {  	_ =	shalt  }
0x45: {  	_ =	shalt  }
0x46: {  	_ =	shalt  }
0x47: {  	_ =	shalt  }
0x48: {  	_ =	shalt  }
0x49: {  	_ =	shalt  }
0x4a: {  	_ =	shalt  }
0x4b: {  	_ =	shalt  }
0x4c: {  	_ =	shalt  }
0x4d: {  	_ =	shalt  }
0x4e: {  	_ =	shalt  }
0x4f: {  	_ =	shalt  }
0x50: {  	_ =	shalt  }
0x51: {  	_ =	shalt  }
0x52: {  	_ =	shalt  }
0x53: {  	_ =	shalt  }
0x54: {  	_ =	shalt  }
0x55: {  	_ =	shalt  }
0x56: {  	_ =	shalt  }
0x57: {  	_ =	shalt  }
0x58: {  	_ =	shalt  }
0x59: {  	_ =	shalt  }
0x5a: {  	_ =	shalt  }
0x5b: {  	_ =	shalt  }
0x5c: {  	_ =	shalt  }
0x5d: {  	_ =	shalt  }
0x5e: {  	_ =	shalt  }
0x5f: {  	_ =	shalt  }
0x60: {  	_ =	shalt  }
0x61: {  	_ =	shalt  }
0x62: {  	_ =	shalt  }
0x63: {  	_ =	shalt  }
0x64: {  	_ =	shalt  }
0x65: {  	_ =	shalt  }
0x66: {  	_ =	shalt  }
0x67: {  	_ =	shalt  }
0x68: {  	_ =	shalt  }
0x69: {  	_ =	shalt  }
0x6a: {  	_ =	shalt  }
0x6b: {  	_ =	shalt  }
0x6c: {  	_ =	shalt  }
0x6d: {  	_ =	shalt  }
0x6e: {  	_ =	shalt  }
0x6f: {  	_ =	shalt  }
0x70: {  	_ =	shalt  }
0x71: {  	_ =	shalt  }
0x72: {  	_ =	shalt  }
0x73: {  	_ =	shalt  }
0x74: {  	_ =	shalt  }
0x75: {  	_ =	shalt  }
0x76: {  	_ =	shalt  }
0x77: {  	_ =	shalt  }
0x78: {  	_ =	shalt  }
0x79: {  	_ =	shalt  }
0x7a: {  	_ =	shalt  }
0x7b: {  	_ =	shalt  }
0x7c: {  	_ =	shalt  }
0x7d: {  	_ =	shalt  }
0x7e: {  	_ =	shalt  }
0x7f: {  	_ =	shalt  }
0x80: {  	_ =	shalt  }
0x81: {  	_ =	shalt  }
0x82: {  	_ =	shalt  }
0x83: {  	_ =	shalt  }
0x84: {  	_ =	shalt  }
0x85: {  	_ =	shalt  }
0x86: {  	_ =	shalt  }
0x87: {  	_ =	shalt  }
.Lfunc_end0:
.L_simem_size_0:
called_computation.2_lowered:
.L_overlay_start_0:
0x88: {  	s2 =	sld [smem:$0x3FD9]  }
0x89: {  	s3 =	sld [smem:$0x3FFE];
	_ =	sdelay $0x1  }
0x8a: {  	s1 =	srdreg.scid  }
0x8b: {  	s0 =	sand.u32 $0x1, s1  }
0x8c: {  	s16 =	sshll.u32 s0, $0xA;
	s2 =	sadd.s32 s3, s2  }
0x8d: {  	s2 =	sadd.s32 s2, s16  }
0x8e: {  	[smem:$0x3FAE] =	sst s2  }
0x8f: {  	_ = 	snop  }
0x90: {  	(tm) =	ssettm $0x1  }
0x91: {  	s17 =	sld [smem:$0x3FFB];
	_ =	sdelay $0x3  }
0x92: {  	_ =	strace s17  }
0x93: {  	s2 =	sld [smem:$0x3FFC];
	_ =	sdelay $0x3  }
0x94: {  	_ =	strace s2  }
0x95: {  	s2 =	sld [smem:$0x3FFD];
	_ =	sdelay $0x3  }
0x96: {  	_ =	strace s2  }
0x97: {  	_ =	strace $0x8FFFFFFF  }
0x98: {  	s18 =	sld [smem:$0x3FDB];
	_ =	sdelay $0x1  }
0x99: {  	s19 =	simm.s32 $_scs_section_size  }
0x9a: {  	s4 =	simm.s32 $_size__tile_overlayer_lowered;
	s5 =	simm.s32 $_tile_overlayer_lowered  }
0x9b: {  	s22 =	simm.s32 $0x1BFF;
	s21 =	sshll.u32 s5, $0x1;
	s2 =	sadd.s32 s19, s18  }
0x9c: {  	s6 =	simm.s32 $0x0;
	s20 =	sshll.u32 s4, $0x1;
	s4 =	sadd.s32 s21, s2  }
0x9d: {  	[timem:s6], [sflag:s22] =	dma.local [hbm:s4], s20  }
0x9e: {  	_ =	swait.ge [sflag:s22], s20  }
0x9f: {  	s3 =	ssub.s32 $0x0, s20;
	[sflag:s22] =	ssyncset.done $0x0  }
0xa0: {  	[sflag:s22] =	ssyncadd.s32 s3;
	_ =	sdelay $0x1  }
0xa1: {  	s23 =	simm.s32 $0x1B8B  }
0xa2: {  	_ =	swait.ge [sflag:s23], $0x1  }
0xa3: {  	[sflag:s23] =	ssyncset.done $0x0  }
0xa4: {  	s25 =	simm.s32 $0x1B8E;
	s24 =	sld [smem:$0x3FFE];
	[sflag:s23] =	ssyncadd.s32 $0xFFFFFFFF  }
0xa5: {  	s26 =	simm.s32 $execute0_lowered;
	[smem:$0x3FD2] =	sst s25  }
0xa6: {  	s4 =	sshll.u32 s26, $0x1;
	_ =	strace $0x8000004C;
	[dreg:$0x1] =	wrdreg $0xFFFFFFFF  }
0xa7: {  	s28 =	simm.s32 $_size_execute0_lowered;
	s2 =	sadd.s32 s2, s4;
	[dreg:$0x0] =	wrdreg $0x0  }
0xa8: {  	s4 =	sshll.u32 s28, $0x1;
	[dreg:$0x2] =	wrdreg s2  }
0xa9: {  	[dreg:$0x3] =	wrdreg s4  }
0xaa: {  	[dreg:$0x4] =	wrdreg $0xC0  }
0xab: {  	_ =	task [dreg:s6], $0x5FFFF  }
0xac: {  	[dreg:$0x1] =	wrdreg $0xFFFFFFFF  }
0xad: {  	[dreg:$0x0] =	wrdreg $0x60  }
0xae: {  	[dreg:$0x2] =	wrdreg s24  }
0xaf: {  	[dreg:$0x3] =	wrdreg $0x76C00  }
0xb0: {  	[dreg:$0x4] =	wrdreg $0x9  }
0xb1: {  	_ =	task.clear_ibuf [dreg:s6], $0x5FFFF;
	_ =	strace $0x9000004C  }
0xb2: {  	s29 =	simm.s32 $0x9;
	_ =	strace $0x8000004E  }
0xb3: {  	_ =	swait.ge [sflag:s29], $0x1  }
0xb4: {  	[sflag:s29] =	ssyncadd.s32 $0xFFFFFFFF  }
0xb5: {  	_ =	strace $0x9000004E  }
0xb6: {  	_ =	sfence  }
0xb7: {  	s30 =	sld [smem:$0x0];
	_ =	sdelay $0x2  }
0xb8: {  	s31 =	sshll.u32 s1, $0xD;
	s1 =	sshrl.u32 s1, $0x2  }
0xb9: {  	s3 =	sand.u32 $0x4000, s31;
	s1 =	sadd.s32 s1, s30  }
0xba: {  	s0 =	sor.u32 s3, s0;
	s1 =	sshll.u32 s1, $0x11  }
0xbb: {  	s0 =	sor.u32 s1, s0  }
0xbc: {  	s0 =	sadd.s32 $0x8F2B, s0  }
0xbd: {  	[sflag:s0] =	ssyncadd.remote.s32 $0x1  }
0xbe: {  	_ =	sfence.sel $0xFFFF  }
0xbf: {  	[dreg:$0x0] =	wrdreg $0xFFFFFFFF;
	(pc) =	sbr.abs _section_cstart, $3  }
0xc0: {  	[dreg:$0x1] =	wrdreg $0xFFFFFFFF  }
0xc1: {  	_ =	task.clear_ibuf [dreg:s6], $0x2FFFF;
	_ =	strace $0x9FFFFFFF  }
0xc2: {  	(tm) =	ssettm $0x7FFFFFFF  }
0xc3: {  	_ =	shalt  }
tec
execute0_lowered:
.L_overlay_start_1:
0x0: {  	(tag) =	ssettag $0x1  }
0x1: {  	s7 =	rddreg [dreg:$0x0]  }
0x2: {  	s0 =	srdreg.scid;
	s2 =	rddreg [dreg:$0x1]  }
0x3: {  	s1 =	rddreg [dreg:$0x2];
	s3 =	simm.s32 $0x0;
	s16 =	simm.s32 $0x50  }
0x4: {  	s17 =	simm.s32 $0x4E20;
	s18 =	simm.s32 $0x4EC0;
	s19 =	simm.s32 $0x1  }
0x5: {  	s20 =	simm.s32 $0x4E70;
	s21 =	simm.s32 $0x62C0;
	s9 =	sand.u32 $0x1, s0  }
0x6: {  	s22 =	simm.s32 $0x2;
	s0 =	stileid.u32;
	s5 =	smul.u32 $0x27100, s9  }
0x7: {  	s24 =	simm.s32 $0x26C0;
	s25 =	simm.s32 $0x0;
	s6 =	smul.u32 $0x2710, s0  }
0x8: {  	[smem:$0x7FF] =	sst s3;
	s4 =	sadd.s32 $0xB4E00, s7;
	s8 =	smul.u32 $0x13C00, s0  }
0x9: {  	s10 =	smul.u32 $0x13C000, s9;
	_ =	strace $0x8000004D;
	s12 =	ssub.s32 $0x2, s9  }
0xa: {  	s23 =	smul.u32 $0x2710, s9;
	s14 =	sshll.u32 s0, $0x6;
	s31 =	sshrl.u32 s12, $0x1  }
0xb: {  	s14 =	sor.u32 $0x1C03, s14;
	s6 =	sadd.s32 s6, s5;
	s5 =	sadd.s32 $0x8DC00, s7  }
0xc: {  	s10 =	sadd.s32 s8, s10;
	s12 =	ssub.s32 s12, s31;
	s13 =	sshrl.u32 s8, $0x1  }
0xd: {  	v0 =	vmov s23;
	s23 =	simm.s32 $0x4DD0;
	s6 =	sshrl.u32 s6, $0x3;
	s10 =	sshrl.u32 s10, $0x4  }
0xe: {  	s15 =	sadd.s32 s13, s2;
	s13 =	simm.s32 $0x2710;
	s11 =	sadd.s32 s6, s7  }
0xf: {  	s6 =	sadd.s32 $0x2A800, s7;
	s10 =	sadd.s32 s10, s7;
	s15 =	sshrl.u32 s15, $0x3  }
0x10: {  	s7 =	sadd.s32 $0x2BC00, s11;
	s8 =	sadd.s32 $0x35A00, s11;
	s9 =	sadd.s32 $0x103800, s10  }
0x11: {  	s10 =	sadd.s32 $0xDC000, s10;
	s11 =	smax.u32 s12, $0x1;
	s12 =	simm.s32 $0x3  }
.LBB2_1:
0x12: {  	[tilespmem:s3], [sflag:$0x3] =	stream.linear.gather [hbm4b:s7+s3], $0x2710, $0x38;
	[tilespmem:$0x114C0] =	vst v63  }
0x13: {  	_ =	swait.ge [sflag:s12], $0x2710  }
0x14: {  	[sflag:s12] =	ssyncset.done $0x0  }
0x15: {  	[sflag:s12] =	ssyncadd.s32 $0xFFFFD8F0  }
0x16: {  	[tilespmem:s13], [sflag:$0x3] =	stream.linear.gather [hbm4b:s8+s3], $0x2710, $0x38;
	[tilespmem:$0x114C0] =	vst v63  }
0x17: {  	_ =	swait.ge [sflag:s12], $0x2710  }
0x18: {  	[sflag:s12] =	ssyncset.done $0x0  }
0x19: {  	[sflag:s12] =	ssyncadd.s32 $0xFFFFD8F0  }
0x1a: {  	[spmem:s15], [sflag:s14] =	dma.local [hbm:s6], $0x13C0  }
0x1b: {  	_ =	swait.ge [sflag:s12], $0x13C0  }
0x1c: {  	[sflag:s12] =	ssyncset.done $0x0  }
0x1d: {  	[sflag:s12] =	ssyncadd.s32 $0xFFFFEC40  }
0x1e: {  	[bflag:$0x0] =	sbarrier.arrive $0xFFFF  }
0x1f: {  	v1 =	vld [tilespmem:$0x0]  }
0x20: {  	v2 =	vld [tilespmem:$0x10]  }
0x21: {  	v3 =	vld [tilespmem:$0x20]  }
0x22: {  	v4 =	vld [tilespmem:$0x30]  }
0x23: {  	v5 =	vld [tilespmem:$0x40]  }
0x24: {  	v1 =	vadd.s32 v0, v1  }
0x25: {  	[tilespmem:$0x4E20] =	vst v1;
	v1 =	vadd.s32 v0, v2  }
0x26: {  	[tilespmem:$0x4E30] =	vst v1;
	v1 =	vadd.s32 v0, v3  }
0x27: {  	[tilespmem:$0x4E40] =	vst v1;
	v1 =	vadd.s32 v0, v4  }
0x28: {  	[tilespmem:$0x4E50] =	vst v1;
	v1 =	vadd.s32 v0, v5  }
0x29: {  	[tilespmem:$0x4E60] =	vst v1  }
0x2a: {  	[tilespmem:s18], [sflag:$0x1] =	stream.indirect.gather [hbm4b:s4+s16], $0x40, s17, s16, $0xb8;
	[tilespmem:$0x114C0] =	vst v63  }
0x2b: {  	_ =	swait.ge [sflag:s19], $0x1400  }
0x2c: {  	[sflag:s19] =	ssyncset.done $0x0  }
0x2d: {  	s26 =	simm.s32 $0x0;
	[sflag:s19] =	ssyncadd.s32 $0xFFFFEC00  }
0x2e: {  	v1 =	vld [tilespmem:s26+$0x50];
	_ =	sdelay $0x4  }
0x2f: {  	v1 =	vadd.s32 v0, v1  }
0x30: {  	[tilespmem:$0x4E70] =	vst v1  }
0x31: {  	v1 =	vld [tilespmem:s26+$0x60];
	_ =	sdelay $0x4  }
0x32: {  	v1 =	vadd.s32 v0, v1  }
0x33: {  	[tilespmem:$0x4E80] =	vst v1  }
0x34: {  	v1 =	vld [tilespmem:s26+$0x70];
	_ =	sdelay $0x4  }
0x35: {  	v1 =	vadd.s32 v0, v1  }
0x36: {  	[tilespmem:$0x4E90] =	vst v1  }
0x37: {  	v1 =	vld [tilespmem:s26+$0x80];
	_ =	sdelay $0x4  }
0x38: {  	v1 =	vadd.s32 v0, v1  }
0x39: {  	[tilespmem:$0x4EA0] =	vst v1  }
0x3a: {  	v1 =	vld [tilespmem:s26+$0x90];
	_ =	sdelay $0x4  }
0x3b: {  	v1 =	vadd.s32 v0, v1  }
0x3c: {  	[tilespmem:$0x4EB0] =	vst v1  }
0x3d: {  	[tilespmem:s21], [sflag:$0x2] =	stream.indirect.gather [hbm4b:s4+s16], $0x40, s20, s16, $0xb8;
	[tilespmem:$0x114C0] =	vst v63  }
0x3e: {  	s28 =	simm.s32 $0x2710  }
0x3f: {  	[spmem:s2] =	stream.indirect.scatter.add.bf16 [tilespmem:s18], [sflag:$0x3], $0x40, s28, s16, $0xb8;
	[tilespmem:$0x114C0] =	vst v63  }
0x40: {  	_ =	swait.ge [sflag:s12], $0x1400  }
0x41: {  	[sflag:s12] =	ssyncset.done $0x0  }
0x42: {  	[sflag:s12] =	ssyncadd.s32 $0xFFFFEC00  }
0x43: {  	_ =	swait.ge [sflag:s22], $0x1400  }
0x44: {  	[sflag:s22] =	ssyncset.done $0x0  }
0x45: {  	[sflag:s22] =	ssyncadd.s32 $0xFFFFEC00  }
0x46: {  	v1 =	vld [tilespmem:s26+$0xA0];
	_ =	sdelay $0x4  }
0x47: {  	v1 =	vadd.s32 v0, v1  }
0x48: {  	[tilespmem:$0x4E20] =	vst v1  }
0x49: {  	v1 =	vld [tilespmem:s26+$0xB0];
	_ =	sdelay $0x4  }
0x4a: {  	v1 =	vadd.s32 v0, v1  }
0x4b: {  	[tilespmem:$0x4E30] =	vst v1  }
0x4c: {  	v1 =	vld [tilespmem:s26+$0xC0];
	_ =	sdelay $0x4  }
0x4d: {  	v1 =	vadd.s32 v0, v1  }
0x4e: {  	[tilespmem:$0x4E40] =	vst v1  }
0x4f: {  	v1 =	vld [tilespmem:s26+$0xD0];
	_ =	sdelay $0x4  }
0x50: {  	v1 =	vadd.s32 v0, v1  }
0x51: {  	[tilespmem:$0x4E50] =	vst v1  }
0x52: {  	v1 =	vld [tilespmem:s26+$0xE0];
	_ =	sdelay $0x4  }
0x53: {  	v1 =	vadd.s32 v0, v1  }
0x54: {  	[tilespmem:$0x4E60] =	vst v1  }
0x55: {  	[tilespmem:s18], [sflag:$0x1] =	stream.indirect.gather [hbm4b:s4+s16], $0x40, s17, s16, $0xb8;
	[tilespmem:$0x114C0] =	vst v63  }
0x56: {  	s31 =	simm.s32 $0x2760  }
0x57: {  	[spmem:s2] =	stream.indirect.scatter.add.bf16 [tilespmem:s21], [sflag:$0x3], $0x40, s31, s16, $0xb8;
	[tilespmem:$0x114C0] =	vst v63  }
0x58: {  	_ =	swait.ge [sflag:s12], $0x1400  }
0x59: {  	s26 =	simm.s32 $0x280;
	[sflag:s12] =	ssyncset.done $0x0  }
.LBB2_2:
0x5a: {  	p0 =	sne.s32 s26, $0x9880  }
0x5b: {  	[sflag:s12] =	ssyncadd.s32 $0xFFFFEC00;
	s28 =	smov.u32 s26;
	s26 =	sadd.s32 $0x280, s26  }
0x5c: {  	_ = 	snop  }
0x5d: {  	_ =	swait.ge [sflag:s19], $0x1400  }
0x5e: {  	[sflag:s19] =	ssyncset.done $0x0  }
0x5f: {  	s28 =	sshra.s32 s28, $0x2;
	[sflag:s19] =	ssyncadd.s32 $0xFFFFEC00  }
0x60: {  	v1 =	vld [tilespmem:s28+$0x50];
	_ =	sdelay $0x4  }
0x61: {  	v1 =	vadd.s32 v0, v1  }
0x62: {  	[tilespmem:$0x4E70] =	vst v1  }
0x63: {  	v1 =	vld [tilespmem:s28+$0x60];
	_ =	sdelay $0x4  }
0x64: {  	v1 =	vadd.s32 v0, v1  }
0x65: {  	[tilespmem:$0x4E80] =	vst v1  }
0x66: {  	v1 =	vld [tilespmem:s28+$0x70];
	_ =	sdelay $0x4  }
0x67: {  	v1 =	vadd.s32 v0, v1  }
0x68: {  	[tilespmem:$0x4E90] =	vst v1  }
0x69: {  	v1 =	vld [tilespmem:s28+$0x80];
	_ =	sdelay $0x4  }
0x6a: {  	v1 =	vadd.s32 v0, v1  }
0x6b: {  	[tilespmem:$0x4EA0] =	vst v1  }
0x6c: {  	v1 =	vld [tilespmem:s28+$0x90];
	_ =	sdelay $0x4  }
0x6d: {  	v1 =	vadd.s32 v0, v1  }
0x6e: {  	[tilespmem:$0x4EB0] =	vst v1  }
0x6f: {  	[tilespmem:s21], [sflag:$0x2] =	stream.indirect.gather [hbm4b:s4+s16], $0x40, s20, s16, $0xb8;
	[tilespmem:$0x114C0] =	vst v63  }
0x70: {  	s29 =	sadd.s32 $0x2710, s28  }
0x71: {  	[spmem:s2] =	stream.indirect.scatter.add.bf16 [tilespmem:s18], [sflag:$0x3], $0x40, s29, s16, $0xb8;
	[tilespmem:$0x114C0] =	vst v63  }
0x72: {  	_ =	swait.ge [sflag:s12], $0x1400  }
0x73: {  	[sflag:s12] =	ssyncset.done $0x0  }
0x74: {  	[sflag:s12] =	ssyncadd.s32 $0xFFFFEC00  }
0x75: {  	_ =	swait.ge [sflag:s22], $0x1400  }
0x76: {  	[sflag:s22] =	ssyncset.done $0x0  }
0x77: {  	[sflag:s22] =	ssyncadd.s32 $0xFFFFEC00  }
0x78: {  	v1 =	vld [tilespmem:s28+$0xA0];
	_ =	sdelay $0x4  }
0x79: {  	v1 =	vadd.s32 v0, v1  }
0x7a: {  	[tilespmem:$0x4E20] =	vst v1  }
0x7b: {  	v1 =	vld [tilespmem:s28+$0xB0];
	_ =	sdelay $0x4  }
0x7c: {  	v1 =	vadd.s32 v0, v1  }
0x7d: {  	[tilespmem:$0x4E30] =	vst v1  }
0x7e: {  	v1 =	vld [tilespmem:s28+$0xC0];
	_ =	sdelay $0x4  }
0x7f: {  	v1 =	vadd.s32 v0, v1  }
0x80: {  	[tilespmem:$0x4E40] =	vst v1  }
0x81: {  	v1 =	vld [tilespmem:s28+$0xD0];
	_ =	sdelay $0x4  }
0x82: {  	v1 =	vadd.s32 v0, v1  }
0x83: {  	[tilespmem:$0x4E50] =	vst v1  }
0x84: {  	v1 =	vld [tilespmem:s28+$0xE0];
	_ =	sdelay $0x4  }
0x85: {  	v1 =	vadd.s32 v0, v1  }
0x86: {  	[tilespmem:$0x4E60] =	vst v1  }
0x87: {  	[tilespmem:s18], [sflag:$0x1] =	stream.indirect.gather [hbm4b:s4+s16], $0x40, s17, s16, $0xb8;
	[tilespmem:$0x114C0] =	vst v63  }
.Ltmp0:
0x88: {  	_ = 	snop;
	(pc) =	sbr.rel @p0 .LBB2_2-.Ltmp0, $4  }
0x89: {  	s28 =	sadd.s32 $0x2760, s28  }
0x8a: {  	[spmem:s2] =	stream.indirect.scatter.add.bf16 [tilespmem:s21], [sflag:$0x3], $0x40, s28, s16, $0xb8;
	[tilespmem:$0x114C0] =	vst v63  }
0x8b: {  	_ =	swait.ge [sflag:s12], $0x1400  }
0x8c: {  	[sflag:s12] =	ssyncset.done $0x0  }
0x8d: {  	[sflag:s12] =	ssyncadd.s32 $0xFFFFEC00  }
0x8e: {  	_ =	swait.ge [sflag:s19], $0x1400  }
0x8f: {  	[sflag:s19] =	ssyncset.done $0x0  }
0x90: {  	[sflag:s19] =	ssyncadd.s32 $0xFFFFEC00  }
0x91: {  	[spmem:s2] =	stream.indirect.scatter.add.bf16 [tilespmem:s18], [sflag:$0x3], $0x40, s23, s16, $0xb8;
	[tilespmem:$0x114C0] =	vst v63  }
0x92: {  	_ =	swait.ge [sflag:s12], $0x1400  }
0x93: {  	[sflag:s12] =	ssyncset.done $0x0  }
0x94: {  	[sflag:s12] =	ssyncadd.s32 $0xFFFFEC00  }
0x95: {  	[bflag:$0x0] =	sbarrier.arrive $0xFFFF  }
0x96: {  	[hbm:s9], [sflag:s14] =	dma.local [spmem:s15], $0x13C0  }
0x97: {  	_ =	swait.ge [sflag:s12], $0x13C0  }
0x98: {  	[sflag:s12] =	ssyncset.done $0x0  }
0x99: {  	[sflag:s12] =	ssyncadd.s32 $0xFFFFEC40  }
0x9a: {  	[bflag:$0x0] =	sbarrier.arrive $0xFFFF  }
0x9b: {  	[spmem:s15], [sflag:s14] =	dma.local [hbm:s6], $0x13C0  }
0x9c: {  	_ =	swait.ge [sflag:s12], $0x13C0  }
0x9d: {  	[sflag:s12] =	ssyncset.done $0x0  }
0x9e: {  	[sflag:s12] =	ssyncadd.s32 $0xFFFFEC40  }
0x9f: {  	[bflag:$0x0] =	sbarrier.arrive $0xFFFF  }
0xa0: {  	v1 =	vld [tilespmem:$0x2710]  }
0xa1: {  	v2 =	vld [tilespmem:$0x2720]  }
0xa2: {  	v3 =	vld [tilespmem:$0x2730]  }
0xa3: {  	v4 =	vld [tilespmem:$0x2740]  }
0xa4: {  	v5 =	vld [tilespmem:$0x2750]  }
0xa5: {  	v1 =	vadd.s32 v0, v1  }
0xa6: {  	[tilespmem:$0x4E20] =	vst v1;
	v1 =	vadd.s32 v0, v2  }
0xa7: {  	[tilespmem:$0x4E30] =	vst v1;
	v1 =	vadd.s32 v0, v3  }
0xa8: {  	[tilespmem:$0x4E40] =	vst v1;
	v1 =	vadd.s32 v0, v4  }
0xa9: {  	[tilespmem:$0x4E50] =	vst v1;
	v1 =	vadd.s32 v0, v5  }
0xaa: {  	[tilespmem:$0x4E60] =	vst v1  }
0xab: {  	[tilespmem:s18], [sflag:$0x1] =	stream.indirect.gather [hbm4b:s5+s16], $0x40, s17, s16, $0xb8;
	[tilespmem:$0x114C0] =	vst v63  }
0xac: {  	_ =	swait.ge [sflag:s19], $0x1400  }
0xad: {  	[sflag:s19] =	ssyncset.done $0x0  }
0xae: {  	s26 =	simm.s32 $0x0;
	[sflag:s19] =	ssyncadd.s32 $0xFFFFEC00  }
0xaf: {  	v1 =	vld [tilespmem:s26+$0x2760];
	_ =	sdelay $0x4  }
0xb0: {  	v1 =	vadd.s32 v0, v1  }
0xb1: {  	[tilespmem:$0x4E70] =	vst v1  }
0xb2: {  	v1 =	vld [tilespmem:s26+$0x2770];
	_ =	sdelay $0x4  }
0xb3: {  	v1 =	vadd.s32 v0, v1  }
0xb4: {  	[tilespmem:$0x4E80] =	vst v1  }
0xb5: {  	v1 =	vld [tilespmem:s26+$0x2780];
	_ =	sdelay $0x4  }
0xb6: {  	v1 =	vadd.s32 v0, v1  }
0xb7: {  	[tilespmem:$0x4E90] =	vst v1  }
0xb8: {  	v1 =	vld [tilespmem:s26+$0x2790];
	_ =	sdelay $0x4  }
0xb9: {  	v1 =	vadd.s32 v0, v1  }
0xba: {  	[tilespmem:$0x4EA0] =	vst v1  }
0xbb: {  	v1 =	vld [tilespmem:s26+$0x27A0];
	_ =	sdelay $0x4  }
0xbc: {  	v1 =	vadd.s32 v0, v1  }
0xbd: {  	[tilespmem:$0x4EB0] =	vst v1  }
0xbe: {  	[tilespmem:s21], [sflag:$0x2] =	stream.indirect.gather [hbm4b:s5+s16], $0x40, s20, s16, $0xb8;
	[tilespmem:$0x114C0] =	vst v63  }
0xbf: {  	_ = 	snop  }
0xc0: {  	[spmem:s2] =	stream.indirect.scatter.add.bf16 [tilespmem:s18], [sflag:$0x3], $0x40, s26, s16, $0xb8;
	[tilespmem:$0x114C0] =	vst v63  }
0xc1: {  	_ =	swait.ge [sflag:s12], $0x1400  }
0xc2: {  	[sflag:s12] =	ssyncset.done $0x0  }
0xc3: {  	[sflag:s12] =	ssyncadd.s32 $0xFFFFEC00  }
0xc4: {  	_ =	swait.ge [sflag:s22], $0x1400  }
0xc5: {  	[sflag:s22] =	ssyncset.done $0x0  }
0xc6: {  	[sflag:s22] =	ssyncadd.s32 $0xFFFFEC00  }
0xc7: {  	v1 =	vld [tilespmem:s26+$0x27B0];
	_ =	sdelay $0x4  }
0xc8: {  	v1 =	vadd.s32 v0, v1  }
0xc9: {  	[tilespmem:$0x4E20] =	vst v1  }
0xca: {  	v1 =	vld [tilespmem:s26+$0x27C0];
	_ =	sdelay $0x4  }
0xcb: {  	v1 =	vadd.s32 v0, v1  }
0xcc: {  	[tilespmem:$0x4E30] =	vst v1  }
0xcd: {  	v1 =	vld [tilespmem:s26+$0x27D0];
	_ =	sdelay $0x4  }
0xce: {  	v1 =	vadd.s32 v0, v1  }
0xcf: {  	[tilespmem:$0x4E40] =	vst v1  }
0xd0: {  	v1 =	vld [tilespmem:s26+$0x27E0];
	_ =	sdelay $0x4  }
0xd1: {  	v1 =	vadd.s32 v0, v1  }
0xd2: {  	[tilespmem:$0x4E50] =	vst v1  }
0xd3: {  	v1 =	vld [tilespmem:s26+$0x27F0];
	_ =	sdelay $0x4  }
0xd4: {  	v1 =	vadd.s32 v0, v1  }
0xd5: {  	[tilespmem:$0x4E60] =	vst v1  }
0xd6: {  	[tilespmem:s18], [sflag:$0x1] =	stream.indirect.gather [hbm4b:s5+s16], $0x40, s17, s16, $0xb8;
	[tilespmem:$0x114C0] =	vst v63  }
0xd7: {  	s31 =	simm.s32 $0x50  }
0xd8: {  	[spmem:s2] =	stream.indirect.scatter.add.bf16 [tilespmem:s21], [sflag:$0x3], $0x40, s31, s16, $0xb8;
	[tilespmem:$0x114C0] =	vst v63  }
0xd9: {  	_ =	swait.ge [sflag:s12], $0x1400  }
0xda: {  	s26 =	simm.s32 $0x280;
	[sflag:s12] =	ssyncset.done $0x0  }
.LBB2_4:
0xdb: {  	p0 =	sne.s32 s26, $0x9880  }
0xdc: {  	[sflag:s12] =	ssyncadd.s32 $0xFFFFEC00;
	s28 =	smov.u32 s26;
	s26 =	sadd.s32 $0x280, s26  }
0xdd: {  	_ = 	snop  }
0xde: {  	_ =	swait.ge [sflag:s19], $0x1400  }
0xdf: {  	[sflag:s19] =	ssyncset.done $0x0  }
0xe0: {  	s28 =	sshra.s32 s28, $0x2;
	[sflag:s19] =	ssyncadd.s32 $0xFFFFEC00  }
0xe1: {  	v1 =	vld [tilespmem:s28+$0x2760];
	_ =	sdelay $0x4  }
0xe2: {  	v1 =	vadd.s32 v0, v1  }
0xe3: {  	[tilespmem:$0x4E70] =	vst v1  }
0xe4: {  	v1 =	vld [tilespmem:s28+$0x2770];
	_ =	sdelay $0x4  }
0xe5: {  	v1 =	vadd.s32 v0, v1  }
0xe6: {  	[tilespmem:$0x4E80] =	vst v1  }
0xe7: {  	v1 =	vld [tilespmem:s28+$0x2780];
	_ =	sdelay $0x4  }
0xe8: {  	v1 =	vadd.s32 v0, v1  }
0xe9: {  	[tilespmem:$0x4E90] =	vst v1  }
0xea: {  	v1 =	vld [tilespmem:s28+$0x2790];
	_ =	sdelay $0x4  }
0xeb: {  	v1 =	vadd.s32 v0, v1  }
0xec: {  	[tilespmem:$0x4EA0] =	vst v1  }
0xed: {  	v1 =	vld [tilespmem:s28+$0x27A0];
	_ =	sdelay $0x4  }
0xee: {  	v1 =	vadd.s32 v0, v1  }
0xef: {  	[tilespmem:$0x4EB0] =	vst v1  }
0xf0: {  	[tilespmem:s21], [sflag:$0x2] =	stream.indirect.gather [hbm4b:s5+s16], $0x40, s20, s16, $0xb8;
	[tilespmem:$0x114C0] =	vst v63  }
0xf1: {  	_ = 	snop  }
0xf2: {  	[spmem:s2] =	stream.indirect.scatter.add.bf16 [tilespmem:s18], [sflag:$0x3], $0x40, s28, s16, $0xb8;
	[tilespmem:$0x114C0] =	vst v63  }
0xf3: {  	_ =	swait.ge [sflag:s12], $0x1400  }
0xf4: {  	[sflag:s12] =	ssyncset.done $0x0  }
0xf5: {  	[sflag:s12] =	ssyncadd.s32 $0xFFFFEC00  }
0xf6: {  	_ =	swait.ge [sflag:s22], $0x1400  }
0xf7: {  	[sflag:s22] =	ssyncset.done $0x0  }
0xf8: {  	[sflag:s22] =	ssyncadd.s32 $0xFFFFEC00  }
0xf9: {  	v1 =	vld [tilespmem:s28+$0x27B0];
	_ =	sdelay $0x4  }
0xfa: {  	v1 =	vadd.s32 v0, v1  }
0xfb: {  	[tilespmem:$0x4E20] =	vst v1  }
0xfc: {  	v1 =	vld [tilespmem:s28+$0x27C0];
	_ =	sdelay $0x4  }
0xfd: {  	v1 =	vadd.s32 v0, v1  }
0xfe: {  	[tilespmem:$0x4E30] =	vst v1  }
0xff: {  	v1 =	vld [tilespmem:s28+$0x27D0];
	_ =	sdelay $0x4  }
0x100: {  	v1 =	vadd.s32 v0, v1  }
0x101: {  	[tilespmem:$0x4E40] =	vst v1  }
0x102: {  	v1 =	vld [tilespmem:s28+$0x27E0];
	_ =	sdelay $0x4  }
0x103: {  	v1 =	vadd.s32 v0, v1  }
0x104: {  	[tilespmem:$0x4E50] =	vst v1  }
0x105: {  	v1 =	vld [tilespmem:s28+$0x27F0];
	_ =	sdelay $0x4  }
0x106: {  	v1 =	vadd.s32 v0, v1  }
0x107: {  	[tilespmem:$0x4E60] =	vst v1  }
0x108: {  	[tilespmem:s18], [sflag:$0x1] =	stream.indirect.gather [hbm4b:s5+s16], $0x40, s17, s16, $0xb8;
	[tilespmem:$0x114C0] =	vst v63  }
.Ltmp1:
0x109: {  	_ = 	snop;
	(pc) =	sbr.rel @p0 .LBB2_4-.Ltmp1, $4  }
0x10a: {  	s28 =	sadd.s32 $0x50, s28  }
0x10b: {  	[spmem:s2] =	stream.indirect.scatter.add.bf16 [tilespmem:s21], [sflag:$0x3], $0x40, s28, s16, $0xb8;
	[tilespmem:$0x114C0] =	vst v63  }
0x10c: {  	_ =	swait.ge [sflag:s12], $0x1400  }
0x10d: {  	[sflag:s12] =	ssyncset.done $0x0  }
0x10e: {  	[sflag:s12] =	ssyncadd.s32 $0xFFFFEC00  }
0x10f: {  	_ =	swait.ge [sflag:s19], $0x1400  }
0x110: {  	[sflag:s19] =	ssyncset.done $0x0  }
0x111: {  	[sflag:s19] =	ssyncadd.s32 $0xFFFFEC00  }
0x112: {  	[spmem:s2] =	stream.indirect.scatter.add.bf16 [tilespmem:s18], [sflag:$0x3], $0x40, s24, s16, $0xb8;
	[tilespmem:$0x114C0] =	vst v63  }
0x113: {  	_ =	swait.ge [sflag:s12], $0x1400  }
0x114: {  	[sflag:s12] =	ssyncset.done $0x0  }
0x115: {  	s25 =	sadd.s32 $0x1, s25;
	[sflag:s12] =	ssyncadd.s32 $0xFFFFEC00  }
0x116: {  	p0 =	sne.s32 s25, s11;
	[bflag:$0x0] =	sbarrier.arrive $0xFFFF  }
0x117: {  	[hbm:s10], [sflag:s14] =	dma.local [spmem:s15], $0x13C0  }
.Ltmp2:
0x118: {  	_ =	swait.ge [sflag:s12], $0x13C0;
	(pc) =	sbr.rel @p0 .LBB2_1-.Ltmp2, $3  }
0x119: {  	[sflag:s12] =	ssyncset.done $0x0  }
0x11a: {  	[sflag:s12] =	ssyncadd.s32 $0xFFFFEC40  }
0x11b: {  	[bflag:$0x0] =	sbarrier.arrive $0xFFFF;
	_ =	sdelay $0x1  }
0x11c: {  	_ =	sfence.sel $0x180000  }
0x11d: {  	[bflag:$0x0] =	sbarrier.arrive $0xFFFF  }
0x11e: {  	p0 =	sne.s32 s0, $0x0;
	_ =	strace $0x9000004D  }
0x11f: {  	s0 =	sadd.s32 @!p0 $0x100000, s1;
	[bflag:$0x2] =	sbarrier.arrive $0xFFFF  }
0x120: {  	[sflag:s0] =	ssyncadd.tile.s32 @!p0 $0x1;
	_ =	shalt  }
.Lfunc_end2:
_tile_overlayer_lowered:
.L_overlay_start_2:
0x121: {  	(tag) =	ssettag $0x2  }
0x122: {  	s0 =	rddreg [dreg:$0x0];
	s2 =	stileid.u32  }
0x123: {  	s1 =	rddreg [dreg:$0x1];
	p0 =	sne.s32 s2, $0x0  }
0x124: {  	s3 =	rddreg [dreg:$0x2];
	[bflag:$0x3] =	sbarrier.arrive $0xFFFF;
	s2 =	simm.s32 @!p0 $0x1C03  }
0x125: {  	[timem:s3], [sflag:s2] =	dma.local @!p0 [hbm:s0], s1  }
0x126: {  	s0 =	simm.s32 @!p0 $0x3  }
0x127: {  	_ =	swait.ge @!p0 [sflag:s0], s1  }
0x128: {  	s1 =	ssub.s32 @!p0 $0x0, s1;
	[sflag:s0] =	ssyncset.done @!p0 $0x0  }
0x129: {  	[sflag:s0] =	ssyncadd.s32 @!p0 s1  }
0x12a: {  	[bflag:$0x3] =	sbarrier.arrive $0xFFFF  }
0x12b: {  	_ =	shalt  }

</sc_bundles>
